<compile_context>
chip_gen: v7x
topology: tpu7x:2x2x1
jax: 0.10.2.dev20260603
libtpu: 0.0.44.dev20260713+nightly
codegen_flags: <defaults>
</compile_context>

<pallas_src>
import functools

import jax
import jax.numpy as jnp
from jax import lax
from jax.experimental import pallas as pl
from jax.experimental.pallas import tpu as pltpu
from jax.experimental.pallas import tpu_sc as plsc

DIM = 256
LANES = 16
K32 = DIM // 32
HDIM = DIM // 2
NC, NS = 2, 16
NW = NC * NS
CHUNK = 128
F0, F1 = 54, 26



def _pack_bf16_pairs(x):
    h = x.shape[-1] // 2
    xb = lax.bitcast_convert_type(x, jnp.int32)
    r = xb + 0x7FFF + lax.bitwise_and(lax.shift_right_logical(xb, 16), 1)
    lo = lax.shift_right_logical(r[:, :h], 16)
    hi = lax.bitwise_and(r[:, h:], jnp.int32(-65536))
    return lax.bitwise_or(hi, lo)


def _tc_body(z_ref, ws_ref, wd_ref, bias_ref, a_ref, b_ref):
    zb = z_ref[...]
    af = (jnp.dot(zb, ws_ref[...], preferred_element_type=jnp.float32)
          + bias_ref[...])
    bf = jnp.dot(zb, wd_ref[...], preferred_element_type=jnp.float32)
    a_ref[...] = _pack_bf16_pairs(af)
    b_ref[...] = _pack_bf16_pairs(bf)


def _node_transform(z, W_src, W_dst, bias2d):
    n, d = z.shape
    blk = 1000
    assert n % blk == 0 and blk % 8 == 0
    grid = (n // blk,)
    return pl.pallas_call(
        _tc_body,
        grid=grid,
        in_specs=[
            pl.BlockSpec((blk, d), lambda i: (i, 0)),
            pl.BlockSpec((d, d), lambda i: (0, 0)),
            pl.BlockSpec((d, d), lambda i: (0, 0)),
            pl.BlockSpec((1, d), lambda i: (0, 0)),
        ],
        out_specs=[
            pl.BlockSpec((blk, d // 2), lambda i: (i, 0)),
            pl.BlockSpec((blk, d // 2), lambda i: (i, 0)),
        ],
        out_shape=[
            jax.ShapeDtypeStruct((n, d // 2), jnp.int32),
            jax.ShapeDtypeStruct((n, d // 2), jnp.int32),
        ],
    )(z, W_src, W_dst, bias2d)



@functools.lru_cache(maxsize=None)
def _make_edge_kernel(epad):
    assert epad == NS * (F0 + F1) * CHUNK
    max_edges_w = F0 * CHUNK
    mesh = plsc.VectorSubcoreMesh(core_axis_name="c", subcore_axis_name="s")

    @functools.partial(
        pl.kernel,
        out_type=[
            jax.ShapeDtypeStruct((epad,), jnp.float32),
            jax.ShapeDtypeStruct((epad,), jnp.float32),
        ],
        mesh=mesh,
        compiler_params=pltpu.CompilerParams(needs_layout_passes=False),
        scratch_types=[
            pltpu.VMEM((max_edges_w,), jnp.int32),
            pltpu.VMEM((max_edges_w,), jnp.int32),
            pltpu.VMEM((max_edges_w,), jnp.int32),
            pltpu.VMEM((2, CHUNK, HDIM), jnp.int32),
            pltpu.VMEM((2, CHUNK, HDIM), jnp.int32),
            pltpu.VMEM((2, CHUNK, HDIM), jnp.int32),
            pltpu.VMEM((CHUNK,), jnp.float32),
            pltpu.VMEM((CHUNK,), jnp.float32),
            pltpu.VMEM((DIM + LANES,), jnp.float32),
            pltpu.SemaphoreType.DMA,
            pltpu.SemaphoreType.DMA,
        ],
    )
    def edge_kernel(a_hbm, b_hbm, src_hbm, dst_hbm, neg_hbm, wtab_hbm,
                    pos_hbm, negout_hbm,
                    sidx, didx, nidx, a_rows, b_rows, c_rows,
                    outp, outn, wtab, sem0, sem1):
        c = lax.axis_index("c")
        s = lax.axis_index("s")
        my_chunks = jnp.where(c == 0, F0, F1)
        start_chunk = s * (F0 + F1) + c * F0
        ebase = start_chunk * CHUNK
        cp_w = pltpu.async_copy(wtab_hbm, wtab, sem0)
        cp_s = pltpu.async_copy(src_hbm.at[pl.ds(ebase, max_edges_w)], sidx, sem0)
        cp_d = pltpu.async_copy(dst_hbm.at[pl.ds(ebase, max_edges_w)], didx, sem0)
        cp_n = pltpu.async_copy(neg_hbm.at[pl.ds(ebase, max_edges_w)], nidx, sem0)
        cp_w.wait()
        cp_s.wait()
        cp_d.wait()
        cp_n.wait()

        def fire(par, ci, sem):
            off = ci * CHUNK
            pltpu.async_copy(
                a_hbm.at[sidx.at[pl.ds(off, CHUNK)]], a_rows.at[par], sem)
            pltpu.async_copy(
                b_hbm.at[didx.at[pl.ds(off, CHUNK)]], b_rows.at[par], sem)
            pltpu.async_copy(
                b_hbm.at[nidx.at[pl.ds(off, CHUNK)]], c_rows.at[par], sem)

        def drain(par, ci, sem):
            off = ci * CHUNK
            pltpu.make_async_copy(
                a_hbm.at[sidx.at[pl.ds(off, CHUNK)]], a_rows.at[par],
                sem).wait()
            pltpu.make_async_copy(
                b_hbm.at[didx.at[pl.ds(off, CHUNK)]], b_rows.at[par],
                sem).wait()
            pltpu.make_async_copy(
                b_hbm.at[nidx.at[pl.ds(off, CHUNK)]], c_rows.at[par],
                sem).wait()

        bvec = wtab[pl.ds(DIM, LANES)]
        lane = lax.iota(jnp.int32, LANES)

        def unpack(p):
            lo = plsc.bitcast(lax.shift_left(p, 16), jnp.float32)
            hi = plsc.bitcast(p, jnp.float32)
            return lo, hi

        def compute(par, ci):
            def group_body(g, c):
                def edge_body(ee, vec):
                    vecp, vecn = vec
                    e = g * LANES + ee
                    accp = bvec
                    accn = bvec
                    for k in range(K32):
                        alo, ahi = unpack(a_rows[par, e, pl.ds(k * LANES, LANES)])
                        blo, bhi = unpack(b_rows[par, e, pl.ds(k * LANES, LANES)])
                        clo, chi = unpack(c_rows[par, e, pl.ds(k * LANES, LANES)])
                        wlo = wtab[pl.ds(k * 32, LANES)]
                        whi = wtab[pl.ds(k * 32 + LANES, LANES)]
                        accp = (accp
                                + jnp.maximum(alo + blo, 0.0) * wlo
                                + jnp.maximum(ahi + bhi, 0.0) * whi)
                        accn = (accn
                                + jnp.maximum(alo + clo, 0.0) * wlo
                                + jnp.maximum(ahi + chi, 0.0) * whi)
                    sp = lax.reduce_sum(accp, axes=(0,))
                    sn = lax.reduce_sum(accn, axes=(0,))
                    m = lane == ee
                    return (jnp.where(m, sp, vecp), jnp.where(m, sn, vecn))

                vecp, vecn = lax.fori_loop(
                    0, LANES, edge_body,
                    (jnp.zeros((LANES,), jnp.float32),
                     jnp.zeros((LANES,), jnp.float32)))
                outp[pl.ds(g * LANES, LANES)] = vecp
                outn[pl.ds(g * LANES, LANES)] = vecn
                return c

            lax.fori_loop(0, CHUNK // LANES, group_body, 0)
            base = ebase + ci * CHUNK
            pltpu.sync_copy(outp, pos_hbm.at[pl.ds(base, CHUNK)])
            pltpu.sync_copy(outn, negout_hbm.at[pl.ds(base, CHUNK)])

        fire(0, 0, sem0)

        def pair_body(i2, carry):
            ca = 2 * i2
            fire(1, ca + 1, sem1)
            drain(0, ca, sem0)
            compute(0, ca)

            @pl.when(ca + 2 < my_chunks)
            def _():
                fire(0, ca + 2, sem0)

            drain(1, ca + 1, sem1)
            compute(1, ca + 1)
            return carry

        lax.fori_loop(0, my_chunks // 2, pair_body, 0)

    return edge_kernel


def kernel(z, src_mask, dst_mask, neg_mask, W_src, b_src, W_dst, b_dst,
           W_out, b_out):
    n, d = z.shape
    e = src_mask.shape[0]

    bias2d = (b_src + b_dst).reshape(1, d)
    A32, B32 = _node_transform(z, W_src, W_dst, bias2d)

    w_r = (W_out.reshape(-1).astype(jnp.float32)
           .reshape(2, K32, LANES).transpose(1, 0, 2).reshape(d))
    wtab = jnp.concatenate(
        [w_r, jnp.pad(b_out.reshape(-1)[:1].astype(jnp.float32),
                      (0, LANES - 1))])

    stride = NS * (F0 + F1) * CHUNK
    epad = ((e + stride - 1) // stride) * stride
    pad = epad - e + (F0 - F1) * CHUNK
    src_p = jnp.concatenate([src_mask.astype(jnp.int32), jnp.zeros((pad,), jnp.int32)])
    dst_p = jnp.concatenate([dst_mask.astype(jnp.int32), jnp.zeros((pad,), jnp.int32)])
    neg_p = jnp.concatenate([neg_mask.astype(jnp.int32), jnp.zeros((pad,), jnp.int32)])

    pos_flat, neg_flat = _make_edge_kernel(epad)(
        A32, B32, src_p, dst_p, neg_p, wtab)

    return (pos_flat[:e].reshape(e, 1), neg_flat[:e].reshape(e, 1))

# --- scband reference (transcript-rebuilt; emitter-appended) ---
"""Pipeline reference for scband-tgat-33603824123953 (READ-ONLY COPY).

The authoritative reference and input builder live on the scoring server;
editing this copy changes nothing except your own understanding.
"""

import jax, jax.numpy as jnp
import numpy as np

N_NODES = 10000
N_EDGES = 160000
DIM = 256

def setup_inputs(seed: int = 0) -> dict:
    key = jax.random.key(seed)
    ks = jax.random.split(key, 10)
    z = jax.random.normal(ks[0], (N_NODES, DIM), dtype=jnp.float32)
    src_mask = jax.random.randint(ks[1], (N_EDGES,), 0, N_NODES, dtype=jnp.int64 if jax.config.jax_enable_x64 else jnp.int32)
    dst_mask = jax.random.randint(ks[2], (N_EDGES,), 0, N_NODES, dtype=jnp.int64 if jax.config.jax_enable_x64 else jnp.int32)
    neg_mask = jax.random.randint(ks[3], (N_EDGES,), 0, N_NODES, dtype=jnp.int64 if jax.config.jax_enable_x64 else jnp.int32)
    # LinkPredictor parameters (nn.Linear style: y = x @ W.T + b; we store W already transposed)
    s = 1.0 / np.sqrt(DIM)
    W_src = jax.random.uniform(ks[4], (DIM, DIM), jnp.float32, -s, s)
    b_src = jax.random.uniform(ks[5], (DIM,), jnp.float32, -s, s)
    W_dst = jax.random.uniform(ks[6], (DIM, DIM), jnp.float32, -s, s)
    b_dst = jax.random.uniform(ks[7], (DIM,), jnp.float32, -s, s)
    W_out = jax.random.uniform(ks[8], (DIM, 1), jnp.float32, -s, s)
    b_out = jax.random.uniform(ks[9], (1,), jnp.float32, -s, s)
    return {"z": z, "src_mask": src_mask, "dst_mask": dst_mask, "neg_mask": neg_mask,
            "W_src": W_src, "b_src": b_src, "W_dst": W_dst, "b_dst": b_dst,
            "W_out": W_out, "b_out": b_out}

def reference(z, src_mask, dst_mask, neg_mask, W_src, b_src, W_dst, b_dst, W_out, b_out):
    # TGAT.forward (as given): gather node embeddings by masks, run LinkPredictor
    z_src = jnp.take(z, src_mask, axis=0)
    z_dst = jnp.take(z, dst_mask, axis=0)
    z_neg = jnp.take(z, neg_mask, axis=0)

    def link_pred(a, b):
        h = a @ W_src + b_src + (b @ W_dst + b_dst)
        h = jax.nn.relu(h)
        return h @ W_out + b_out

    pos_out = link_pred(z_src, z_dst)
    neg_out = link_pred(z_src, z_neg)
    return (pos_out, neg_out)

if __name__ == "__main__":
    import jax
    _d = setup_inputs()
    print(jax.jit(kernel)(*tuple(_d.values())))

</pallas_src>

<mosaic_0001>
#map = affine_map<(d0, d1) -> (0, 0)>
#map1 = affine_map<(d0, d1) -> (0)>
module attributes {stable_mosaic.version = 14 : i64} {
  func.func @edge_kernel(%arg0: i32, %arg1: i32, %arg2: memref<10000x128xi32, #tpu.memory_space<hbm>>, %arg3: memref<10000x128xi32, #tpu.memory_space<hbm>>, %arg4: memref<167424xi32, #tpu.memory_space<hbm>>, %arg5: memref<167424xi32, #tpu.memory_space<hbm>>, %arg6: memref<167424xi32, #tpu.memory_space<hbm>>, %arg7: memref<272xf32, #tpu.memory_space<hbm>>, %arg8: memref<163840xf32, #tpu.memory_space<hbm>>, %arg9: memref<163840xf32, #tpu.memory_space<hbm>>, %arg10: memref<6912xi32, #tpu.memory_space<vmem>>, %arg11: memref<6912xi32, #tpu.memory_space<vmem>>, %arg12: memref<6912xi32, #tpu.memory_space<vmem>>, %arg13: memref<2x128x128xi32, #tpu.memory_space<vmem>>, %arg14: memref<2x128x128xi32, #tpu.memory_space<vmem>>, %arg15: memref<2x128x128xi32, #tpu.memory_space<vmem>>, %arg16: memref<128xf32, #tpu.memory_space<vmem>>, %arg17: memref<128xf32, #tpu.memory_space<vmem>>, %arg18: memref<272xf32, #tpu.memory_space<vmem>>, %arg19: memref<!tpu.dma_semaphore, #tpu.memory_space<semaphore_mem>>, %arg20: memref<!tpu.dma_semaphore, #tpu.memory_space<semaphore_mem>>) attributes {dimension_semantics = [#tpu.dimension_semantics<core_parallel>, #tpu.dimension_semantics<subcore_parallel>], iteration_bounds = array<i64: 2, 16>, scalar_prefetch = 0 : i64, scratch_operands = 11 : i64, tpu.core_type = #tpu.core_type<sc_vector_subcore>, window_params = [{transform_indices = #map}, {transform_indices = #map}, {transform_indices = #map1}, {transform_indices = #map1}, {transform_indices = #map1}, {transform_indices = #map1}, {transform_indices = #map1}, {transform_indices = #map1}]} {
    %eq3A = arith.constant 0 : i32
    %eq3A_0 = arith.cmpi eq, %arg0, %eq3A : i32
    %jit3A = arith.constant 54 : i32
    %jit3A_1 = arith.constant 26 : i32
    %select_n3A = arith.select %eq3A_0, %jit3A, %jit3A_1 : i32
    %mul3A = arith.constant 80 : i32
    %mul3A_2 = arith.muli %arg1, %mul3A : i32
    %mul3A_3 = arith.constant 54 : i32
    %mul3A_4 = arith.muli %arg0, %mul3A_3 : i32
    %add3A = arith.addi %mul3A_2, %mul3A_4 : i32
    %mul3A_5 = arith.constant 128 : i32
    %mul3A_6 = arith.muli %add3A, %mul3A_5 : i32
    tpu.enqueue_dma source(%arg7 : memref<272xf32, #tpu.memory_space<hbm>>) target(%arg18 : memref<272xf32, #tpu.memory_space<vmem>>) target_semaphore(%arg19 : memref<!tpu.dma_semaphore, #tpu.memory_space<semaphore_mem>>)
    %dma_start3A = tpu.memref_slice %arg4[%mul3A_6] : memref<167424xi32, #tpu.memory_space<hbm>> -> memref<6912xi32, #tpu.memory_space<hbm>>
    %dma_start3A_7 = tpu.memref_slice %arg4[%mul3A_6] : memref<167424xi32, #tpu.memory_space<hbm>> -> memref<6912xi32, #tpu.memory_space<hbm>>
    tpu.enqueue_dma source(%dma_start3A_7 : memref<6912xi32, #tpu.memory_space<hbm>>) target(%arg10 : memref<6912xi32, #tpu.memory_space<vmem>>) target_semaphore(%arg19 : memref<!tpu.dma_semaphore, #tpu.memory_space<semaphore_mem>>)
    %dma_start3A_8 = tpu.memref_slice %arg5[%mul3A_6] : memref<167424xi32, #tpu.memory_space<hbm>> -> memref<6912xi32, #tpu.memory_space<hbm>>
    %dma_start3A_9 = tpu.memref_slice %arg5[%mul3A_6] : memref<167424xi32, #tpu.memory_space<hbm>> -> memref<6912xi32, #tpu.memory_space<hbm>>
    tpu.enqueue_dma source(%dma_start3A_9 : memref<6912xi32, #tpu.memory_space<hbm>>) target(%arg11 : memref<6912xi32, #tpu.memory_space<vmem>>) target_semaphore(%arg19 : memref<!tpu.dma_semaphore, #tpu.memory_space<semaphore_mem>>)
    %dma_start3A_10 = tpu.memref_slice %arg6[%mul3A_6] : memref<167424xi32, #tpu.memory_space<hbm>> -> memref<6912xi32, #tpu.memory_space<hbm>>
    %dma_start3A_11 = tpu.memref_slice %arg6[%mul3A_6] : memref<167424xi32, #tpu.memory_space<hbm>> -> memref<6912xi32, #tpu.memory_space<hbm>>
    tpu.enqueue_dma source(%dma_start3A_11 : memref<6912xi32, #tpu.memory_space<hbm>>) target(%arg12 : memref<6912xi32, #tpu.memory_space<vmem>>) target_semaphore(%arg19 : memref<!tpu.dma_semaphore, #tpu.memory_space<semaphore_mem>>)
    tpu.wait_dma2 semaphore(%arg19 : memref<!tpu.dma_semaphore, #tpu.memory_space<semaphore_mem>>) src(%arg7 : memref<272xf32, #tpu.memory_space<hbm>>) dst(%arg18 : memref<272xf32, #tpu.memory_space<vmem>>)
    %dma_wait3A = tpu.memref_slice %arg4[%mul3A_6] : memref<167424xi32, #tpu.memory_space<hbm>> -> memref<6912xi32, #tpu.memory_space<hbm>>
    %dma_wait3A_12 = tpu.memref_slice %arg4[%mul3A_6] : memref<167424xi32, #tpu.memory_space<hbm>> -> memref<6912xi32, #tpu.memory_space<hbm>>
    tpu.wait_dma2 semaphore(%arg19 : memref<!tpu.dma_semaphore, #tpu.memory_space<semaphore_mem>>) src(%dma_wait3A_12 : memref<6912xi32, #tpu.memory_space<hbm>>) dst(%arg10 : memref<6912xi32, #tpu.memory_space<vmem>>)
    %dma_wait3A_13 = tpu.memref_slice %arg5[%mul3A_6] : memref<167424xi32, #tpu.memory_space<hbm>> -> memref<6912xi32, #tpu.memory_space<hbm>>
    %dma_wait3A_14 = tpu.memref_slice %arg5[%mul3A_6] : memref<167424xi32, #tpu.memory_space<hbm>> -> memref<6912xi32, #tpu.memory_space<hbm>>
    tpu.wait_dma2 semaphore(%arg19 : memref<!tpu.dma_semaphore, #tpu.memory_space<semaphore_mem>>) src(%dma_wait3A_14 : memref<6912xi32, #tpu.memory_space<hbm>>) dst(%arg11 : memref<6912xi32, #tpu.memory_space<vmem>>)
    %dma_wait3A_15 = tpu.memref_slice %arg6[%mul3A_6] : memref<167424xi32, #tpu.memory_space<hbm>> -> memref<6912xi32, #tpu.memory_space<hbm>>
    %dma_wait3A_16 = tpu.memref_slice %arg6[%mul3A_6] : memref<167424xi32, #tpu.memory_space<hbm>> -> memref<6912xi32, #tpu.memory_space<hbm>>
    tpu.wait_dma2 semaphore(%arg19 : memref<!tpu.dma_semaphore, #tpu.memory_space<semaphore_mem>>) src(%dma_wait3A_16 : memref<6912xi32, #tpu.memory_space<hbm>>) dst(%arg12 : memref<6912xi32, #tpu.memory_space<vmem>>)
    %get3A = arith.constant 256 : index
    %get3A_17 = tpu.vector_load %arg18[%get3A] {strides = array<i32>} : memref<272xf32, #tpu.memory_space<vmem>>, vector<16xf32>,
    %iota3A = tpu.iota {dimensions = array<i32: 0>} : vector<16xi32>
    %dma_start3A_18 = arith.constant 0 : i32
    %dma_start3A_19 = arith.constant 0 : i32
    %dma_start3A_20 = arith.constant 0 : i32
    %dma_start3A_21 = tpu.memref_slice %arg13[%dma_start3A_18, %dma_start3A_19, %dma_start3A_20] : memref<2x128x128xi32, #tpu.memory_space<vmem>> -> memref<1x128x128xi32, #tpu.memory_space<vmem>>
    %dma_start3A_22 = tpu.memref_squeeze %dma_start3A_21 : memref<1x128x128xi32, #tpu.memory_space<vmem>> -> memref<128x128xi32, #tpu.memory_space<vmem>>
    %dma_start3A_23 = arith.constant 0 : i32
    %dma_start3A_24 = tpu.memref_slice %arg10[%dma_start3A_23] : memref<6912xi32, #tpu.memory_space<vmem>> -> memref<128xi32, #tpu.memory_space<vmem>>
    %dma_start3A_25 = arith.constant 0 : i32
    %dma_start3A_26 = arith.constant 0 : i32
    %dma_start3A_27 = tpu.memref_slice %arg2[%dma_start3A_25, %dma_start3A_26] : memref<10000x128xi32, #tpu.memory_space<hbm>> -> memref<10000x128xi32, #tpu.memory_space<hbm>>
    tpu.enqueue_indirect_dma source(%dma_start3A_27 : memref<10000x128xi32, #tpu.memory_space<hbm>>) target(%dma_start3A_22 : memref<128x128xi32, #tpu.memory_space<vmem>>) offsets(%dma_start3A_24 : memref<128xi32, #tpu.memory_space<vmem>>) semaphore(%arg19 : memref<!tpu.dma_semaphore, #tpu.memory_space<semaphore_mem>>)
    %dma_start3A_28 = arith.constant 0 : i32
    %dma_start3A_29 = arith.constant 0 : i32
    %dma_start3A_30 = arith.constant 0 : i32
    %dma_start3A_31 = tpu.memref_slice %arg14[%dma_start3A_28, %dma_start3A_29, %dma_start3A_30] : memref<2x128x128xi32, #tpu.memory_space<vmem>> -> memref<1x128x128xi32, #tpu.memory_space<vmem>>
    %dma_start3A_32 = tpu.memref_squeeze %dma_start3A_31 : memref<1x128x128xi32, #tpu.memory_space<vmem>> -> memref<128x128xi32, #tpu.memory_space<vmem>>
    %dma_start3A_33 = arith.constant 0 : i32
    %dma_start3A_34 = tpu.memref_slice %arg11[%dma_start3A_33] : memref<6912xi32, #tpu.memory_space<vmem>> -> memref<128xi32, #tpu.memory_space<vmem>>
    %dma_start3A_35 = arith.constant 0 : i32
    %dma_start3A_36 = arith.constant 0 : i32
    %dma_start3A_37 = tpu.memref_slice %arg3[%dma_start3A_35, %dma_start3A_36] : memref<10000x128xi32, #tpu.memory_space<hbm>> -> memref<10000x128xi32, #tpu.memory_space<hbm>>
    tpu.enqueue_indirect_dma source(%dma_start3A_37 : memref<10000x128xi32, #tpu.memory_space<hbm>>) target(%dma_start3A_32 : memref<128x128xi32, #tpu.memory_space<vmem>>) offsets(%dma_start3A_34 : memref<128xi32, #tpu.memory_space<vmem>>) semaphore(%arg19 : memref<!tpu.dma_semaphore, #tpu.memory_space<semaphore_mem>>)
    %dma_start3A_38 = arith.constant 0 : i32
    %dma_start3A_39 = arith.constant 0 : i32
    %dma_start3A_40 = arith.constant 0 : i32
    %dma_start3A_41 = tpu.memref_slice %arg15[%dma_start3A_38, %dma_start3A_39, %dma_start3A_40] : memref<2x128x128xi32, #tpu.memory_space<vmem>> -> memref<1x128x128xi32, #tpu.memory_space<vmem>>
    %dma_start3A_42 = tpu.memref_squeeze %dma_start3A_41 : memref<1x128x128xi32, #tpu.memory_space<vmem>> -> memref<128x128xi32, #tpu.memory_space<vmem>>
    %dma_start3A_43 = arith.constant 0 : i32
    %dma_start3A_44 = tpu.memref_slice %arg12[%dma_start3A_43] : memref<6912xi32, #tpu.memory_space<vmem>> -> memref<128xi32, #tpu.memory_space<vmem>>
    %dma_start3A_45 = arith.constant 0 : i32
    %dma_start3A_46 = arith.constant 0 : i32
    %dma_start3A_47 = tpu.memref_slice %arg3[%dma_start3A_45, %dma_start3A_46] : memref<10000x128xi32, #tpu.memory_space<hbm>> -> memref<10000x128xi32, #tpu.memory_space<hbm>>
    tpu.enqueue_indirect_dma source(%dma_start3A_47 : memref<10000x128xi32, #tpu.memory_space<hbm>>) target(%dma_start3A_42 : memref<128x128xi32, #tpu.memory_space<vmem>>) offsets(%dma_start3A_44 : memref<128xi32, #tpu.memory_space<vmem>>) semaphore(%arg19 : memref<!tpu.dma_semaphore, #tpu.memory_space<semaphore_mem>>)
    %jit3A_48 = arith.constant 2 : i32
    %div3A = arith.divsi %select_n3A, %jit3A_48 : i32
    %sign3A = arith.constant 0 : i32
    %sign3A_49 = arith.cmpi sgt, %select_n3A, %sign3A : i32
    %sign3A_50 = arith.extui %sign3A_49 : i1 to i32
    %sign3A_51 = arith.constant 0 : i32
    %sign3A_52 = arith.cmpi slt, %select_n3A, %sign3A_51 : i32
    %sign3A_53 = arith.extui %sign3A_52 : i1 to i32
    %sign3A_54 = arith.subi %sign3A_50, %sign3A_53 : i32
    %sign3A_55 = arith.constant 0 : i32
    %sign3A_56 = arith.cmpi sgt, %jit3A_48, %sign3A_55 : i32
    %sign3A_57 = arith.extui %sign3A_56 : i1 to i32
    %sign3A_58 = arith.constant 0 : i32
    %sign3A_59 = arith.cmpi slt, %jit3A_48, %sign3A_58 : i32
    %sign3A_60 = arith.extui %sign3A_59 : i1 to i32
    %sign3A_61 = arith.subi %sign3A_57, %sign3A_60 : i32
    %ne3A = arith.cmpi ne, %sign3A_54, %sign3A_61 : i32
    %rem3A = arith.remsi %select_n3A, %jit3A_48 : i32
    %ne3A_62 = arith.constant 0 : i32
    %ne3A_63 = arith.cmpi ne, %rem3A, %ne3A_62 : i32
    %and3A = arith.andi %ne3A, %ne3A_63 : i1
    %sub3A = arith.constant 1 : i32
    %sub3A_64 = arith.subi %div3A, %sub3A : i32
    %select_n3A_65 = arith.select %and3A, %sub3A_64, %div3A : i32
    %while3A = arith.constant 0 : i32
    %while3A_66 = arith.constant 0 : i32
    %while3A_67 = arith.subi %select_n3A_65, %while3A_66 : i32
    %while3A_68 = arith.addi %while3A_66, %while3A_67 : i32
    %while3A_69 = arith.constant 1 : i32
    %while3A_70 = arith.divsi %while3A_67, %while3A_69 : i32
    %while3A_71 = arith.muli %while3A_70, %while3A_69 : i32
    %while3A_72 = arith.addi %while3A_66, %while3A_71 : i32
    %while3A_73 = arith.constant 1 : i32
    scf.for %while3A_75 = %while3A_66 to %while3A_72 step %while3A_73  : i32 {
      %mul3A_76 = arith.constant 2 : i32
      %mul3A_77 = arith.muli %mul3A_76, %while3A_75 : i32
      %add3A_78 = arith.constant 1 : i32
      %add3A_79 = arith.addi %mul3A_77, %add3A_78 : i32
      %mul3A_80 = arith.constant 128 : i32
      %mul3A_81 = arith.muli %add3A_79, %mul3A_80 : i32
      %dma_start3A_82 = arith.constant 1 : i32
      %dma_start3A_83 = arith.constant 0 : i32
      %dma_start3A_84 = arith.constant 0 : i32
      %dma_start3A_85 = tpu.memref_slice %arg13[%dma_start3A_82, %dma_start3A_83, %dma_start3A_84] : memref<2x128x128xi32, #tpu.memory_space<vmem>> -> memref<1x128x128xi32, #tpu.memory_space<vmem>>
      %dma_start3A_86 = tpu.memref_squeeze %dma_start3A_85 : memref<1x128x128xi32, #tpu.memory_space<vmem>> -> memref<128x128xi32, #tpu.memory_space<vmem>>
      %dma_start3A_87 = tpu.memref_slice %arg10[%mul3A_81] : memref<6912xi32, #tpu.memory_space<vmem>> -> memref<128xi32, #tpu.memory_space<vmem>>
      %dma_start3A_88 = arith.constant 0 : i32
      %dma_start3A_89 = arith.constant 0 : i32
      %dma_start3A_90 = tpu.memref_slice %arg2[%dma_start3A_88, %dma_start3A_89] : memref<10000x128xi32, #tpu.memory_space<hbm>> -> memref<10000x128xi32, #tpu.memory_space<hbm>>
      tpu.enqueue_indirect_dma source(%dma_start3A_90 : memref<10000x128xi32, #tpu.memory_space<hbm>>) target(%dma_start3A_86 : memref<128x128xi32, #tpu.memory_space<vmem>>) offsets(%dma_start3A_87 : memref<128xi32, #tpu.memory_space<vmem>>) semaphore(%arg20 : memref<!tpu.dma_semaphore, #tpu.memory_space<semaphore_mem>>)
      %dma_start3A_91 = arith.constant 1 : i32
      %dma_start3A_92 = arith.constant 0 : i32
      %dma_start3A_93 = arith.constant 0 : i32
      %dma_start3A_94 = tpu.memref_slice %arg14[%dma_start3A_91, %dma_start3A_92, %dma_start3A_93] : memref<2x128x128xi32, #tpu.memory_space<vmem>> -> memref<1x128x128xi32, #tpu.memory_space<vmem>>
      %dma_start3A_95 = tpu.memref_squeeze %dma_start3A_94 : memref<1x128x128xi32, #tpu.memory_space<vmem>> -> memref<128x128xi32, #tpu.memory_space<vmem>>
      %dma_start3A_96 = tpu.memref_slice %arg11[%mul3A_81] : memref<6912xi32, #tpu.memory_space<vmem>> -> memref<128xi32, #tpu.memory_space<vmem>>
      %dma_start3A_97 = arith.constant 0 : i32
      %dma_start3A_98 = arith.constant 0 : i32
      %dma_start3A_99 = tpu.memref_slice %arg3[%dma_start3A_97, %dma_start3A_98] : memref<10000x128xi32, #tpu.memory_space<hbm>> -> memref<10000x128xi32, #tpu.memory_space<hbm>>
      tpu.enqueue_indirect_dma source(%dma_start3A_99 : memref<10000x128xi32, #tpu.memory_space<hbm>>) target(%dma_start3A_95 : memref<128x128xi32, #tpu.memory_space<vmem>>) offsets(%dma_start3A_96 : memref<128xi32, #tpu.memory_space<vmem>>) semaphore(%arg20 : memref<!tpu.dma_semaphore, #tpu.memory_space<semaphore_mem>>)
      %dma_start3A_100 = arith.constant 1 : i32
      %dma_start3A_101 = arith.constant 0 : i32
      %dma_start3A_102 = arith.constant 0 : i32
      %dma_start3A_103 = tpu.memref_slice %arg15[%dma_start3A_100, %dma_start3A_101, %dma_start3A_102] : memref<2x128x128xi32, #tpu.memory_space<vmem>> -> memref<1x128x128xi32, #tpu.memory_space<vmem>>
      %dma_start3A_104 = tpu.memref_squeeze %dma_start3A_103 : memref<1x128x128xi32, #tpu.memory_space<vmem>> -> memref<128x128xi32, #tpu.memory_space<vmem>>
      %dma_start3A_105 = tpu.memref_slice %arg12[%mul3A_81] : memref<6912xi32, #tpu.memory_space<vmem>> -> memref<128xi32, #tpu.memory_space<vmem>>
      %dma_start3A_106 = arith.constant 0 : i32
      %dma_start3A_107 = arith.constant 0 : i32
      %dma_start3A_108 = tpu.memref_slice %arg3[%dma_start3A_106, %dma_start3A_107] : memref<10000x128xi32, #tpu.memory_space<hbm>> -> memref<10000x128xi32, #tpu.memory_space<hbm>>
      tpu.enqueue_indirect_dma source(%dma_start3A_108 : memref<10000x128xi32, #tpu.memory_space<hbm>>) target(%dma_start3A_104 : memref<128x128xi32, #tpu.memory_space<vmem>>) offsets(%dma_start3A_105 : memref<128xi32, #tpu.memory_space<vmem>>) semaphore(%arg20 : memref<!tpu.dma_semaphore, #tpu.memory_space<semaphore_mem>>)
      %mul3A_109 = arith.constant 128 : i32
      %mul3A_110 = arith.muli %mul3A_77, %mul3A_109 : i32
      %dma_wait3A_111 = arith.constant 0 : i32
      %dma_wait3A_112 = arith.constant 0 : i32
      %dma_wait3A_113 = arith.constant 0 : i32
      %dma_wait3A_114 = tpu.memref_slice %arg13[%dma_wait3A_111, %dma_wait3A_112, %dma_wait3A_113] : memref<2x128x128xi32, #tpu.memory_space<vmem>> -> memref<1x128x128xi32, #tpu.memory_space<vmem>>
      %dma_wait3A_115 = tpu.memref_squeeze %dma_wait3A_114 : memref<1x128x128xi32, #tpu.memory_space<vmem>> -> memref<128x128xi32, #tpu.memory_space<vmem>>
      %dma_wait3A_116 = tpu.memref_slice %arg10[%mul3A_110] : memref<6912xi32, #tpu.memory_space<vmem>> -> memref<128xi32, #tpu.memory_space<vmem>>
      %dma_wait3A_117 = arith.constant 0 : i32
      %dma_wait3A_118 = arith.constant 0 : i32
      %dma_wait3A_119 = tpu.memref_slice %arg2[%dma_wait3A_117, %dma_wait3A_118] : memref<10000x128xi32, #tpu.memory_space<hbm>> -> memref<10000x128xi32, #tpu.memory_space<hbm>>
      tpu.wait_indirect_dma semaphore(%arg19 : memref<!tpu.dma_semaphore, #tpu.memory_space<semaphore_mem>>) src(%dma_wait3A_119 : memref<10000x128xi32, #tpu.memory_space<hbm>>) dst(%dma_wait3A_115 : memref<128x128xi32, #tpu.memory_space<vmem>>)
      %dma_wait3A_120 = arith.constant 0 : i32
      %dma_wait3A_121 = arith.constant 0 : i32
      %dma_wait3A_122 = arith.constant 0 : i32
      %dma_wait3A_123 = tpu.memref_slice %arg14[%dma_wait3A_120, %dma_wait3A_121, %dma_wait3A_122] : memref<2x128x128xi32, #tpu.memory_space<vmem>> -> memref<1x128x128xi32, #tpu.memory_space<vmem>>
      %dma_wait3A_124 = tpu.memref_squeeze %dma_wait3A_123 : memref<1x128x128xi32, #tpu.memory_space<vmem>> -> memref<128x128xi32, #tpu.memory_space<vmem>>
      %dma_wait3A_125 = tpu.memref_slice %arg11[%mul3A_110] : memref<6912xi32, #tpu.memory_space<vmem>> -> memref<128xi32, #tpu.memory_space<vmem>>
      %dma_wait3A_126 = arith.constant 0 : i32
      %dma_wait3A_127 = arith.constant 0 : i32
      %dma_wait3A_128 = tpu.memref_slice %arg3[%dma_wait3A_126, %dma_wait3A_127] : memref<10000x128xi32, #tpu.memory_space<hbm>> -> memref<10000x128xi32, #tpu.memory_space<hbm>>
      tpu.wait_indirect_dma semaphore(%arg19 : memref<!tpu.dma_semaphore, #tpu.memory_space<semaphore_mem>>) src(%dma_wait3A_128 : memref<10000x128xi32, #tpu.memory_space<hbm>>) dst(%dma_wait3A_124 : memref<128x128xi32, #tpu.memory_space<vmem>>)
      %dma_wait3A_129 = arith.constant 0 : i32
      %dma_wait3A_130 = arith.constant 0 : i32
      %dma_wait3A_131 = arith.constant 0 : i32
      %dma_wait3A_132 = tpu.memref_slice %arg15[%dma_wait3A_129, %dma_wait3A_130, %dma_wait3A_131] : memref<2x128x128xi32, #tpu.memory_space<vmem>> -> memref<1x128x128xi32, #tpu.memory_space<vmem>>
      %dma_wait3A_133 = tpu.memref_squeeze %dma_wait3A_132 : memref<1x128x128xi32, #tpu.memory_space<vmem>> -> memref<128x128xi32, #tpu.memory_space<vmem>>
      %dma_wait3A_134 = tpu.memref_slice %arg12[%mul3A_110] : memref<6912xi32, #tpu.memory_space<vmem>> -> memref<128xi32, #tpu.memory_space<vmem>>
      %dma_wait3A_135 = arith.constant 0 : i32
      %dma_wait3A_136 = arith.constant 0 : i32
      %dma_wait3A_137 = tpu.memref_slice %arg3[%dma_wait3A_135, %dma_wait3A_136] : memref<10000x128xi32, #tpu.memory_space<hbm>> -> memref<10000x128xi32, #tpu.memory_space<hbm>>
      tpu.wait_indirect_dma semaphore(%arg19 : memref<!tpu.dma_semaphore, #tpu.memory_space<semaphore_mem>>) src(%dma_wait3A_137 : memref<10000x128xi32, #tpu.memory_space<hbm>>) dst(%dma_wait3A_133 : memref<128x128xi32, #tpu.memory_space<vmem>>)
      %scan3A = arith.constant 0 : i32
      %scan3A_138 = arith.constant 0 : i32
      %scan3A_139 = arith.constant 8 : i32
      %scan3A_140 = arith.addi %scan3A_138, %scan3A_139 : i32
      %scan3A_141 = arith.constant 1 : i32
      scf.for %scan3A_191 = %scan3A_138 to %scan3A_140 step %scan3A_141  : i32 {
        %broadcast_in_dim3A = arith.constant 0.000000e+00 : f32
        %broadcast_in_dim3A_192 = vector.broadcast %broadcast_in_dim3A : f32 to vector<16xf32>
        %broadcast_in_dim3A_193 = arith.constant 0.000000e+00 : f32
        %broadcast_in_dim3A_194 = vector.broadcast %broadcast_in_dim3A_193 : f32 to vector<16xf32>
        %scan3A_195 = arith.constant 0 : i32
        %scan3A_196 = arith.constant 16 : i32
        %scan3A_197 = arith.addi %scan3A_195, %scan3A_196 : i32
        %scan3A_198 = arith.constant 1 : i32
        %scan3A_199:2 = scf.for %scan3A_208 = %scan3A_195 to %scan3A_197 step %scan3A_198 iter_args(%scan3A_209 = %broadcast_in_dim3A_192, %scan3A_210 = %broadcast_in_dim3A_194) -> (vector<16xf32>, vector<16xf32>)  : i32 {
          %mul3A_211 = arith.constant 16 : i32
          %mul3A_212 = arith.muli %scan3A_191, %mul3A_211 : i32
          %add3A_213 = arith.addi %mul3A_212, %scan3A_208 : i32
          %get3A_214 = arith.constant 0 : i32
          %get3A_215 = arith.index_cast %get3A_214 : i32 to index
          %get3A_216 = arith.index_cast %add3A_213 : i32 to index
          %get3A_217 = arith.constant 0 : index
          %get3A_218 = tpu.vector_load %arg13[%get3A_215, %get3A_216, %get3A_217] {strides = array<i32>} : memref<2x128x128xi32, #tpu.memory_space<vmem>>, vector<16xi32>,
          %shift_left3A = arith.constant 16 : i32
          %shift_left3A_219 = vector.broadcast %shift_left3A : i32 to vector<16xi32>
          %shift_left3A_220 = arith.shli %get3A_218, %shift_left3A_219 : vector<16xi32>
          %bitcast3A = vector.bitcast %shift_left3A_220 : vector<16xi32> to vector<16xf32>
          %bitcast3A_221 = vector.bitcast %get3A_218 : vector<16xi32> to vector<16xf32>
          %get3A_222 = arith.constant 0 : i32
          %get3A_223 = arith.index_cast %get3A_222 : i32 to index
          %get3A_224 = arith.index_cast %add3A_213 : i32 to index
          %get3A_225 = arith.constant 0 : index
          %get3A_226 = tpu.vector_load %arg14[%get3A_223, %get3A_224, %get3A_225] {strides = array<i32>} : memref<2x128x128xi32, #tpu.memory_space<vmem>>, vector<16xi32>,
          %shift_left3A_227 = arith.constant 16 : i32
          %shift_left3A_228 = vector.broadcast %shift_left3A_227 : i32 to vector<16xi32>
          %shift_left3A_229 = arith.shli %get3A_226, %shift_left3A_228 : vector<16xi32>
          %bitcast3A_230 = vector.bitcast %shift_left3A_229 : vector<16xi32> to vector<16xf32>
          %bitcast3A_231 = vector.bitcast %get3A_226 : vector<16xi32> to vector<16xf32>
          %get3A_232 = arith.constant 0 : i32
          %get3A_233 = arith.index_cast %get3A_232 : i32 to index
          %get3A_234 = arith.index_cast %add3A_213 : i32 to index
          %get3A_235 = arith.constant 0 : index
          %get3A_236 = tpu.vector_load %arg15[%get3A_233, %get3A_234, %get3A_235] {strides = array<i32>} : memref<2x128x128xi32, #tpu.memory_space<vmem>>, vector<16xi32>,
          %shift_left3A_237 = arith.constant 16 : i32
          %shift_left3A_238 = vector.broadcast %shift_left3A_237 : i32 to vector<16xi32>
          %shift_left3A_239 = arith.shli %get3A_236, %shift_left3A_238 : vector<16xi32>
          %bitcast3A_240 = vector.bitcast %shift_left3A_239 : vector<16xi32> to vector<16xf32>
          %bitcast3A_241 = vector.bitcast %get3A_236 : vector<16xi32> to vector<16xf32>
          %get3A_242 = arith.constant 0 : index
          %get3A_243 = tpu.vector_load %arg18[%get3A_242] {strides = array<i32>} : memref<272xf32, #tpu.memory_space<vmem>>, vector<16xf32>,
          %get3A_244 = arith.constant 16 : index
          %get3A_245 = tpu.vector_load %arg18[%get3A_244] {strides = array<i32>} : memref<272xf32, #tpu.memory_space<vmem>>, vector<16xf32>,
          %add3A_246 = arith.addf %bitcast3A, %bitcast3A_230 : vector<16xf32>
          %max3A = arith.constant 0.000000e+00 : f32
          %max3A_247 = vector.broadcast %max3A : f32 to vector<16xf32>
          %max3A_248 = arith.maximumf %add3A_246, %max3A_247 : vector<16xf32>
          %mul3A_249 = arith.mulf %max3A_248, %get3A_243 : vector<16xf32>
          %add3A_250 = arith.addf %get3A_17, %mul3A_249 : vector<16xf32>
          %add3A_251 = arith.addf %bitcast3A_221, %bitcast3A_231 : vector<16xf32>
          %max3A_252 = arith.constant 0.000000e+00 : f32
          %max3A_253 = vector.broadcast %max3A_252 : f32 to vector<16xf32>
          %max3A_254 = arith.maximumf %add3A_251, %max3A_253 : vector<16xf32>
          %mul3A_255 = arith.mulf %max3A_254, %get3A_245 : vector<16xf32>
          %add3A_256 = arith.addf %add3A_250, %mul3A_255 : vector<16xf32>
          %add3A_257 = arith.addf %bitcast3A, %bitcast3A_240 : vector<16xf32>
          %max3A_258 = arith.constant 0.000000e+00 : f32
          %max3A_259 = vector.broadcast %max3A_258 : f32 to vector<16xf32>
          %max3A_260 = arith.maximumf %add3A_257, %max3A_259 : vector<16xf32>
          %mul3A_261 = arith.mulf %max3A_260, %get3A_243 : vector<16xf32>
          %add3A_262 = arith.addf %get3A_17, %mul3A_261 : vector<16xf32>
          %add3A_263 = arith.addf %bitcast3A_221, %bitcast3A_241 : vector<16xf32>
          %max3A_264 = arith.constant 0.000000e+00 : f32
          %max3A_265 = vector.broadcast %max3A_264 : f32 to vector<16xf32>
          %max3A_266 = arith.maximumf %add3A_263, %max3A_265 : vector<16xf32>
          %mul3A_267 = arith.mulf %max3A_266, %get3A_245 : vector<16xf32>
          %add3A_268 = arith.addf %add3A_262, %mul3A_267 : vector<16xf32>
          %get3A_269 = arith.constant 0 : i32
          %get3A_270 = arith.index_cast %get3A_269 : i32 to index
          %get3A_271 = arith.index_cast %add3A_213 : i32 to index
          %get3A_272 = arith.constant 16 : index
          %get3A_273 = tpu.vector_load %arg13[%get3A_270, %get3A_271, %get3A_272] {strides = array<i32>} : memref<2x128x128xi32, #tpu.memory_space<vmem>>, vector<16xi32>,
          %shift_left3A_274 = arith.constant 16 : i32
          %shift_left3A_275 = vector.broadcast %shift_left3A_274 : i32 to vector<16xi32>
          %shift_left3A_276 = arith.shli %get3A_273, %shift_left3A_275 : vector<16xi32>
          %bitcast3A_277 = vector.bitcast %shift_left3A_276 : vector<16xi32> to vector<16xf32>
          %bitcast3A_278 = vector.bitcast %get3A_273 : vector<16xi32> to vector<16xf32>
          %get3A_279 = arith.constant 0 : i32
          %get3A_280 = arith.index_cast %get3A_279 : i32 to index
          %get3A_281 = arith.index_cast %add3A_213 : i32 to index
          %get3A_282 = arith.constant 16 : index
          %get3A_283 = tpu.vector_load %arg14[%get3A_280, %get3A_281, %get3A_282] {strides = array<i32>} : memref<2x128x128xi32, #tpu.memory_space<vmem>>, vector<16xi32>,
          %shift_left3A_284 = arith.constant 16 : i32
          %shift_left3A_285 = vector.broadcast %shift_left3A_284 : i32 to vector<16xi32>
          %shift_left3A_286 = arith.shli %get3A_283, %shift_left3A_285 : vector<16xi32>
          %bitcast3A_287 = vector.bitcast %shift_left3A_286 : vector<16xi32> to vector<16xf32>
          %bitcast3A_288 = vector.bitcast %get3A_283 : vector<16xi32> to vector<16xf32>
          %get3A_289 = arith.constant 0 : i32
          %get3A_290 = arith.index_cast %get3A_289 : i32 to index
          %get3A_291 = arith.index_cast %add3A_213 : i32 to index
          %get3A_292 = arith.constant 16 : index
          %get3A_293 = tpu.vector_load %arg15[%get3A_290, %get3A_291, %get3A_292] {strides = array<i32>} : memref<2x128x128xi32, #tpu.memory_space<vmem>>, vector<16xi32>,
          %shift_left3A_294 = arith.constant 16 : i32
          %shift_left3A_295 = vector.broadcast %shift_left3A_294 : i32 to vector<16xi32>
          %shift_left3A_296 = arith.shli %get3A_293, %shift_left3A_295 : vector<16xi32>
          %bitcast3A_297 = vector.bitcast %shift_left3A_296 : vector<16xi32> to vector<16xf32>
          %bitcast3A_298 = vector.bitcast %get3A_293 : vector<16xi32> to vector<16xf32>
          %get3A_299 = arith.constant 32 : index
          %get3A_300 = tpu.vector_load %arg18[%get3A_299] {strides = array<i32>} : memref<272xf32, #tpu.memory_space<vmem>>, vector<16xf32>,
          %get3A_301 = arith.constant 48 : index
          %get3A_302 = tpu.vector_load %arg18[%get3A_301] {strides = array<i32>} : memref<272xf32, #tpu.memory_space<vmem>>, vector<16xf32>,
          %add3A_303 = arith.addf %bitcast3A_277, %bitcast3A_287 : vector<16xf32>
          %max3A_304 = arith.constant 0.000000e+00 : f32
          %max3A_305 = vector.broadcast %max3A_304 : f32 to vector<16xf32>
          %max3A_306 = arith.maximumf %add3A_303, %max3A_305 : vector<16xf32>
          %mul3A_307 = arith.mulf %max3A_306, %get3A_300 : vector<16xf32>
          %add3A_308 = arith.addf %add3A_256, %mul3A_307 : vector<16xf32>
          %add3A_309 = arith.addf %bitcast3A_278, %bitcast3A_288 : vector<16xf32>
          %max3A_310 = arith.constant 0.000000e+00 : f32
          %max3A_311 = vector.broadcast %max3A_310 : f32 to vector<16xf32>
          %max3A_312 = arith.maximumf %add3A_309, %max3A_311 : vector<16xf32>
          %mul3A_313 = arith.mulf %max3A_312, %get3A_302 : vector<16xf32>
          %add3A_314 = arith.addf %add3A_308, %mul3A_313 : vector<16xf32>
          %add3A_315 = arith.addf %bitcast3A_277, %bitcast3A_297 : vector<16xf32>
          %max3A_316 = arith.constant 0.000000e+00 : f32
          %max3A_317 = vector.broadcast %max3A_316 : f32 to vector<16xf32>
          %max3A_318 = arith.maximumf %add3A_315, %max3A_317 : vector<16xf32>
          %mul3A_319 = arith.mulf %max3A_318, %get3A_300 : vector<16xf32>
          %add3A_320 = arith.addf %add3A_268, %mul3A_319 : vector<16xf32>
          %add3A_321 = arith.addf %bitcast3A_278, %bitcast3A_298 : vector<16xf32>
          %max3A_322 = arith.constant 0.000000e+00 : f32
          %max3A_323 = vector.broadcast %max3A_322 : f32 to vector<16xf32>
          %max3A_324 = arith.maximumf %add3A_321, %max3A_323 : vector<16xf32>
          %mul3A_325 = arith.mulf %max3A_324, %get3A_302 : vector<16xf32>
          %add3A_326 = arith.addf %add3A_320, %mul3A_325 : vector<16xf32>
          %get3A_327 = arith.constant 0 : i32
          %get3A_328 = arith.index_cast %get3A_327 : i32 to index
          %get3A_329 = arith.index_cast %add3A_213 : i32 to index
          %get3A_330 = arith.constant 32 : index
          %get3A_331 = tpu.vector_load %arg13[%get3A_328, %get3A_329, %get3A_330] {strides = array<i32>} : memref<2x128x128xi32, #tpu.memory_space<vmem>>, vector<16xi32>,
          %shift_left3A_332 = arith.constant 16 : i32
          %shift_left3A_333 = vector.broadcast %shift_left3A_332 : i32 to vector<16xi32>
          %shift_left3A_334 = arith.shli %get3A_331, %shift_left3A_333 : vector<16xi32>
          %bitcast3A_335 = vector.bitcast %shift_left3A_334 : vector<16xi32> to vector<16xf32>
          %bitcast3A_336 = vector.bitcast %get3A_331 : vector<16xi32> to vector<16xf32>
          %get3A_337 = arith.constant 0 : i32
          %get3A_338 = arith.index_cast %get3A_337 : i32 to index
          %get3A_339 = arith.index_cast %add3A_213 : i32 to index
          %get3A_340 = arith.constant 32 : index
          %get3A_341 = tpu.vector_load %arg14[%get3A_338, %get3A_339, %get3A_340] {strides = array<i32>} : memref<2x128x128xi32, #tpu.memory_space<vmem>>, vector<16xi32>,
          %shift_left3A_342 = arith.constant 16 : i32
          %shift_left3A_343 = vector.broadcast %shift_left3A_342 : i32 to vector<16xi32>
          %shift_left3A_344 = arith.shli %get3A_341, %shift_left3A_343 : vector<16xi32>
          %bitcast3A_345 = vector.bitcast %shift_left3A_344 : vector<16xi32> to vector<16xf32>
          %bitcast3A_346 = vector.bitcast %get3A_341 : vector<16xi32> to vector<16xf32>
          %get3A_347 = arith.constant 0 : i32
          %get3A_348 = arith.index_cast %get3A_347 : i32 to index
          %get3A_349 = arith.index_cast %add3A_213 : i32 to index
          %get3A_350 = arith.constant 32 : index
          %get3A_351 = tpu.vector_load %arg15[%get3A_348, %get3A_349, %get3A_350] {strides = array<i32>} : memref<2x128x128xi32, #tpu.memory_space<vmem>>, vector<16xi32>,
          %shift_left3A_352 = arith.constant 16 : i32
          %shift_left3A_353 = vector.broadcast %shift_left3A_352 : i32 to vector<16xi32>
          %shift_left3A_354 = arith.shli %get3A_351, %shift_left3A_353 : vector<16xi32>
          %bitcast3A_355 = vector.bitcast %shift_left3A_354 : vector<16xi32> to vector<16xf32>
          %bitcast3A_356 = vector.bitcast %get3A_351 : vector<16xi32> to vector<16xf32>
          %get3A_357 = arith.constant 64 : index
          %get3A_358 = tpu.vector_load %arg18[%get3A_357] {strides = array<i32>} : memref<272xf32, #tpu.memory_space<vmem>>, vector<16xf32>,
          %get3A_359 = arith.constant 80 : index
          %get3A_360 = tpu.vector_load %arg18[%get3A_359] {strides = array<i32>} : memref<272xf32, #tpu.memory_space<vmem>>, vector<16xf32>,
          %add3A_361 = arith.addf %bitcast3A_335, %bitcast3A_345 : vector<16xf32>
          %max3A_362 = arith.constant 0.000000e+00 : f32
          %max3A_363 = vector.broadcast %max3A_362 : f32 to vector<16xf32>
          %max3A_364 = arith.maximumf %add3A_361, %max3A_363 : vector<16xf32>
          %mul3A_365 = arith.mulf %max3A_364, %get3A_358 : vector<16xf32>
          %add3A_366 = arith.addf %add3A_314, %mul3A_365 : vector<16xf32>
          %add3A_367 = arith.addf %bitcast3A_336, %bitcast3A_346 : vector<16xf32>
          %max3A_368 = arith.constant 0.000000e+00 : f32
          %max3A_369 = vector.broadcast %max3A_368 : f32 to vector<16xf32>
          %max3A_370 = arith.maximumf %add3A_367, %max3A_369 : vector<16xf32>
          %mul3A_371 = arith.mulf %max3A_370, %get3A_360 : vector<16xf32>
          %add3A_372 = arith.addf %add3A_366, %mul3A_371 : vector<16xf32>
          %add3A_373 = arith.addf %bitcast3A_335, %bitcast3A_355 : vector<16xf32>
          %max3A_374 = arith.constant 0.000000e+00 : f32
          %max3A_375 = vector.broadcast %max3A_374 : f32 to vector<16xf32>
          %max3A_376 = arith.maximumf %add3A_373, %max3A_375 : vector<16xf32>
          %mul3A_377 = arith.mulf %max3A_376, %get3A_358 : vector<16xf32>
          %add3A_378 = arith.addf %add3A_326, %mul3A_377 : vector<16xf32>
          %add3A_379 = arith.addf %bitcast3A_336, %bitcast3A_356 : vector<16xf32>
          %max3A_380 = arith.constant 0.000000e+00 : f32
          %max3A_381 = vector.broadcast %max3A_380 : f32 to vector<16xf32>
          %max3A_382 = arith.maximumf %add3A_379, %max3A_381 : vector<16xf32>
          %mul3A_383 = arith.mulf %max3A_382, %get3A_360 : vector<16xf32>
          %add3A_384 = arith.addf %add3A_378, %mul3A_383 : vector<16xf32>
          %get3A_385 = arith.constant 0 : i32
          %get3A_386 = arith.index_cast %get3A_385 : i32 to index
          %get3A_387 = arith.index_cast %add3A_213 : i32 to index
          %get3A_388 = arith.constant 48 : index
          %get3A_389 = tpu.vector_load %arg13[%get3A_386, %get3A_387, %get3A_388] {strides = array<i32>} : memref<2x128x128xi32, #tpu.memory_space<vmem>>, vector<16xi32>,
          %shift_left3A_390 = arith.constant 16 : i32
          %shift_left3A_391 = vector.broadcast %shift_left3A_390 : i32 to vector<16xi32>
          %shift_left3A_392 = arith.shli %get3A_389, %shift_left3A_391 : vector<16xi32>
          %bitcast3A_393 = vector.bitcast %shift_left3A_392 : vector<16xi32> to vector<16xf32>
          %bitcast3A_394 = vector.bitcast %get3A_389 : vector<16xi32> to vector<16xf32>
          %get3A_395 = arith.constant 0 : i32
          %get3A_396 = arith.index_cast %get3A_395 : i32 to index
          %get3A_397 = arith.index_cast %add3A_213 : i32 to index
          %get3A_398 = arith.constant 48 : index
          %get3A_399 = tpu.vector_load %arg14[%get3A_396, %get3A_397, %get3A_398] {strides = array<i32>} : memref<2x128x128xi32, #tpu.memory_space<vmem>>, vector<16xi32>,
          %shift_left3A_400 = arith.constant 16 : i32
          %shift_left3A_401 = vector.broadcast %shift_left3A_400 : i32 to vector<16xi32>
          %shift_left3A_402 = arith.shli %get3A_399, %shift_left3A_401 : vector<16xi32>
          %bitcast3A_403 = vector.bitcast %shift_left3A_402 : vector<16xi32> to vector<16xf32>
          %bitcast3A_404 = vector.bitcast %get3A_399 : vector<16xi32> to vector<16xf32>
          %get3A_405 = arith.constant 0 : i32
          %get3A_406 = arith.index_cast %get3A_405 : i32 to index
          %get3A_407 = arith.index_cast %add3A_213 : i32 to index
          %get3A_408 = arith.constant 48 : index
          %get3A_409 = tpu.vector_load %arg15[%get3A_406, %get3A_407, %get3A_408] {strides = array<i32>} : memref<2x128x128xi32, #tpu.memory_space<vmem>>, vector<16xi32>,
          %shift_left3A_410 = arith.constant 16 : i32
          %shift_left3A_411 = vector.broadcast %shift_left3A_410 : i32 to vector<16xi32>
          %shift_left3A_412 = arith.shli %get3A_409, %shift_left3A_411 : vector<16xi32>
          %bitcast3A_413 = vector.bitcast %shift_left3A_412 : vector<16xi32> to vector<16xf32>
          %bitcast3A_414 = vector.bitcast %get3A_409 : vector<16xi32> to vector<16xf32>
          %get3A_415 = arith.constant 96 : index
          %get3A_416 = tpu.vector_load %arg18[%get3A_415] {strides = array<i32>} : memref<272xf32, #tpu.memory_space<vmem>>, vector<16xf32>,
          %get3A_417 = arith.constant 112 : index
          %get3A_418 = tpu.vector_load %arg18[%get3A_417] {strides = array<i32>} : memref<272xf32, #tpu.memory_space<vmem>>, vector<16xf32>,
          %add3A_419 = arith.addf %bitcast3A_393, %bitcast3A_403 : vector<16xf32>
          %max3A_420 = arith.constant 0.000000e+00 : f32
          %max3A_421 = vector.broadcast %max3A_420 : f32 to vector<16xf32>
          %max3A_422 = arith.maximumf %add3A_419, %max3A_421 : vector<16xf32>
          %mul3A_423 = arith.mulf %max3A_422, %get3A_416 : vector<16xf32>
          %add3A_424 = arith.addf %add3A_372, %mul3A_423 : vector<16xf32>
          %add3A_425 = arith.addf %bitcast3A_394, %bitcast3A_404 : vector<16xf32>
          %max3A_426 = arith.constant 0.000000e+00 : f32
          %max3A_427 = vector.broadcast %max3A_426 : f32 to vector<16xf32>
          %max3A_428 = arith.maximumf %add3A_425, %max3A_427 : vector<16xf32>
          %mul3A_429 = arith.mulf %max3A_428, %get3A_418 : vector<16xf32>
          %add3A_430 = arith.addf %add3A_424, %mul3A_429 : vector<16xf32>
          %add3A_431 = arith.addf %bitcast3A_393, %bitcast3A_413 : vector<16xf32>
          %max3A_432 = arith.constant 0.000000e+00 : f32
          %max3A_433 = vector.broadcast %max3A_432 : f32 to vector<16xf32>
          %max3A_434 = arith.maximumf %add3A_431, %max3A_433 : vector<16xf32>
          %mul3A_435 = arith.mulf %max3A_434, %get3A_416 : vector<16xf32>
          %add3A_436 = arith.addf %add3A_384, %mul3A_435 : vector<16xf32>
          %add3A_437 = arith.addf %bitcast3A_394, %bitcast3A_414 : vector<16xf32>
          %max3A_438 = arith.constant 0.000000e+00 : f32
          %max3A_439 = vector.broadcast %max3A_438 : f32 to vector<16xf32>
          %max3A_440 = arith.maximumf %add3A_437, %max3A_439 : vector<16xf32>
          %mul3A_441 = arith.mulf %max3A_440, %get3A_418 : vector<16xf32>
          %add3A_442 = arith.addf %add3A_436, %mul3A_441 : vector<16xf32>
          %get3A_443 = arith.constant 0 : i32
          %get3A_444 = arith.index_cast %get3A_443 : i32 to index
          %get3A_445 = arith.index_cast %add3A_213 : i32 to index
          %get3A_446 = arith.constant 64 : index
          %get3A_447 = tpu.vector_load %arg13[%get3A_444, %get3A_445, %get3A_446] {strides = array<i32>} : memref<2x128x128xi32, #tpu.memory_space<vmem>>, vector<16xi32>,
          %shift_left3A_448 = arith.constant 16 : i32
          %shift_left3A_449 = vector.broadcast %shift_left3A_448 : i32 to vector<16xi32>
          %shift_left3A_450 = arith.shli %get3A_447, %shift_left3A_449 : vector<16xi32>
          %bitcast3A_451 = vector.bitcast %shift_left3A_450 : vector<16xi32> to vector<16xf32>
          %bitcast3A_452 = vector.bitcast %get3A_447 : vector<16xi32> to vector<16xf32>
          %get3A_453 = arith.constant 0 : i32
          %get3A_454 = arith.index_cast %get3A_453 : i32 to index
          %get3A_455 = arith.index_cast %add3A_213 : i32 to index
          %get3A_456 = arith.constant 64 : index
          %get3A_457 = tpu.vector_load %arg14[%get3A_454, %get3A_455, %get3A_456] {strides = array<i32>} : memref<2x128x128xi32, #tpu.memory_space<vmem>>, vector<16xi32>,
          %shift_left3A_458 = arith.constant 16 : i32
          %shift_left3A_459 = vector.broadcast %shift_left3A_458 : i32 to vector<16xi32>
          %shift_left3A_460 = arith.shli %get3A_457, %shift_left3A_459 : vector<16xi32>
          %bitcast3A_461 = vector.bitcast %shift_left3A_460 : vector<16xi32> to vector<16xf32>
          %bitcast3A_462 = vector.bitcast %get3A_457 : vector<16xi32> to vector<16xf32>
          %get3A_463 = arith.constant 0 : i32
          %get3A_464 = arith.index_cast %get3A_463 : i32 to index
          %get3A_465 = arith.index_cast %add3A_213 : i32 to index
          %get3A_466 = arith.constant 64 : index
          %get3A_467 = tpu.vector_load %arg15[%get3A_464, %get3A_465, %get3A_466] {strides = array<i32>} : memref<2x128x128xi32, #tpu.memory_space<vmem>>, vector<16xi32>,
          %shift_left3A_468 = arith.constant 16 : i32
          %shift_left3A_469 = vector.broadcast %shift_left3A_468 : i32 to vector<16xi32>
          %shift_left3A_470 = arith.shli %get3A_467, %shift_left3A_469 : vector<16xi32>
          %bitcast3A_471 = vector.bitcast %shift_left3A_470 : vector<16xi32> to vector<16xf32>
          %bitcast3A_472 = vector.bitcast %get3A_467 : vector<16xi32> to vector<16xf32>
          %get3A_473 = arith.constant 128 : index
          %get3A_474 = tpu.vector_load %arg18[%get3A_473] {strides = array<i32>} : memref<272xf32, #tpu.memory_space<vmem>>, vector<16xf32>,
          %get3A_475 = arith.constant 144 : index
          %get3A_476 = tpu.vector_load %arg18[%get3A_475] {strides = array<i32>} : memref<272xf32, #tpu.memory_space<vmem>>, vector<16xf32>,
          %add3A_477 = arith.addf %bitcast3A_451, %bitcast3A_461 : vector<16xf32>
          %max3A_478 = arith.constant 0.000000e+00 : f32
          %max3A_479 = vector.broadcast %max3A_478 : f32 to vector<16xf32>
          %max3A_480 = arith.maximumf %add3A_477, %max3A_479 : vector<16xf32>
          %mul3A_481 = arith.mulf %max3A_480, %get3A_474 : vector<16xf32>
          %add3A_482 = arith.addf %add3A_430, %mul3A_481 : vector<16xf32>
          %add3A_483 = arith.addf %bitcast3A_452, %bitcast3A_462 : vector<16xf32>
          %max3A_484 = arith.constant 0.000000e+00 : f32
          %max3A_485 = vector.broadcast %max3A_484 : f32 to vector<16xf32>
          %max3A_486 = arith.maximumf %add3A_483, %max3A_485 : vector<16xf32>
          %mul3A_487 = arith.mulf %max3A_486, %get3A_476 : vector<16xf32>
          %add3A_488 = arith.addf %add3A_482, %mul3A_487 : vector<16xf32>
          %add3A_489 = arith.addf %bitcast3A_451, %bitcast3A_471 : vector<16xf32>
          %max3A_490 = arith.constant 0.000000e+00 : f32
          %max3A_491 = vector.broadcast %max3A_490 : f32 to vector<16xf32>
          %max3A_492 = arith.maximumf %add3A_489, %max3A_491 : vector<16xf32>
          %mul3A_493 = arith.mulf %max3A_492, %get3A_474 : vector<16xf32>
          %add3A_494 = arith.addf %add3A_442, %mul3A_493 : vector<16xf32>
          %add3A_495 = arith.addf %bitcast3A_452, %bitcast3A_472 : vector<16xf32>
          %max3A_496 = arith.constant 0.000000e+00 : f32
          %max3A_497 = vector.broadcast %max3A_496 : f32 to vector<16xf32>
          %max3A_498 = arith.maximumf %add3A_495, %max3A_497 : vector<16xf32>
          %mul3A_499 = arith.mulf %max3A_498, %get3A_476 : vector<16xf32>
          %add3A_500 = arith.addf %add3A_494, %mul3A_499 : vector<16xf32>
          %get3A_501 = arith.constant 0 : i32
          %get3A_502 = arith.index_cast %get3A_501 : i32 to index
          %get3A_503 = arith.index_cast %add3A_213 : i32 to index
          %get3A_504 = arith.constant 80 : index
          %get3A_505 = tpu.vector_load %arg13[%get3A_502, %get3A_503, %get3A_504] {strides = array<i32>} : memref<2x128x128xi32, #tpu.memory_space<vmem>>, vector<16xi32>,
          %shift_left3A_506 = arith.constant 16 : i32
          %shift_left3A_507 = vector.broadcast %shift_left3A_506 : i32 to vector<16xi32>
          %shift_left3A_508 = arith.shli %get3A_505, %shift_left3A_507 : vector<16xi32>
          %bitcast3A_509 = vector.bitcast %shift_left3A_508 : vector<16xi32> to vector<16xf32>
          %bitcast3A_510 = vector.bitcast %get3A_505 : vector<16xi32> to vector<16xf32>
          %get3A_511 = arith.constant 0 : i32
          %get3A_512 = arith.index_cast %get3A_511 : i32 to index
          %get3A_513 = arith.index_cast %add3A_213 : i32 to index
          %get3A_514 = arith.constant 80 : index
          %get3A_515 = tpu.vector_load %arg14[%get3A_512, %get3A_513, %get3A_514] {strides = array<i32>} : memref<2x128x128xi32, #tpu.memory_space<vmem>>, vector<16xi32>,
          %shift_left3A_516 = arith.constant 16 : i32
          %shift_left3A_517 = vector.broadcast %shift_left3A_516 : i32 to vector<16xi32>
          %shift_left3A_518 = arith.shli %get3A_515, %shift_left3A_517 : vector<16xi32>
          %bitcast3A_519 = vector.bitcast %shift_left3A_518 : vector<16xi32> to vector<16xf32>
          %bitcast3A_520 = vector.bitcast %get3A_515 : vector<16xi32> to vector<16xf32>
          %get3A_521 = arith.constant 0 : i32
          %get3A_522 = arith.index_cast %get3A_521 : i32 to index
          %get3A_523 = arith.index_cast %add3A_213 : i32 to index
          %get3A_524 = arith.constant 80 : index
          %get3A_525 = tpu.vector_load %arg15[%get3A_522, %get3A_523, %get3A_524] {strides = array<i32>} : memref<2x128x128xi32, #tpu.memory_space<vmem>>, vector<16xi32>,
          %shift_left3A_526 = arith.constant 16 : i32
          %shift_left3A_527 = vector.broadcast %shift_left3A_526 : i32 to vector<16xi32>
          %shift_left3A_528 = arith.shli %get3A_525, %shift_left3A_527 : vector<16xi32>
          %bitcast3A_529 = vector.bitcast %shift_left3A_528 : vector<16xi32> to vector<16xf32>
          %bitcast3A_530 = vector.bitcast %get3A_525 : vector<16xi32> to vector<16xf32>
          %get3A_531 = arith.constant 160 : index
          %get3A_532 = tpu.vector_load %arg18[%get3A_531] {strides = array<i32>} : memref<272xf32, #tpu.memory_space<vmem>>, vector<16xf32>,
          %get3A_533 = arith.constant 176 : index
          %get3A_534 = tpu.vector_load %arg18[%get3A_533] {strides = array<i32>} : memref<272xf32, #tpu.memory_space<vmem>>, vector<16xf32>,
          %add3A_535 = arith.addf %bitcast3A_509, %bitcast3A_519 : vector<16xf32>
          %max3A_536 = arith.constant 0.000000e+00 : f32
          %max3A_537 = vector.broadcast %max3A_536 : f32 to vector<16xf32>
          %max3A_538 = arith.maximumf %add3A_535, %max3A_537 : vector<16xf32>
          %mul3A_539 = arith.mulf %max3A_538, %get3A_532 : vector<16xf32>
          %add3A_540 = arith.addf %add3A_488, %mul3A_539 : vector<16xf32>
          %add3A_541 = arith.addf %bitcast3A_510, %bitcast3A_520 : vector<16xf32>
          %max3A_542 = arith.constant 0.000000e+00 : f32
          %max3A_543 = vector.broadcast %max3A_542 : f32 to vector<16xf32>
          %max3A_544 = arith.maximumf %add3A_541, %max3A_543 : vector<16xf32>
          %mul3A_545 = arith.mulf %max3A_544, %get3A_534 : vector<16xf32>
          %add3A_546 = arith.addf %add3A_540, %mul3A_545 : vector<16xf32>
          %add3A_547 = arith.addf %bitcast3A_509, %bitcast3A_529 : vector<16xf32>
          %max3A_548 = arith.constant 0.000000e+00 : f32
          %max3A_549 = vector.broadcast %max3A_548 : f32 to vector<16xf32>
          %max3A_550 = arith.maximumf %add3A_547, %max3A_549 : vector<16xf32>
          %mul3A_551 = arith.mulf %max3A_550, %get3A_532 : vector<16xf32>
          %add3A_552 = arith.addf %add3A_500, %mul3A_551 : vector<16xf32>
          %add3A_553 = arith.addf %bitcast3A_510, %bitcast3A_530 : vector<16xf32>
          %max3A_554 = arith.constant 0.000000e+00 : f32
          %max3A_555 = vector.broadcast %max3A_554 : f32 to vector<16xf32>
          %max3A_556 = arith.maximumf %add3A_553, %max3A_555 : vector<16xf32>
          %mul3A_557 = arith.mulf %max3A_556, %get3A_534 : vector<16xf32>
          %add3A_558 = arith.addf %add3A_552, %mul3A_557 : vector<16xf32>
          %get3A_559 = arith.constant 0 : i32
          %get3A_560 = arith.index_cast %get3A_559 : i32 to index
          %get3A_561 = arith.index_cast %add3A_213 : i32 to index
          %get3A_562 = arith.constant 96 : index
          %get3A_563 = tpu.vector_load %arg13[%get3A_560, %get3A_561, %get3A_562] {strides = array<i32>} : memref<2x128x128xi32, #tpu.memory_space<vmem>>, vector<16xi32>,
          %shift_left3A_564 = arith.constant 16 : i32
          %shift_left3A_565 = vector.broadcast %shift_left3A_564 : i32 to vector<16xi32>
          %shift_left3A_566 = arith.shli %get3A_563, %shift_left3A_565 : vector<16xi32>
          %bitcast3A_567 = vector.bitcast %shift_left3A_566 : vector<16xi32> to vector<16xf32>
          %bitcast3A_568 = vector.bitcast %get3A_563 : vector<16xi32> to vector<16xf32>
          %get3A_569 = arith.constant 0 : i32
          %get3A_570 = arith.index_cast %get3A_569 : i32 to index
          %get3A_571 = arith.index_cast %add3A_213 : i32 to index
          %get3A_572 = arith.constant 96 : index
          %get3A_573 = tpu.vector_load %arg14[%get3A_570, %get3A_571, %get3A_572] {strides = array<i32>} : memref<2x128x128xi32, #tpu.memory_space<vmem>>, vector<16xi32>,
          %shift_left3A_574 = arith.constant 16 : i32
          %shift_left3A_575 = vector.broadcast %shift_left3A_574 : i32 to vector<16xi32>
          %shift_left3A_576 = arith.shli %get3A_573, %shift_left3A_575 : vector<16xi32>
          %bitcast3A_577 = vector.bitcast %shift_left3A_576 : vector<16xi32> to vector<16xf32>
          %bitcast3A_578 = vector.bitcast %get3A_573 : vector<16xi32> to vector<16xf32>
          %get3A_579 = arith.constant 0 : i32
          %get3A_580 = arith.index_cast %get3A_579 : i32 to index
          %get3A_581 = arith.index_cast %add3A_213 : i32 to index
          %get3A_582 = arith.constant 96 : index
          %get3A_583 = tpu.vector_load %arg15[%get3A_580, %get3A_581, %get3A_582] {strides = array<i32>} : memref<2x128x128xi32, #tpu.memory_space<vmem>>, vector<16xi32>,
          %shift_left3A_584 = arith.constant 16 : i32
          %shift_left3A_585 = vector.broadcast %shift_left3A_584 : i32 to vector<16xi32>
          %shift_left3A_586 = arith.shli %get3A_583, %shift_left3A_585 : vector<16xi32>
          %bitcast3A_587 = vector.bitcast %shift_left3A_586 : vector<16xi32> to vector<16xf32>
          %bitcast3A_588 = vector.bitcast %get3A_583 : vector<16xi32> to vector<16xf32>
          %get3A_589 = arith.constant 192 : index
          %get3A_590 = tpu.vector_load %arg18[%get3A_589] {strides = array<i32>} : memref<272xf32, #tpu.memory_space<vmem>>, vector<16xf32>,
          %get3A_591 = arith.constant 208 : index
          %get3A_592 = tpu.vector_load %arg18[%get3A_591] {strides = array<i32>} : memref<272xf32, #tpu.memory_space<vmem>>, vector<16xf32>,
          %add3A_593 = arith.addf %bitcast3A_567, %bitcast3A_577 : vector<16xf32>
          %max3A_594 = arith.constant 0.000000e+00 : f32
          %max3A_595 = vector.broadcast %max3A_594 : f32 to vector<16xf32>
          %max3A_596 = arith.maximumf %add3A_593, %max3A_595 : vector<16xf32>
          %mul3A_597 = arith.mulf %max3A_596, %get3A_590 : vector<16xf32>
          %add3A_598 = arith.addf %add3A_546, %mul3A_597 : vector<16xf32>
          %add3A_599 = arith.addf %bitcast3A_568, %bitcast3A_578 : vector<16xf32>
          %max3A_600 = arith.constant 0.000000e+00 : f32
          %max3A_601 = vector.broadcast %max3A_600 : f32 to vector<16xf32>
          %max3A_602 = arith.maximumf %add3A_599, %max3A_601 : vector<16xf32>
          %mul3A_603 = arith.mulf %max3A_602, %get3A_592 : vector<16xf32>
          %add3A_604 = arith.addf %add3A_598, %mul3A_603 : vector<16xf32>
          %add3A_605 = arith.addf %bitcast3A_567, %bitcast3A_587 : vector<16xf32>
          %max3A_606 = arith.constant 0.000000e+00 : f32
          %max3A_607 = vector.broadcast %max3A_606 : f32 to vector<16xf32>
          %max3A_608 = arith.maximumf %add3A_605, %max3A_607 : vector<16xf32>
          %mul3A_609 = arith.mulf %max3A_608, %get3A_590 : vector<16xf32>
          %add3A_610 = arith.addf %add3A_558, %mul3A_609 : vector<16xf32>
          %add3A_611 = arith.addf %bitcast3A_568, %bitcast3A_588 : vector<16xf32>
          %max3A_612 = arith.constant 0.000000e+00 : f32
          %max3A_613 = vector.broadcast %max3A_612 : f32 to vector<16xf32>
          %max3A_614 = arith.maximumf %add3A_611, %max3A_613 : vector<16xf32>
          %mul3A_615 = arith.mulf %max3A_614, %get3A_592 : vector<16xf32>
          %add3A_616 = arith.addf %add3A_610, %mul3A_615 : vector<16xf32>
          %get3A_617 = arith.constant 0 : i32
          %get3A_618 = arith.index_cast %get3A_617 : i32 to index
          %get3A_619 = arith.index_cast %add3A_213 : i32 to index
          %get3A_620 = arith.constant 112 : index
          %get3A_621 = tpu.vector_load %arg13[%get3A_618, %get3A_619, %get3A_620] {strides = array<i32>} : memref<2x128x128xi32, #tpu.memory_space<vmem>>, vector<16xi32>,
          %shift_left3A_622 = arith.constant 16 : i32
          %shift_left3A_623 = vector.broadcast %shift_left3A_622 : i32 to vector<16xi32>
          %shift_left3A_624 = arith.shli %get3A_621, %shift_left3A_623 : vector<16xi32>
          %bitcast3A_625 = vector.bitcast %shift_left3A_624 : vector<16xi32> to vector<16xf32>
          %bitcast3A_626 = vector.bitcast %get3A_621 : vector<16xi32> to vector<16xf32>
          %get3A_627 = arith.constant 0 : i32
          %get3A_628 = arith.index_cast %get3A_627 : i32 to index
          %get3A_629 = arith.index_cast %add3A_213 : i32 to index
          %get3A_630 = arith.constant 112 : index
          %get3A_631 = tpu.vector_load %arg14[%get3A_628, %get3A_629, %get3A_630] {strides = array<i32>} : memref<2x128x128xi32, #tpu.memory_space<vmem>>, vector<16xi32>,
          %shift_left3A_632 = arith.constant 16 : i32
          %shift_left3A_633 = vector.broadcast %shift_left3A_632 : i32 to vector<16xi32>
          %shift_left3A_634 = arith.shli %get3A_631, %shift_left3A_633 : vector<16xi32>
          %bitcast3A_635 = vector.bitcast %shift_left3A_634 : vector<16xi32> to vector<16xf32>
          %bitcast3A_636 = vector.bitcast %get3A_631 : vector<16xi32> to vector<16xf32>
          %get3A_637 = arith.constant 0 : i32
          %get3A_638 = arith.index_cast %get3A_637 : i32 to index
          %get3A_639 = arith.index_cast %add3A_213 : i32 to index
          %get3A_640 = arith.constant 112 : index
          %get3A_641 = tpu.vector_load %arg15[%get3A_638, %get3A_639, %get3A_640] {strides = array<i32>} : memref<2x128x128xi32, #tpu.memory_space<vmem>>, vector<16xi32>,
          %shift_left3A_642 = arith.constant 16 : i32
          %shift_left3A_643 = vector.broadcast %shift_left3A_642 : i32 to vector<16xi32>
          %shift_left3A_644 = arith.shli %get3A_641, %shift_left3A_643 : vector<16xi32>
          %bitcast3A_645 = vector.bitcast %shift_left3A_644 : vector<16xi32> to vector<16xf32>
          %bitcast3A_646 = vector.bitcast %get3A_641 : vector<16xi32> to vector<16xf32>
          %get3A_647 = arith.constant 224 : index
          %get3A_648 = tpu.vector_load %arg18[%get3A_647] {strides = array<i32>} : memref<272xf32, #tpu.memory_space<vmem>>, vector<16xf32>,
          %get3A_649 = arith.constant 240 : index
          %get3A_650 = tpu.vector_load %arg18[%get3A_649] {strides = array<i32>} : memref<272xf32, #tpu.memory_space<vmem>>, vector<16xf32>,
          %add3A_651 = arith.addf %bitcast3A_625, %bitcast3A_635 : vector<16xf32>
          %max3A_652 = arith.constant 0.000000e+00 : f32
          %max3A_653 = vector.broadcast %max3A_652 : f32 to vector<16xf32>
          %max3A_654 = arith.maximumf %add3A_651, %max3A_653 : vector<16xf32>
          %mul3A_655 = arith.mulf %max3A_654, %get3A_648 : vector<16xf32>
          %add3A_656 = arith.addf %add3A_604, %mul3A_655 : vector<16xf32>
          %add3A_657 = arith.addf %bitcast3A_626, %bitcast3A_636 : vector<16xf32>
          %max3A_658 = arith.constant 0.000000e+00 : f32
          %max3A_659 = vector.broadcast %max3A_658 : f32 to vector<16xf32>
          %max3A_660 = arith.maximumf %add3A_657, %max3A_659 : vector<16xf32>
          %mul3A_661 = arith.mulf %max3A_660, %get3A_650 : vector<16xf32>
          %add3A_662 = arith.addf %add3A_656, %mul3A_661 : vector<16xf32>
          %add3A_663 = arith.addf %bitcast3A_625, %bitcast3A_645 : vector<16xf32>
          %max3A_664 = arith.constant 0.000000e+00 : f32
          %max3A_665 = vector.broadcast %max3A_664 : f32 to vector<16xf32>
          %max3A_666 = arith.maximumf %add3A_663, %max3A_665 : vector<16xf32>
          %mul3A_667 = arith.mulf %max3A_666, %get3A_648 : vector<16xf32>
          %add3A_668 = arith.addf %add3A_616, %mul3A_667 : vector<16xf32>
          %add3A_669 = arith.addf %bitcast3A_626, %bitcast3A_646 : vector<16xf32>
          %max3A_670 = arith.constant 0.000000e+00 : f32
          %max3A_671 = vector.broadcast %max3A_670 : f32 to vector<16xf32>
          %max3A_672 = arith.maximumf %add3A_669, %max3A_671 : vector<16xf32>
          %mul3A_673 = arith.mulf %max3A_672, %get3A_650 : vector<16xf32>
          %add3A_674 = arith.addf %add3A_668, %mul3A_673 : vector<16xf32>
          %reduce_sum3A = arith.constant true
          %reduce_sum3A_675 = vector.broadcast %reduce_sum3A : i1 to vector<16xi1>
          %reduce_sum3A_676 = tpu.scan <sum>, %add3A_662 masked %reduce_sum3A_675 : vector<16xf32>, vector<16xi1> -> vector<16xf32>
          %reduce_sum3A_677 = vector.extract %reduce_sum3A_676[15] : f32 from vector<16xf32>
          %reduce_sum3A_678 = arith.constant true
          %reduce_sum3A_679 = vector.broadcast %reduce_sum3A_678 : i1 to vector<16xi1>
          %reduce_sum3A_680 = tpu.scan <sum>, %add3A_674 masked %reduce_sum3A_679 : vector<16xf32>, vector<16xi1> -> vector<16xf32>
          %reduce_sum3A_681 = vector.extract %reduce_sum3A_680[15] : f32 from vector<16xf32>
          %eq3A_682 = vector.broadcast %scan3A_208 : i32 to vector<16xi32>
          %eq3A_683 = arith.cmpi eq, %iota3A, %eq3A_682 : vector<16xi32>
          %broadcast_in_dim3A_684 = vector.broadcast %reduce_sum3A_677 : f32 to vector<16xf32>
          %select_n3A_685 = arith.select %eq3A_683, %broadcast_in_dim3A_684, %scan3A_209 : vector<16xi1>, vector<16xf32>
          %broadcast_in_dim3A_686 = vector.broadcast %reduce_sum3A_681 : f32 to vector<16xf32>
          %select_n3A_687 = arith.select %eq3A_683, %broadcast_in_dim3A_686, %scan3A_210 : vector<16xi1>, vector<16xf32>
          scf.yield %select_n3A_685, %select_n3A_687 : vector<16xf32>, vector<16xf32>
        }
        %scan3A_200 = arith.constant 16 : i32
        %mul3A_201 = arith.constant 16 : i32
        %mul3A_202 = arith.muli %scan3A_191, %mul3A_201 : i32
        %swap3A = arith.index_cast %mul3A_202 : i32 to index
        %swap3A_203 = tpu.vector_load %arg16[%swap3A] {strides = array<i32>} : memref<128xf32, #tpu.memory_space<vmem>>, vector<16xf32>,
        tpu.vector_store %arg16[%swap3A], %scan3A_199#0 {strides = array<i32>} : memref<128xf32, #tpu.memory_space<vmem>>, vector<16xf32>,
        %mul3A_204 = arith.constant 16 : i32
        %mul3A_205 = arith.muli %scan3A_191, %mul3A_204 : i32
        %swap3A_206 = arith.index_cast %mul3A_205 : i32 to index
        %swap3A_207 = tpu.vector_load %arg17[%swap3A_206] {strides = array<i32>} : memref<128xf32, #tpu.memory_space<vmem>>, vector<16xf32>,
        tpu.vector_store %arg17[%swap3A_206], %scan3A_199#1 {strides = array<i32>} : memref<128xf32, #tpu.memory_space<vmem>>, vector<16xf32>,
      }
      %scan3A_142 = arith.constant 8 : i32
      %mul3A_143 = arith.constant 128 : i32
      %mul3A_144 = arith.muli %mul3A_77, %mul3A_143 : i32
      %add3A_145 = arith.addi %mul3A_6, %mul3A_144 : i32
      "tpu.region"() ({
        %run_scoped3A = tpu.sem_alloc : memref<!tpu.dma_semaphore, #tpu.memory_space<semaphore_mem>>
        %dma_start3A_191 = tpu.memref_slice %arg8[%add3A_145] : memref<163840xf32, #tpu.memory_space<hbm>> -> memref<128xf32, #tpu.memory_space<hbm>>
        %dma_start3A_192 = tpu.memref_slice %arg8[%add3A_145] : memref<163840xf32, #tpu.memory_space<hbm>> -> memref<128xf32, #tpu.memory_space<hbm>>
        tpu.enqueue_dma source(%arg16 : memref<128xf32, #tpu.memory_space<vmem>>) target(%dma_start3A_192 : memref<128xf32, #tpu.memory_space<hbm>>) target_semaphore(%run_scoped3A : memref<!tpu.dma_semaphore, #tpu.memory_space<semaphore_mem>>)
        %dma_wait3A_193 = tpu.memref_slice %arg8[%add3A_145] : memref<163840xf32, #tpu.memory_space<hbm>> -> memref<128xf32, #tpu.memory_space<hbm>>
        %dma_wait3A_194 = tpu.memref_slice %arg8[%add3A_145] : memref<163840xf32, #tpu.memory_space<hbm>> -> memref<128xf32, #tpu.memory_space<hbm>>
        tpu.wait_dma2 semaphore(%run_scoped3A : memref<!tpu.dma_semaphore, #tpu.memory_space<semaphore_mem>>) src(%arg16 : memref<128xf32, #tpu.memory_space<vmem>>) dst(%dma_wait3A_194 : memref<128xf32, #tpu.memory_space<hbm>>)
        tpu.yield
      }) : () -> ()
      "tpu.region"() ({
        %run_scoped3A = tpu.sem_alloc : memref<!tpu.dma_semaphore, #tpu.memory_space<semaphore_mem>>
        %dma_start3A_191 = tpu.memref_slice %arg9[%add3A_145] : memref<163840xf32, #tpu.memory_space<hbm>> -> memref<128xf32, #tpu.memory_space<hbm>>
        %dma_start3A_192 = tpu.memref_slice %arg9[%add3A_145] : memref<163840xf32, #tpu.memory_space<hbm>> -> memref<128xf32, #tpu.memory_space<hbm>>
        tpu.enqueue_dma source(%arg17 : memref<128xf32, #tpu.memory_space<vmem>>) target(%dma_start3A_192 : memref<128xf32, #tpu.memory_space<hbm>>) target_semaphore(%run_scoped3A : memref<!tpu.dma_semaphore, #tpu.memory_space<semaphore_mem>>)
        %dma_wait3A_193 = tpu.memref_slice %arg9[%add3A_145] : memref<163840xf32, #tpu.memory_space<hbm>> -> memref<128xf32, #tpu.memory_space<hbm>>
        %dma_wait3A_194 = tpu.memref_slice %arg9[%add3A_145] : memref<163840xf32, #tpu.memory_space<hbm>> -> memref<128xf32, #tpu.memory_space<hbm>>
        tpu.wait_dma2 semaphore(%run_scoped3A : memref<!tpu.dma_semaphore, #tpu.memory_space<semaphore_mem>>) src(%arg17 : memref<128xf32, #tpu.memory_space<vmem>>) dst(%dma_wait3A_194 : memref<128xf32, #tpu.memory_space<hbm>>)
        tpu.yield
      }) : () -> ()
      %add3A_146 = arith.constant 2 : i32
      %add3A_147 = arith.addi %mul3A_77, %add3A_146 : i32
      %lt3A = arith.cmpi slt, %add3A_147, %select_n3A : i32
      %convert_element_type3A = arith.extui %lt3A : i1 to i32
      %cond3A = arith.constant 0 : i32
      %cond3A_148 = arith.cmpi ne, %convert_element_type3A, %cond3A : i32
      scf.if %cond3A_148 {
        %add3A_191 = arith.constant 2 : i32
        %add3A_192 = arith.addi %mul3A_77, %add3A_191 : i32
        %mul3A_193 = arith.constant 128 : i32
        %mul3A_194 = arith.muli %add3A_192, %mul3A_193 : i32
        %dma_start3A_195 = arith.constant 0 : i32
        %dma_start3A_196 = arith.constant 0 : i32
        %dma_start3A_197 = arith.constant 0 : i32
        %dma_start3A_198 = tpu.memref_slice %arg13[%dma_start3A_195, %dma_start3A_196, %dma_start3A_197] : memref<2x128x128xi32, #tpu.memory_space<vmem>> -> memref<1x128x128xi32, #tpu.memory_space<vmem>>
        %dma_start3A_199 = tpu.memref_squeeze %dma_start3A_198 : memref<1x128x128xi32, #tpu.memory_space<vmem>> -> memref<128x128xi32, #tpu.memory_space<vmem>>
        %dma_start3A_200 = tpu.memref_slice %arg10[%mul3A_194] : memref<6912xi32, #tpu.memory_space<vmem>> -> memref<128xi32, #tpu.memory_space<vmem>>
        %dma_start3A_201 = arith.constant 0 : i32
        %dma_start3A_202 = arith.constant 0 : i32
        %dma_start3A_203 = tpu.memref_slice %arg2[%dma_start3A_201, %dma_start3A_202] : memref<10000x128xi32, #tpu.memory_space<hbm>> -> memref<10000x128xi32, #tpu.memory_space<hbm>>
        tpu.enqueue_indirect_dma source(%dma_start3A_203 : memref<10000x128xi32, #tpu.memory_space<hbm>>) target(%dma_start3A_199 : memref<128x128xi32, #tpu.memory_space<vmem>>) offsets(%dma_start3A_200 : memref<128xi32, #tpu.memory_space<vmem>>) semaphore(%arg19 : memref<!tpu.dma_semaphore, #tpu.memory_space<semaphore_mem>>)
        %dma_start3A_204 = arith.constant 0 : i32
        %dma_start3A_205 = arith.constant 0 : i32
        %dma_start3A_206 = arith.constant 0 : i32
        %dma_start3A_207 = tpu.memref_slice %arg14[%dma_start3A_204, %dma_start3A_205, %dma_start3A_206] : memref<2x128x128xi32, #tpu.memory_space<vmem>> -> memref<1x128x128xi32, #tpu.memory_space<vmem>>
        %dma_start3A_208 = tpu.memref_squeeze %dma_start3A_207 : memref<1x128x128xi32, #tpu.memory_space<vmem>> -> memref<128x128xi32, #tpu.memory_space<vmem>>
        %dma_start3A_209 = tpu.memref_slice %arg11[%mul3A_194] : memref<6912xi32, #tpu.memory_space<vmem>> -> memref<128xi32, #tpu.memory_space<vmem>>
        %dma_start3A_210 = arith.constant 0 : i32
        %dma_start3A_211 = arith.constant 0 : i32
        %dma_start3A_212 = tpu.memref_slice %arg3[%dma_start3A_210, %dma_start3A_211] : memref<10000x128xi32, #tpu.memory_space<hbm>> -> memref<10000x128xi32, #tpu.memory_space<hbm>>
        tpu.enqueue_indirect_dma source(%dma_start3A_212 : memref<10000x128xi32, #tpu.memory_space<hbm>>) target(%dma_start3A_208 : memref<128x128xi32, #tpu.memory_space<vmem>>) offsets(%dma_start3A_209 : memref<128xi32, #tpu.memory_space<vmem>>) semaphore(%arg19 : memref<!tpu.dma_semaphore, #tpu.memory_space<semaphore_mem>>)
        %dma_start3A_213 = arith.constant 0 : i32
        %dma_start3A_214 = arith.constant 0 : i32
        %dma_start3A_215 = arith.constant 0 : i32
        %dma_start3A_216 = tpu.memref_slice %arg15[%dma_start3A_213, %dma_start3A_214, %dma_start3A_215] : memref<2x128x128xi32, #tpu.memory_space<vmem>> -> memref<1x128x128xi32, #tpu.memory_space<vmem>>
        %dma_start3A_217 = tpu.memref_squeeze %dma_start3A_216 : memref<1x128x128xi32, #tpu.memory_space<vmem>> -> memref<128x128xi32, #tpu.memory_space<vmem>>
        %dma_start3A_218 = tpu.memref_slice %arg12[%mul3A_194] : memref<6912xi32, #tpu.memory_space<vmem>> -> memref<128xi32, #tpu.memory_space<vmem>>
        %dma_start3A_219 = arith.constant 0 : i32
        %dma_start3A_220 = arith.constant 0 : i32
        %dma_start3A_221 = tpu.memref_slice %arg3[%dma_start3A_219, %dma_start3A_220] : memref<10000x128xi32, #tpu.memory_space<hbm>> -> memref<10000x128xi32, #tpu.memory_space<hbm>>
        tpu.enqueue_indirect_dma source(%dma_start3A_221 : memref<10000x128xi32, #tpu.memory_space<hbm>>) target(%dma_start3A_217 : memref<128x128xi32, #tpu.memory_space<vmem>>) offsets(%dma_start3A_218 : memref<128xi32, #tpu.memory_space<vmem>>) semaphore(%arg19 : memref<!tpu.dma_semaphore, #tpu.memory_space<semaphore_mem>>)
      } else {
      }
      %add3A_149 = arith.constant 1 : i32
      %add3A_150 = arith.addi %mul3A_77, %add3A_149 : i32
      %mul3A_151 = arith.constant 128 : i32
      %mul3A_152 = arith.muli %add3A_150, %mul3A_151 : i32
      %dma_wait3A_153 = arith.constant 1 : i32
      %dma_wait3A_154 = arith.constant 0 : i32
      %dma_wait3A_155 = arith.constant 0 : i32
      %dma_wait3A_156 = tpu.memref_slice %arg13[%dma_wait3A_153, %dma_wait3A_154, %dma_wait3A_155] : memref<2x128x128xi32, #tpu.memory_space<vmem>> -> memref<1x128x128xi32, #tpu.memory_space<vmem>>
      %dma_wait3A_157 = tpu.memref_squeeze %dma_wait3A_156 : memref<1x128x128xi32, #tpu.memory_space<vmem>> -> memref<128x128xi32, #tpu.memory_space<vmem>>
      %dma_wait3A_158 = tpu.memref_slice %arg10[%mul3A_152] : memref<6912xi32, #tpu.memory_space<vmem>> -> memref<128xi32, #tpu.memory_space<vmem>>
      %dma_wait3A_159 = arith.constant 0 : i32
      %dma_wait3A_160 = arith.constant 0 : i32
      %dma_wait3A_161 = tpu.memref_slice %arg2[%dma_wait3A_159, %dma_wait3A_160] : memref<10000x128xi32, #tpu.memory_space<hbm>> -> memref<10000x128xi32, #tpu.memory_space<hbm>>
      tpu.wait_indirect_dma semaphore(%arg20 : memref<!tpu.dma_semaphore, #tpu.memory_space<semaphore_mem>>) src(%dma_wait3A_161 : memref<10000x128xi32, #tpu.memory_space<hbm>>) dst(%dma_wait3A_157 : memref<128x128xi32, #tpu.memory_space<vmem>>)
      %dma_wait3A_162 = arith.constant 1 : i32
      %dma_wait3A_163 = arith.constant 0 : i32
      %dma_wait3A_164 = arith.constant 0 : i32
      %dma_wait3A_165 = tpu.memref_slice %arg14[%dma_wait3A_162, %dma_wait3A_163, %dma_wait3A_164] : memref<2x128x128xi32, #tpu.memory_space<vmem>> -> memref<1x128x128xi32, #tpu.memory_space<vmem>>
      %dma_wait3A_166 = tpu.memref_squeeze %dma_wait3A_165 : memref<1x128x128xi32, #tpu.memory_space<vmem>> -> memref<128x128xi32, #tpu.memory_space<vmem>>
      %dma_wait3A_167 = tpu.memref_slice %arg11[%mul3A_152] : memref<6912xi32, #tpu.memory_space<vmem>> -> memref<128xi32, #tpu.memory_space<vmem>>
      %dma_wait3A_168 = arith.constant 0 : i32
      %dma_wait3A_169 = arith.constant 0 : i32
      %dma_wait3A_170 = tpu.memref_slice %arg3[%dma_wait3A_168, %dma_wait3A_169] : memref<10000x128xi32, #tpu.memory_space<hbm>> -> memref<10000x128xi32, #tpu.memory_space<hbm>>
      tpu.wait_indirect_dma semaphore(%arg20 : memref<!tpu.dma_semaphore, #tpu.memory_space<semaphore_mem>>) src(%dma_wait3A_170 : memref<10000x128xi32, #tpu.memory_space<hbm>>) dst(%dma_wait3A_166 : memref<128x128xi32, #tpu.memory_space<vmem>>)
      %dma_wait3A_171 = arith.constant 1 : i32
      %dma_wait3A_172 = arith.constant 0 : i32
      %dma_wait3A_173 = arith.constant 0 : i32
      %dma_wait3A_174 = tpu.memref_slice %arg15[%dma_wait3A_171, %dma_wait3A_172, %dma_wait3A_173] : memref<2x128x128xi32, #tpu.memory_space<vmem>> -> memref<1x128x128xi32, #tpu.memory_space<vmem>>
      %dma_wait3A_175 = tpu.memref_squeeze %dma_wait3A_174 : memref<1x128x128xi32, #tpu.memory_space<vmem>> -> memref<128x128xi32, #tpu.memory_space<vmem>>
      %dma_wait3A_176 = tpu.memref_slice %arg12[%mul3A_152] : memref<6912xi32, #tpu.memory_space<vmem>> -> memref<128xi32, #tpu.memory_space<vmem>>
      %dma_wait3A_177 = arith.constant 0 : i32
      %dma_wait3A_178 = arith.constant 0 : i32
      %dma_wait3A_179 = tpu.memref_slice %arg3[%dma_wait3A_177, %dma_wait3A_178] : memref<10000x128xi32, #tpu.memory_space<hbm>> -> memref<10000x128xi32, #tpu.memory_space<hbm>>
      tpu.wait_indirect_dma semaphore(%arg20 : memref<!tpu.dma_semaphore, #tpu.memory_space<semaphore_mem>>) src(%dma_wait3A_179 : memref<10000x128xi32, #tpu.memory_space<hbm>>) dst(%dma_wait3A_175 : memref<128x128xi32, #tpu.memory_space<vmem>>)
      %add3A_180 = arith.constant 1 : i32
      %add3A_181 = arith.addi %mul3A_77, %add3A_180 : i32
      %scan3A_182 = arith.constant 0 : i32
      %scan3A_183 = arith.constant 0 : i32
      %scan3A_184 = arith.constant 8 : i32
      %scan3A_185 = arith.addi %scan3A_183, %scan3A_184 : i32
      %scan3A_186 = arith.constant 1 : i32
      scf.for %scan3A_191 = %scan3A_183 to %scan3A_185 step %scan3A_186  : i32 {
        %broadcast_in_dim3A = arith.constant 0.000000e+00 : f32
        %broadcast_in_dim3A_192 = vector.broadcast %broadcast_in_dim3A : f32 to vector<16xf32>
        %broadcast_in_dim3A_193 = arith.constant 0.000000e+00 : f32
        %broadcast_in_dim3A_194 = vector.broadcast %broadcast_in_dim3A_193 : f32 to vector<16xf32>
        %scan3A_195 = arith.constant 0 : i32
        %scan3A_196 = arith.constant 16 : i32
        %scan3A_197 = arith.addi %scan3A_195, %scan3A_196 : i32
        %scan3A_198 = arith.constant 1 : i32
        %scan3A_199:2 = scf.for %scan3A_208 = %scan3A_195 to %scan3A_197 step %scan3A_198 iter_args(%scan3A_209 = %broadcast_in_dim3A_192, %scan3A_210 = %broadcast_in_dim3A_194) -> (vector<16xf32>, vector<16xf32>)  : i32 {
          %mul3A_211 = arith.constant 16 : i32
          %mul3A_212 = arith.muli %scan3A_191, %mul3A_211 : i32
          %add3A_213 = arith.addi %mul3A_212, %scan3A_208 : i32
          %get3A_214 = arith.constant 1 : i32
          %get3A_215 = arith.index_cast %get3A_214 : i32 to index
          %get3A_216 = arith.index_cast %add3A_213 : i32 to index
          %get3A_217 = arith.constant 0 : index
          %get3A_218 = tpu.vector_load %arg13[%get3A_215, %get3A_216, %get3A_217] {strides = array<i32>} : memref<2x128x128xi32, #tpu.memory_space<vmem>>, vector<16xi32>,
          %shift_left3A = arith.constant 16 : i32
          %shift_left3A_219 = vector.broadcast %shift_left3A : i32 to vector<16xi32>
          %shift_left3A_220 = arith.shli %get3A_218, %shift_left3A_219 : vector<16xi32>
          %bitcast3A = vector.bitcast %shift_left3A_220 : vector<16xi32> to vector<16xf32>
          %bitcast3A_221 = vector.bitcast %get3A_218 : vector<16xi32> to vector<16xf32>
          %get3A_222 = arith.constant 1 : i32
          %get3A_223 = arith.index_cast %get3A_222 : i32 to index
          %get3A_224 = arith.index_cast %add3A_213 : i32 to index
          %get3A_225 = arith.constant 0 : index
          %get3A_226 = tpu.vector_load %arg14[%get3A_223, %get3A_224, %get3A_225] {strides = array<i32>} : memref<2x128x128xi32, #tpu.memory_space<vmem>>, vector<16xi32>,
          %shift_left3A_227 = arith.constant 16 : i32
          %shift_left3A_228 = vector.broadcast %shift_left3A_227 : i32 to vector<16xi32>
          %shift_left3A_229 = arith.shli %get3A_226, %shift_left3A_228 : vector<16xi32>
          %bitcast3A_230 = vector.bitcast %shift_left3A_229 : vector<16xi32> to vector<16xf32>
          %bitcast3A_231 = vector.bitcast %get3A_226 : vector<16xi32> to vector<16xf32>
          %get3A_232 = arith.constant 1 : i32
          %get3A_233 = arith.index_cast %get3A_232 : i32 to index
          %get3A_234 = arith.index_cast %add3A_213 : i32 to index
          %get3A_235 = arith.constant 0 : index
          %get3A_236 = tpu.vector_load %arg15[%get3A_233, %get3A_234, %get3A_235] {strides = array<i32>} : memref<2x128x128xi32, #tpu.memory_space<vmem>>, vector<16xi32>,
          %shift_left3A_237 = arith.constant 16 : i32
          %shift_left3A_238 = vector.broadcast %shift_left3A_237 : i32 to vector<16xi32>
          %shift_left3A_239 = arith.shli %get3A_236, %shift_left3A_238 : vector<16xi32>
          %bitcast3A_240 = vector.bitcast %shift_left3A_239 : vector<16xi32> to vector<16xf32>
          %bitcast3A_241 = vector.bitcast %get3A_236 : vector<16xi32> to vector<16xf32>
          %get3A_242 = arith.constant 0 : index
          %get3A_243 = tpu.vector_load %arg18[%get3A_242] {strides = array<i32>} : memref<272xf32, #tpu.memory_space<vmem>>, vector<16xf32>,
          %get3A_244 = arith.constant 16 : index
          %get3A_245 = tpu.vector_load %arg18[%get3A_244] {strides = array<i32>} : memref<272xf32, #tpu.memory_space<vmem>>, vector<16xf32>,
          %add3A_246 = arith.addf %bitcast3A, %bitcast3A_230 : vector<16xf32>
          %max3A = arith.constant 0.000000e+00 : f32
          %max3A_247 = vector.broadcast %max3A : f32 to vector<16xf32>
          %max3A_248 = arith.maximumf %add3A_246, %max3A_247 : vector<16xf32>
          %mul3A_249 = arith.mulf %max3A_248, %get3A_243 : vector<16xf32>
          %add3A_250 = arith.addf %get3A_17, %mul3A_249 : vector<16xf32>
          %add3A_251 = arith.addf %bitcast3A_221, %bitcast3A_231 : vector<16xf32>
          %max3A_252 = arith.constant 0.000000e+00 : f32
          %max3A_253 = vector.broadcast %max3A_252 : f32 to vector<16xf32>
          %max3A_254 = arith.maximumf %add3A_251, %max3A_253 : vector<16xf32>
          %mul3A_255 = arith.mulf %max3A_254, %get3A_245 : vector<16xf32>
          %add3A_256 = arith.addf %add3A_250, %mul3A_255 : vector<16xf32>
          %add3A_257 = arith.addf %bitcast3A, %bitcast3A_240 : vector<16xf32>
          %max3A_258 = arith.constant 0.000000e+00 : f32
          %max3A_259 = vector.broadcast %max3A_258 : f32 to vector<16xf32>
          %max3A_260 = arith.maximumf %add3A_257, %max3A_259 : vector<16xf32>
          %mul3A_261 = arith.mulf %max3A_260, %get3A_243 : vector<16xf32>
          %add3A_262 = arith.addf %get3A_17, %mul3A_261 : vector<16xf32>
          %add3A_263 = arith.addf %bitcast3A_221, %bitcast3A_241 : vector<16xf32>
          %max3A_264 = arith.constant 0.000000e+00 : f32
          %max3A_265 = vector.broadcast %max3A_264 : f32 to vector<16xf32>
          %max3A_266 = arith.maximumf %add3A_263, %max3A_265 : vector<16xf32>
          %mul3A_267 = arith.mulf %max3A_266, %get3A_245 : vector<16xf32>
          %add3A_268 = arith.addf %add3A_262, %mul3A_267 : vector<16xf32>
          %get3A_269 = arith.constant 1 : i32
          %get3A_270 = arith.index_cast %get3A_269 : i32 to index
          %get3A_271 = arith.index_cast %add3A_213 : i32 to index
          %get3A_272 = arith.constant 16 : index
          %get3A_273 = tpu.vector_load %arg13[%get3A_270, %get3A_271, %get3A_272] {strides = array<i32>} : memref<2x128x128xi32, #tpu.memory_space<vmem>>, vector<16xi32>,
          %shift_left3A_274 = arith.constant 16 : i32
          %shift_left3A_275 = vector.broadcast %shift_left3A_274 : i32 to vector<16xi32>
          %shift_left3A_276 = arith.shli %get3A_273, %shift_left3A_275 : vector<16xi32>
          %bitcast3A_277 = vector.bitcast %shift_left3A_276 : vector<16xi32> to vector<16xf32>
          %bitcast3A_278 = vector.bitcast %get3A_273 : vector<16xi32> to vector<16xf32>
          %get3A_279 = arith.constant 1 : i32
          %get3A_280 = arith.index_cast %get3A_279 : i32 to index
          %get3A_281 = arith.index_cast %add3A_213 : i32 to index
          %get3A_282 = arith.constant 16 : index
          %get3A_283 = tpu.vector_load %arg14[%get3A_280, %get3A_281, %get3A_282] {strides = array<i32>} : memref<2x128x128xi32, #tpu.memory_space<vmem>>, vector<16xi32>,
          %shift_left3A_284 = arith.constant 16 : i32
          %shift_left3A_285 = vector.broadcast %shift_left3A_284 : i32 to vector<16xi32>
          %shift_left3A_286 = arith.shli %get3A_283, %shift_left3A_285 : vector<16xi32>
          %bitcast3A_287 = vector.bitcast %shift_left3A_286 : vector<16xi32> to vector<16xf32>
          %bitcast3A_288 = vector.bitcast %get3A_283 : vector<16xi32> to vector<16xf32>
          %get3A_289 = arith.constant 1 : i32
          %get3A_290 = arith.index_cast %get3A_289 : i32 to index
          %get3A_291 = arith.index_cast %add3A_213 : i32 to index
          %get3A_292 = arith.constant 16 : index
          %get3A_293 = tpu.vector_load %arg15[%get3A_290, %get3A_291, %get3A_292] {strides = array<i32>} : memref<2x128x128xi32, #tpu.memory_space<vmem>>, vector<16xi32>,
          %shift_left3A_294 = arith.constant 16 : i32
          %shift_left3A_295 = vector.broadcast %shift_left3A_294 : i32 to vector<16xi32>
          %shift_left3A_296 = arith.shli %get3A_293, %shift_left3A_295 : vector<16xi32>
          %bitcast3A_297 = vector.bitcast %shift_left3A_296 : vector<16xi32> to vector<16xf32>
          %bitcast3A_298 = vector.bitcast %get3A_293 : vector<16xi32> to vector<16xf32>
          %get3A_299 = arith.constant 32 : index
          %get3A_300 = tpu.vector_load %arg18[%get3A_299] {strides = array<i32>} : memref<272xf32, #tpu.memory_space<vmem>>, vector<16xf32>,
          %get3A_301 = arith.constant 48 : index
          %get3A_302 = tpu.vector_load %arg18[%get3A_301] {strides = array<i32>} : memref<272xf32, #tpu.memory_space<vmem>>, vector<16xf32>,
          %add3A_303 = arith.addf %bitcast3A_277, %bitcast3A_287 : vector<16xf32>
          %max3A_304 = arith.constant 0.000000e+00 : f32
          %max3A_305 = vector.broadcast %max3A_304 : f32 to vector<16xf32>
          %max3A_306 = arith.maximumf %add3A_303, %max3A_305 : vector<16xf32>
          %mul3A_307 = arith.mulf %max3A_306, %get3A_300 : vector<16xf32>
          %add3A_308 = arith.addf %add3A_256, %mul3A_307 : vector<16xf32>
          %add3A_309 = arith.addf %bitcast3A_278, %bitcast3A_288 : vector<16xf32>
          %max3A_310 = arith.constant 0.000000e+00 : f32
          %max3A_311 = vector.broadcast %max3A_310 : f32 to vector<16xf32>
          %max3A_312 = arith.maximumf %add3A_309, %max3A_311 : vector<16xf32>
          %mul3A_313 = arith.mulf %max3A_312, %get3A_302 : vector<16xf32>
          %add3A_314 = arith.addf %add3A_308, %mul3A_313 : vector<16xf32>
          %add3A_315 = arith.addf %bitcast3A_277, %bitcast3A_297 : vector<16xf32>
          %max3A_316 = arith.constant 0.000000e+00 : f32
          %max3A_317 = vector.broadcast %max3A_316 : f32 to vector<16xf32>
          %max3A_318 = arith.maximumf %add3A_315, %max3A_317 : vector<16xf32>
          %mul3A_319 = arith.mulf %max3A_318, %get3A_300 : vector<16xf32>
          %add3A_320 = arith.addf %add3A_268, %mul3A_319 : vector<16xf32>
          %add3A_321 = arith.addf %bitcast3A_278, %bitcast3A_298 : vector<16xf32>
          %max3A_322 = arith.constant 0.000000e+00 : f32
          %max3A_323 = vector.broadcast %max3A_322 : f32 to vector<16xf32>
          %max3A_324 = arith.maximumf %add3A_321, %max3A_323 : vector<16xf32>
          %mul3A_325 = arith.mulf %max3A_324, %get3A_302 : vector<16xf32>
          %add3A_326 = arith.addf %add3A_320, %mul3A_325 : vector<16xf32>
          %get3A_327 = arith.constant 1 : i32
          %get3A_328 = arith.index_cast %get3A_327 : i32 to index
          %get3A_329 = arith.index_cast %add3A_213 : i32 to index
          %get3A_330 = arith.constant 32 : index
          %get3A_331 = tpu.vector_load %arg13[%get3A_328, %get3A_329, %get3A_330] {strides = array<i32>} : memref<2x128x128xi32, #tpu.memory_space<vmem>>, vector<16xi32>,
          %shift_left3A_332 = arith.constant 16 : i32
          %shift_left3A_333 = vector.broadcast %shift_left3A_332 : i32 to vector<16xi32>
          %shift_left3A_334 = arith.shli %get3A_331, %shift_left3A_333 : vector<16xi32>
          %bitcast3A_335 = vector.bitcast %shift_left3A_334 : vector<16xi32> to vector<16xf32>
          %bitcast3A_336 = vector.bitcast %get3A_331 : vector<16xi32> to vector<16xf32>
          %get3A_337 = arith.constant 1 : i32
          %get3A_338 = arith.index_cast %get3A_337 : i32 to index
          %get3A_339 = arith.index_cast %add3A_213 : i32 to index
          %get3A_340 = arith.constant 32 : index
          %get3A_341 = tpu.vector_load %arg14[%get3A_338, %get3A_339, %get3A_340] {strides = array<i32>} : memref<2x128x128xi32, #tpu.memory_space<vmem>>, vector<16xi32>,
          %shift_left3A_342 = arith.constant 16 : i32
          %shift_left3A_343 = vector.broadcast %shift_left3A_342 : i32 to vector<16xi32>
          %shift_left3A_344 = arith.shli %get3A_341, %shift_left3A_343 : vector<16xi32>
          %bitcast3A_345 = vector.bitcast %shift_left3A_344 : vector<16xi32> to vector<16xf32>
          %bitcast3A_346 = vector.bitcast %get3A_341 : vector<16xi32> to vector<16xf32>
          %get3A_347 = arith.constant 1 : i32
          %get3A_348 = arith.index_cast %get3A_347 : i32 to index
          %get3A_349 = arith.index_cast %add3A_213 : i32 to index
          %get3A_350 = arith.constant 32 : index
          %get3A_351 = tpu.vector_load %arg15[%get3A_348, %get3A_349, %get3A_350] {strides = array<i32>} : memref<2x128x128xi32, #tpu.memory_space<vmem>>, vector<16xi32>,
          %shift_left3A_352 = arith.constant 16 : i32
          %shift_left3A_353 = vector.broadcast %shift_left3A_352 : i32 to vector<16xi32>
          %shift_left3A_354 = arith.shli %get3A_351, %shift_left3A_353 : vector<16xi32>
          %bitcast3A_355 = vector.bitcast %shift_left3A_354 : vector<16xi32> to vector<16xf32>
          %bitcast3A_356 = vector.bitcast %get3A_351 : vector<16xi32> to vector<16xf32>
          %get3A_357 = arith.constant 64 : index
          %get3A_358 = tpu.vector_load %arg18[%get3A_357] {strides = array<i32>} : memref<272xf32, #tpu.memory_space<vmem>>, vector<16xf32>,
          %get3A_359 = arith.constant 80 : index
          %get3A_360 = tpu.vector_load %arg18[%get3A_359] {strides = array<i32>} : memref<272xf32, #tpu.memory_space<vmem>>, vector<16xf32>,
          %add3A_361 = arith.addf %bitcast3A_335, %bitcast3A_345 : vector<16xf32>
          %max3A_362 = arith.constant 0.000000e+00 : f32
          %max3A_363 = vector.broadcast %max3A_362 : f32 to vector<16xf32>
          %max3A_364 = arith.maximumf %add3A_361, %max3A_363 : vector<16xf32>
          %mul3A_365 = arith.mulf %max3A_364, %get3A_358 : vector<16xf32>
          %add3A_366 = arith.addf %add3A_314, %mul3A_365 : vector<16xf32>
          %add3A_367 = arith.addf %bitcast3A_336, %bitcast3A_346 : vector<16xf32>
          %max3A_368 = arith.constant 0.000000e+00 : f32
          %max3A_369 = vector.broadcast %max3A_368 : f32 to vector<16xf32>
          %max3A_370 = arith.maximumf %add3A_367, %max3A_369 : vector<16xf32>
          %mul3A_371 = arith.mulf %max3A_370, %get3A_360 : vector<16xf32>
          %add3A_372 = arith.addf %add3A_366, %mul3A_371 : vector<16xf32>
          %add3A_373 = arith.addf %bitcast3A_335, %bitcast3A_355 : vector<16xf32>
          %max3A_374 = arith.constant 0.000000e+00 : f32
          %max3A_375 = vector.broadcast %max3A_374 : f32 to vector<16xf32>
          %max3A_376 = arith.maximumf %add3A_373, %max3A_375 : vector<16xf32>
          %mul3A_377 = arith.mulf %max3A_376, %get3A_358 : vector<16xf32>
          %add3A_378 = arith.addf %add3A_326, %mul3A_377 : vector<16xf32>
          %add3A_379 = arith.addf %bitcast3A_336, %bitcast3A_356 : vector<16xf32>
          %max3A_380 = arith.constant 0.000000e+00 : f32
          %max3A_381 = vector.broadcast %max3A_380 : f32 to vector<16xf32>
          %max3A_382 = arith.maximumf %add3A_379, %max3A_381 : vector<16xf32>
          %mul3A_383 = arith.mulf %max3A_382, %get3A_360 : vector<16xf32>
          %add3A_384 = arith.addf %add3A_378, %mul3A_383 : vector<16xf32>
          %get3A_385 = arith.constant 1 : i32
          %get3A_386 = arith.index_cast %get3A_385 : i32 to index
          %get3A_387 = arith.index_cast %add3A_213 : i32 to index
          %get3A_388 = arith.constant 48 : index
          %get3A_389 = tpu.vector_load %arg13[%get3A_386, %get3A_387, %get3A_388] {strides = array<i32>} : memref<2x128x128xi32, #tpu.memory_space<vmem>>, vector<16xi32>,
          %shift_left3A_390 = arith.constant 16 : i32
          %shift_left3A_391 = vector.broadcast %shift_left3A_390 : i32 to vector<16xi32>
          %shift_left3A_392 = arith.shli %get3A_389, %shift_left3A_391 : vector<16xi32>
          %bitcast3A_393 = vector.bitcast %shift_left3A_392 : vector<16xi32> to vector<16xf32>
          %bitcast3A_394 = vector.bitcast %get3A_389 : vector<16xi32> to vector<16xf32>
          %get3A_395 = arith.constant 1 : i32
          %get3A_396 = arith.index_cast %get3A_395 : i32 to index
          %get3A_397 = arith.index_cast %add3A_213 : i32 to index
          %get3A_398 = arith.constant 48 : index
          %get3A_399 = tpu.vector_load %arg14[%get3A_396, %get3A_397, %get3A_398] {strides = array<i32>} : memref<2x128x128xi32, #tpu.memory_space<vmem>>, vector<16xi32>,
          %shift_left3A_400 = arith.constant 16 : i32
          %shift_left3A_401 = vector.broadcast %shift_left3A_400 : i32 to vector<16xi32>
          %shift_left3A_402 = arith.shli %get3A_399, %shift_left3A_401 : vector<16xi32>
          %bitcast3A_403 = vector.bitcast %shift_left3A_402 : vector<16xi32> to vector<16xf32>
          %bitcast3A_404 = vector.bitcast %get3A_399 : vector<16xi32> to vector<16xf32>
          %get3A_405 = arith.constant 1 : i32
          %get3A_406 = arith.index_cast %get3A_405 : i32 to index
          %get3A_407 = arith.index_cast %add3A_213 : i32 to index
          %get3A_408 = arith.constant 48 : index
          %get3A_409 = tpu.vector_load %arg15[%get3A_406, %get3A_407, %get3A_408] {strides = array<i32>} : memref<2x128x128xi32, #tpu.memory_space<vmem>>, vector<16xi32>,
          %shift_left3A_410 = arith.constant 16 : i32
          %shift_left3A_411 = vector.broadcast %shift_left3A_410 : i32 to vector<16xi32>
          %shift_left3A_412 = arith.shli %get3A_409, %shift_left3A_411 : vector<16xi32>
          %bitcast3A_413 = vector.bitcast %shift_left3A_412 : vector<16xi32> to vector<16xf32>
          %bitcast3A_414 = vector.bitcast %get3A_409 : vector<16xi32> to vector<16xf32>
          %get3A_415 = arith.constant 96 : index
          %get3A_416 = tpu.vector_load %arg18[%get3A_415] {strides = array<i32>} : memref<272xf32, #tpu.memory_space<vmem>>, vector<16xf32>,
          %get3A_417 = arith.constant 112 : index
          %get3A_418 = tpu.vector_load %arg18[%get3A_417] {strides = array<i32>} : memref<272xf32, #tpu.memory_space<vmem>>, vector<16xf32>,
          %add3A_419 = arith.addf %bitcast3A_393, %bitcast3A_403 : vector<16xf32>
          %max3A_420 = arith.constant 0.000000e+00 : f32
          %max3A_421 = vector.broadcast %max3A_420 : f32 to vector<16xf32>
          %max3A_422 = arith.maximumf %add3A_419, %max3A_421 : vector<16xf32>
          %mul3A_423 = arith.mulf %max3A_422, %get3A_416 : vector<16xf32>
          %add3A_424 = arith.addf %add3A_372, %mul3A_423 : vector<16xf32>
          %add3A_425 = arith.addf %bitcast3A_394, %bitcast3A_404 : vector<16xf32>
          %max3A_426 = arith.constant 0.000000e+00 : f32
          %max3A_427 = vector.broadcast %max3A_426 : f32 to vector<16xf32>
          %max3A_428 = arith.maximumf %add3A_425, %max3A_427 : vector<16xf32>
          %mul3A_429 = arith.mulf %max3A_428, %get3A_418 : vector<16xf32>
          %add3A_430 = arith.addf %add3A_424, %mul3A_429 : vector<16xf32>
          %add3A_431 = arith.addf %bitcast3A_393, %bitcast3A_413 : vector<16xf32>
          %max3A_432 = arith.constant 0.000000e+00 : f32
          %max3A_433 = vector.broadcast %max3A_432 : f32 to vector<16xf32>
          %max3A_434 = arith.maximumf %add3A_431, %max3A_433 : vector<16xf32>
          %mul3A_435 = arith.mulf %max3A_434, %get3A_416 : vector<16xf32>
          %add3A_436 = arith.addf %add3A_384, %mul3A_435 : vector<16xf32>
          %add3A_437 = arith.addf %bitcast3A_394, %bitcast3A_414 : vector<16xf32>
          %max3A_438 = arith.constant 0.000000e+00 : f32
          %max3A_439 = vector.broadcast %max3A_438 : f32 to vector<16xf32>
          %max3A_440 = arith.maximumf %add3A_437, %max3A_439 : vector<16xf32>
          %mul3A_441 = arith.mulf %max3A_440, %get3A_418 : vector<16xf32>
          %add3A_442 = arith.addf %add3A_436, %mul3A_441 : vector<16xf32>
          %get3A_443 = arith.constant 1 : i32
          %get3A_444 = arith.index_cast %get3A_443 : i32 to index
          %get3A_445 = arith.index_cast %add3A_213 : i32 to index
          %get3A_446 = arith.constant 64 : index
          %get3A_447 = tpu.vector_load %arg13[%get3A_444, %get3A_445, %get3A_446] {strides = array<i32>} : memref<2x128x128xi32, #tpu.memory_space<vmem>>, vector<16xi32>,
          %shift_left3A_448 = arith.constant 16 : i32
          %shift_left3A_449 = vector.broadcast %shift_left3A_448 : i32 to vector<16xi32>
          %shift_left3A_450 = arith.shli %get3A_447, %shift_left3A_449 : vector<16xi32>
          %bitcast3A_451 = vector.bitcast %shift_left3A_450 : vector<16xi32> to vector<16xf32>
          %bitcast3A_452 = vector.bitcast %get3A_447 : vector<16xi32> to vector<16xf32>
          %get3A_453 = arith.constant 1 : i32
          %get3A_454 = arith.index_cast %get3A_453 : i32 to index
          %get3A_455 = arith.index_cast %add3A_213 : i32 to index
          %get3A_456 = arith.constant 64 : index
          %get3A_457 = tpu.vector_load %arg14[%get3A_454, %get3A_455, %get3A_456] {strides = array<i32>} : memref<2x128x128xi32, #tpu.memory_space<vmem>>, vector<16xi32>,
          %shift_left3A_458 = arith.constant 16 : i32
          %shift_left3A_459 = vector.broadcast %shift_left3A_458 : i32 to vector<16xi32>
          %shift_left3A_460 = arith.shli %get3A_457, %shift_left3A_459 : vector<16xi32>
          %bitcast3A_461 = vector.bitcast %shift_left3A_460 : vector<16xi32> to vector<16xf32>
          %bitcast3A_462 = vector.bitcast %get3A_457 : vector<16xi32> to vector<16xf32>
          %get3A_463 = arith.constant 1 : i32
          %get3A_464 = arith.index_cast %get3A_463 : i32 to index
          %get3A_465 = arith.index_cast %add3A_213 : i32 to index
          %get3A_466 = arith.constant 64 : index
          %get3A_467 = tpu.vector_load %arg15[%get3A_464, %get3A_465, %get3A_466] {strides = array<i32>} : memref<2x128x128xi32, #tpu.memory_space<vmem>>, vector<16xi32>,
          %shift_left3A_468 = arith.constant 16 : i32
          %shift_left3A_469 = vector.broadcast %shift_left3A_468 : i32 to vector<16xi32>
          %shift_left3A_470 = arith.shli %get3A_467, %shift_left3A_469 : vector<16xi32>
          %bitcast3A_471 = vector.bitcast %shift_left3A_470 : vector<16xi32> to vector<16xf32>
          %bitcast3A_472 = vector.bitcast %get3A_467 : vector<16xi32> to vector<16xf32>
          %get3A_473 = arith.constant 128 : index
          %get3A_474 = tpu.vector_load %arg18[%get3A_473] {strides = array<i32>} : memref<272xf32, #tpu.memory_space<vmem>>, vector<16xf32>,
          %get3A_475 = arith.constant 144 : index
          %get3A_476 = tpu.vector_load %arg18[%get3A_475] {strides = array<i32>} : memref<272xf32, #tpu.memory_space<vmem>>, vector<16xf32>,
          %add3A_477 = arith.addf %bitcast3A_451, %bitcast3A_461 : vector<16xf32>
          %max3A_478 = arith.constant 0.000000e+00 : f32
          %max3A_479 = vector.broadcast %max3A_478 : f32 to vector<16xf32>
          %max3A_480 = arith.maximumf %add3A_477, %max3A_479 : vector<16xf32>
          %mul3A_481 = arith.mulf %max3A_480, %get3A_474 : vector<16xf32>
          %add3A_482 = arith.addf %add3A_430, %mul3A_481 : vector<16xf32>
          %add3A_483 = arith.addf %bitcast3A_452, %bitcast3A_462 : vector<16xf32>
          %max3A_484 = arith.constant 0.000000e+00 : f32
          %max3A_485 = vector.broadcast %max3A_484 : f32 to vector<16xf32>
          %max3A_486 = arith.maximumf %add3A_483, %max3A_485 : vector<16xf32>
          %mul3A_487 = arith.mulf %max3A_486, %get3A_476 : vector<16xf32>
          %add3A_488 = arith.addf %add3A_482, %mul3A_487 : vector<16xf32>
          %add3A_489 = arith.addf %bitcast3A_451, %bitcast3A_471 : vector<16xf32>
          %max3A_490 = arith.constant 0.000000e+00 : f32
          %max3A_491 = vector.broadcast %max3A_490 : f32 to vector<16xf32>
          %max3A_492 = arith.maximumf %add3A_489, %max3A_491 : vector<16xf32>
          %mul3A_493 = arith.mulf %max3A_492, %get3A_474 : vector<16xf32>
          %add3A_494 = arith.addf %add3A_442, %mul3A_493 : vector<16xf32>
          %add3A_495 = arith.addf %bitcast3A_452, %bitcast3A_472 : vector<16xf32>
          %max3A_496 = arith.constant 0.000000e+00 : f32
          %max3A_497 = vector.broadcast %max3A_496 : f32 to vector<16xf32>
          %max3A_498 = arith.maximumf %add3A_495, %max3A_497 : vector<16xf32>
          %mul3A_499 = arith.mulf %max3A_498, %get3A_476 : vector<16xf32>
          %add3A_500 = arith.addf %add3A_494, %mul3A_499 : vector<16xf32>
          %get3A_501 = arith.constant 1 : i32
          %get3A_502 = arith.index_cast %get3A_501 : i32 to index
          %get3A_503 = arith.index_cast %add3A_213 : i32 to index
          %get3A_504 = arith.constant 80 : index
          %get3A_505 = tpu.vector_load %arg13[%get3A_502, %get3A_503, %get3A_504] {strides = array<i32>} : memref<2x128x128xi32, #tpu.memory_space<vmem>>, vector<16xi32>,
          %shift_left3A_506 = arith.constant 16 : i32
          %shift_left3A_507 = vector.broadcast %shift_left3A_506 : i32 to vector<16xi32>
          %shift_left3A_508 = arith.shli %get3A_505, %shift_left3A_507 : vector<16xi32>
          %bitcast3A_509 = vector.bitcast %shift_left3A_508 : vector<16xi32> to vector<16xf32>
          %bitcast3A_510 = vector.bitcast %get3A_505 : vector<16xi32> to vector<16xf32>
          %get3A_511 = arith.constant 1 : i32
          %get3A_512 = arith.index_cast %get3A_511 : i32 to index
          %get3A_513 = arith.index_cast %add3A_213 : i32 to index
          %get3A_514 = arith.constant 80 : index
          %get3A_515 = tpu.vector_load %arg14[%get3A_512, %get3A_513, %get3A_514] {strides = array<i32>} : memref<2x128x128xi32, #tpu.memory_space<vmem>>, vector<16xi32>,
          %shift_left3A_516 = arith.constant 16 : i32
          %shift_left3A_517 = vector.broadcast %shift_left3A_516 : i32 to vector<16xi32>
          %shift_left3A_518 = arith.shli %get3A_515, %shift_left3A_517 : vector<16xi32>
          %bitcast3A_519 = vector.bitcast %shift_left3A_518 : vector<16xi32> to vector<16xf32>
          %bitcast3A_520 = vector.bitcast %get3A_515 : vector<16xi32> to vector<16xf32>
          %get3A_521 = arith.constant 1 : i32
          %get3A_522 = arith.index_cast %get3A_521 : i32 to index
          %get3A_523 = arith.index_cast %add3A_213 : i32 to index
          %get3A_524 = arith.constant 80 : index
          %get3A_525 = tpu.vector_load %arg15[%get3A_522, %get3A_523, %get3A_524] {strides = array<i32>} : memref<2x128x128xi32, #tpu.memory_space<vmem>>, vector<16xi32>,
          %shift_left3A_526 = arith.constant 16 : i32
          %shift_left3A_527 = vector.broadcast %shift_left3A_526 : i32 to vector<16xi32>
          %shift_left3A_528 = arith.shli %get3A_525, %shift_left3A_527 : vector<16xi32>
          %bitcast3A_529 = vector.bitcast %shift_left3A_528 : vector<16xi32> to vector<16xf32>
          %bitcast3A_530 = vector.bitcast %get3A_525 : vector<16xi32> to vector<16xf32>
          %get3A_531 = arith.constant 160 : index
          %get3A_532 = tpu.vector_load %arg18[%get3A_531] {strides = array<i32>} : memref<272xf32, #tpu.memory_space<vmem>>, vector<16xf32>,
          %get3A_533 = arith.constant 176 : index
          %get3A_534 = tpu.vector_load %arg18[%get3A_533] {strides = array<i32>} : memref<272xf32, #tpu.memory_space<vmem>>, vector<16xf32>,
          %add3A_535 = arith.addf %bitcast3A_509, %bitcast3A_519 : vector<16xf32>
          %max3A_536 = arith.constant 0.000000e+00 : f32
          %max3A_537 = vector.broadcast %max3A_536 : f32 to vector<16xf32>
          %max3A_538 = arith.maximumf %add3A_535, %max3A_537 : vector<16xf32>
          %mul3A_539 = arith.mulf %max3A_538, %get3A_532 : vector<16xf32>
          %add3A_540 = arith.addf %add3A_488, %mul3A_539 : vector<16xf32>
          %add3A_541 = arith.addf %bitcast3A_510, %bitcast3A_520 : vector<16xf32>
          %max3A_542 = arith.constant 0.000000e+00 : f32
          %max3A_543 = vector.broadcast %max3A_542 : f32 to vector<16xf32>
          %max3A_544 = arith.maximumf %add3A_541, %max3A_543 : vector<16xf32>
          %mul3A_545 = arith.mulf %max3A_544, %get3A_534 : vector<16xf32>
          %add3A_546 = arith.addf %add3A_540, %mul3A_545 : vector<16xf32>
          %add3A_547 = arith.addf %bitcast3A_509, %bitcast3A_529 : vector<16xf32>
          %max3A_548 = arith.constant 0.000000e+00 : f32
          %max3A_549 = vector.broadcast %max3A_548 : f32 to vector<16xf32>
          %max3A_550 = arith.maximumf %add3A_547, %max3A_549 : vector<16xf32>
          %mul3A_551 = arith.mulf %max3A_550, %get3A_532 : vector<16xf32>
          %add3A_552 = arith.addf %add3A_500, %mul3A_551 : vector<16xf32>
          %add3A_553 = arith.addf %bitcast3A_510, %bitcast3A_530 : vector<16xf32>
          %max3A_554 = arith.constant 0.000000e+00 : f32
          %max3A_555 = vector.broadcast %max3A_554 : f32 to vector<16xf32>
          %max3A_556 = arith.maximumf %add3A_553, %max3A_555 : vector<16xf32>
          %mul3A_557 = arith.mulf %max3A_556, %get3A_534 : vector<16xf32>
          %add3A_558 = arith.addf %add3A_552, %mul3A_557 : vector<16xf32>
          %get3A_559 = arith.constant 1 : i32
          %get3A_560 = arith.index_cast %get3A_559 : i32 to index
          %get3A_561 = arith.index_cast %add3A_213 : i32 to index
          %get3A_562 = arith.constant 96 : index
          %get3A_563 = tpu.vector_load %arg13[%get3A_560, %get3A_561, %get3A_562] {strides = array<i32>} : memref<2x128x128xi32, #tpu.memory_space<vmem>>, vector<16xi32>,
          %shift_left3A_564 = arith.constant 16 : i32
          %shift_left3A_565 = vector.broadcast %shift_left3A_564 : i32 to vector<16xi32>
          %shift_left3A_566 = arith.shli %get3A_563, %shift_left3A_565 : vector<16xi32>
          %bitcast3A_567 = vector.bitcast %shift_left3A_566 : vector<16xi32> to vector<16xf32>
          %bitcast3A_568 = vector.bitcast %get3A_563 : vector<16xi32> to vector<16xf32>
          %get3A_569 = arith.constant 1 : i32
          %get3A_570 = arith.index_cast %get3A_569 : i32 to index
          %get3A_571 = arith.index_cast %add3A_213 : i32 to index
          %get3A_572 = arith.constant 96 : index
          %get3A_573 = tpu.vector_load %arg14[%get3A_570, %get3A_571, %get3A_572] {strides = array<i32>} : memref<2x128x128xi32, #tpu.memory_space<vmem>>, vector<16xi32>,
          %shift_left3A_574 = arith.constant 16 : i32
          %shift_left3A_575 = vector.broadcast %shift_left3A_574 : i32 to vector<16xi32>
          %shift_left3A_576 = arith.shli %get3A_573, %shift_left3A_575 : vector<16xi32>
          %bitcast3A_577 = vector.bitcast %shift_left3A_576 : vector<16xi32> to vector<16xf32>
          %bitcast3A_578 = vector.bitcast %get3A_573 : vector<16xi32> to vector<16xf32>
          %get3A_579 = arith.constant 1 : i32
          %get3A_580 = arith.index_cast %get3A_579 : i32 to index
          %get3A_581 = arith.index_cast %add3A_213 : i32 to index
          %get3A_582 = arith.constant 96 : index
          %get3A_583 = tpu.vector_load %arg15[%get3A_580, %get3A_581, %get3A_582] {strides = array<i32>} : memref<2x128x128xi32, #tpu.memory_space<vmem>>, vector<16xi32>,
          %shift_left3A_584 = arith.constant 16 : i32
          %shift_left3A_585 = vector.broadcast %shift_left3A_584 : i32 to vector<16xi32>
          %shift_left3A_586 = arith.shli %get3A_583, %shift_left3A_585 : vector<16xi32>
          %bitcast3A_587 = vector.bitcast %shift_left3A_586 : vector<16xi32> to vector<16xf32>
          %bitcast3A_588 = vector.bitcast %get3A_583 : vector<16xi32> to vector<16xf32>
          %get3A_589 = arith.constant 192 : index
          %get3A_590 = tpu.vector_load %arg18[%get3A_589] {strides = array<i32>} : memref<272xf32, #tpu.memory_space<vmem>>, vector<16xf32>,
          %get3A_591 = arith.constant 208 : index
          %get3A_592 = tpu.vector_load %arg18[%get3A_591] {strides = array<i32>} : memref<272xf32, #tpu.memory_space<vmem>>, vector<16xf32>,
          %add3A_593 = arith.addf %bitcast3A_567, %bitcast3A_577 : vector<16xf32>
          %max3A_594 = arith.constant 0.000000e+00 : f32
          %max3A_595 = vector.broadcast %max3A_594 : f32 to vector<16xf32>
          %max3A_596 = arith.maximumf %add3A_593, %max3A_595 : vector<16xf32>
          %mul3A_597 = arith.mulf %max3A_596, %get3A_590 : vector<16xf32>
          %add3A_598 = arith.addf %add3A_546, %mul3A_597 : vector<16xf32>
          %add3A_599 = arith.addf %bitcast3A_568, %bitcast3A_578 : vector<16xf32>
          %max3A_600 = arith.constant 0.000000e+00 : f32
          %max3A_601 = vector.broadcast %max3A_600 : f32 to vector<16xf32>
          %max3A_602 = arith.maximumf %add3A_599, %max3A_601 : vector<16xf32>
          %mul3A_603 = arith.mulf %max3A_602, %get3A_592 : vector<16xf32>
          %add3A_604 = arith.addf %add3A_598, %mul3A_603 : vector<16xf32>
          %add3A_605 = arith.addf %bitcast3A_567, %bitcast3A_587 : vector<16xf32>
          %max3A_606 = arith.constant 0.000000e+00 : f32
          %max3A_607 = vector.broadcast %max3A_606 : f32 to vector<16xf32>
          %max3A_608 = arith.maximumf %add3A_605, %max3A_607 : vector<16xf32>
          %mul3A_609 = arith.mulf %max3A_608, %get3A_590 : vector<16xf32>
          %add3A_610 = arith.addf %add3A_558, %mul3A_609 : vector<16xf32>
          %add3A_611 = arith.addf %bitcast3A_568, %bitcast3A_588 : vector<16xf32>
          %max3A_612 = arith.constant 0.000000e+00 : f32
          %max3A_613 = vector.broadcast %max3A_612 : f32 to vector<16xf32>
          %max3A_614 = arith.maximumf %add3A_611, %max3A_613 : vector<16xf32>
          %mul3A_615 = arith.mulf %max3A_614, %get3A_592 : vector<16xf32>
          %add3A_616 = arith.addf %add3A_610, %mul3A_615 : vector<16xf32>
          %get3A_617 = arith.constant 1 : i32
          %get3A_618 = arith.index_cast %get3A_617 : i32 to index
          %get3A_619 = arith.index_cast %add3A_213 : i32 to index
          %get3A_620 = arith.constant 112 : index
          %get3A_621 = tpu.vector_load %arg13[%get3A_618, %get3A_619, %get3A_620] {strides = array<i32>} : memref<2x128x128xi32, #tpu.memory_space<vmem>>, vector<16xi32>,
          %shift_left3A_622 = arith.constant 16 : i32
          %shift_left3A_623 = vector.broadcast %shift_left3A_622 : i32 to vector<16xi32>
          %shift_left3A_624 = arith.shli %get3A_621, %shift_left3A_623 : vector<16xi32>
          %bitcast3A_625 = vector.bitcast %shift_left3A_624 : vector<16xi32> to vector<16xf32>
          %bitcast3A_626 = vector.bitcast %get3A_621 : vector<16xi32> to vector<16xf32>
          %get3A_627 = arith.constant 1 : i32
          %get3A_628 = arith.index_cast %get3A_627 : i32 to index
          %get3A_629 = arith.index_cast %add3A_213 : i32 to index
          %get3A_630 = arith.constant 112 : index
          %get3A_631 = tpu.vector_load %arg14[%get3A_628, %get3A_629, %get3A_630] {strides = array<i32>} : memref<2x128x128xi32, #tpu.memory_space<vmem>>, vector<16xi32>,
          %shift_left3A_632 = arith.constant 16 : i32
          %shift_left3A_633 = vector.broadcast %shift_left3A_632 : i32 to vector<16xi32>
          %shift_left3A_634 = arith.shli %get3A_631, %shift_left3A_633 : vector<16xi32>
          %bitcast3A_635 = vector.bitcast %shift_left3A_634 : vector<16xi32> to vector<16xf32>
          %bitcast3A_636 = vector.bitcast %get3A_631 : vector<16xi32> to vector<16xf32>
          %get3A_637 = arith.constant 1 : i32
          %get3A_638 = arith.index_cast %get3A_637 : i32 to index
          %get3A_639 = arith.index_cast %add3A_213 : i32 to index
          %get3A_640 = arith.constant 112 : index
          %get3A_641 = tpu.vector_load %arg15[%get3A_638, %get3A_639, %get3A_640] {strides = array<i32>} : memref<2x128x128xi32, #tpu.memory_space<vmem>>, vector<16xi32>,
          %shift_left3A_642 = arith.constant 16 : i32
          %shift_left3A_643 = vector.broadcast %shift_left3A_642 : i32 to vector<16xi32>
          %shift_left3A_644 = arith.shli %get3A_641, %shift_left3A_643 : vector<16xi32>
          %bitcast3A_645 = vector.bitcast %shift_left3A_644 : vector<16xi32> to vector<16xf32>
          %bitcast3A_646 = vector.bitcast %get3A_641 : vector<16xi32> to vector<16xf32>
          %get3A_647 = arith.constant 224 : index
          %get3A_648 = tpu.vector_load %arg18[%get3A_647] {strides = array<i32>} : memref<272xf32, #tpu.memory_space<vmem>>, vector<16xf32>,
          %get3A_649 = arith.constant 240 : index
          %get3A_650 = tpu.vector_load %arg18[%get3A_649] {strides = array<i32>} : memref<272xf32, #tpu.memory_space<vmem>>, vector<16xf32>,
          %add3A_651 = arith.addf %bitcast3A_625, %bitcast3A_635 : vector<16xf32>
          %max3A_652 = arith.constant 0.000000e+00 : f32
          %max3A_653 = vector.broadcast %max3A_652 : f32 to vector<16xf32>
          %max3A_654 = arith.maximumf %add3A_651, %max3A_653 : vector<16xf32>
          %mul3A_655 = arith.mulf %max3A_654, %get3A_648 : vector<16xf32>
          %add3A_656 = arith.addf %add3A_604, %mul3A_655 : vector<16xf32>
          %add3A_657 = arith.addf %bitcast3A_626, %bitcast3A_636 : vector<16xf32>
          %max3A_658 = arith.constant 0.000000e+00 : f32
          %max3A_659 = vector.broadcast %max3A_658 : f32 to vector<16xf32>
          %max3A_660 = arith.maximumf %add3A_657, %max3A_659 : vector<16xf32>
          %mul3A_661 = arith.mulf %max3A_660, %get3A_650 : vector<16xf32>
          %add3A_662 = arith.addf %add3A_656, %mul3A_661 : vector<16xf32>
          %add3A_663 = arith.addf %bitcast3A_625, %bitcast3A_645 : vector<16xf32>
          %max3A_664 = arith.constant 0.000000e+00 : f32
          %max3A_665 = vector.broadcast %max3A_664 : f32 to vector<16xf32>
          %max3A_666 = arith.maximumf %add3A_663, %max3A_665 : vector<16xf32>
          %mul3A_667 = arith.mulf %max3A_666, %get3A_648 : vector<16xf32>
          %add3A_668 = arith.addf %add3A_616, %mul3A_667 : vector<16xf32>
          %add3A_669 = arith.addf %bitcast3A_626, %bitcast3A_646 : vector<16xf32>
          %max3A_670 = arith.constant 0.000000e+00 : f32
          %max3A_671 = vector.broadcast %max3A_670 : f32 to vector<16xf32>
          %max3A_672 = arith.maximumf %add3A_669, %max3A_671 : vector<16xf32>
          %mul3A_673 = arith.mulf %max3A_672, %get3A_650 : vector<16xf32>
          %add3A_674 = arith.addf %add3A_668, %mul3A_673 : vector<16xf32>
          %reduce_sum3A = arith.constant true
          %reduce_sum3A_675 = vector.broadcast %reduce_sum3A : i1 to vector<16xi1>
          %reduce_sum3A_676 = tpu.scan <sum>, %add3A_662 masked %reduce_sum3A_675 : vector<16xf32>, vector<16xi1> -> vector<16xf32>
          %reduce_sum3A_677 = vector.extract %reduce_sum3A_676[15] : f32 from vector<16xf32>
          %reduce_sum3A_678 = arith.constant true
          %reduce_sum3A_679 = vector.broadcast %reduce_sum3A_678 : i1 to vector<16xi1>
          %reduce_sum3A_680 = tpu.scan <sum>, %add3A_674 masked %reduce_sum3A_679 : vector<16xf32>, vector<16xi1> -> vector<16xf32>
          %reduce_sum3A_681 = vector.extract %reduce_sum3A_680[15] : f32 from vector<16xf32>
          %eq3A_682 = vector.broadcast %scan3A_208 : i32 to vector<16xi32>
          %eq3A_683 = arith.cmpi eq, %iota3A, %eq3A_682 : vector<16xi32>
          %broadcast_in_dim3A_684 = vector.broadcast %reduce_sum3A_677 : f32 to vector<16xf32>
          %select_n3A_685 = arith.select %eq3A_683, %broadcast_in_dim3A_684, %scan3A_209 : vector<16xi1>, vector<16xf32>
          %broadcast_in_dim3A_686 = vector.broadcast %reduce_sum3A_681 : f32 to vector<16xf32>
          %select_n3A_687 = arith.select %eq3A_683, %broadcast_in_dim3A_686, %scan3A_210 : vector<16xi1>, vector<16xf32>
          scf.yield %select_n3A_685, %select_n3A_687 : vector<16xf32>, vector<16xf32>
        }
        %scan3A_200 = arith.constant 16 : i32
        %mul3A_201 = arith.constant 16 : i32
        %mul3A_202 = arith.muli %scan3A_191, %mul3A_201 : i32
        %swap3A = arith.index_cast %mul3A_202 : i32 to index
        %swap3A_203 = tpu.vector_load %arg16[%swap3A] {strides = array<i32>} : memref<128xf32, #tpu.memory_space<vmem>>, vector<16xf32>,
        tpu.vector_store %arg16[%swap3A], %scan3A_199#0 {strides = array<i32>} : memref<128xf32, #tpu.memory_space<vmem>>, vector<16xf32>,
        %mul3A_204 = arith.constant 16 : i32
        %mul3A_205 = arith.muli %scan3A_191, %mul3A_204 : i32
        %swap3A_206 = arith.index_cast %mul3A_205 : i32 to index
        %swap3A_207 = tpu.vector_load %arg17[%swap3A_206] {strides = array<i32>} : memref<128xf32, #tpu.memory_space<vmem>>, vector<16xf32>,
        tpu.vector_store %arg17[%swap3A_206], %scan3A_199#1 {strides = array<i32>} : memref<128xf32, #tpu.memory_space<vmem>>, vector<16xf32>,
      }
      %scan3A_187 = arith.constant 8 : i32
      %mul3A_188 = arith.constant 128 : i32
      %mul3A_189 = arith.muli %add3A_181, %mul3A_188 : i32
      %add3A_190 = arith.addi %mul3A_6, %mul3A_189 : i32
      "tpu.region"() ({
        %run_scoped3A = tpu.sem_alloc : memref<!tpu.dma_semaphore, #tpu.memory_space<semaphore_mem>>
        %dma_start3A_191 = tpu.memref_slice %arg8[%add3A_190] : memref<163840xf32, #tpu.memory_space<hbm>> -> memref<128xf32, #tpu.memory_space<hbm>>
        %dma_start3A_192 = tpu.memref_slice %arg8[%add3A_190] : memref<163840xf32, #tpu.memory_space<hbm>> -> memref<128xf32, #tpu.memory_space<hbm>>
        tpu.enqueue_dma source(%arg16 : memref<128xf32, #tpu.memory_space<vmem>>) target(%dma_start3A_192 : memref<128xf32, #tpu.memory_space<hbm>>) target_semaphore(%run_scoped3A : memref<!tpu.dma_semaphore, #tpu.memory_space<semaphore_mem>>)
        %dma_wait3A_193 = tpu.memref_slice %arg8[%add3A_190] : memref<163840xf32, #tpu.memory_space<hbm>> -> memref<128xf32, #tpu.memory_space<hbm>>
        %dma_wait3A_194 = tpu.memref_slice %arg8[%add3A_190] : memref<163840xf32, #tpu.memory_space<hbm>> -> memref<128xf32, #tpu.memory_space<hbm>>
        tpu.wait_dma2 semaphore(%run_scoped3A : memref<!tpu.dma_semaphore, #tpu.memory_space<semaphore_mem>>) src(%arg16 : memref<128xf32, #tpu.memory_space<vmem>>) dst(%dma_wait3A_194 : memref<128xf32, #tpu.memory_space<hbm>>)
        tpu.yield
      }) : () -> ()
      "tpu.region"() ({
        %run_scoped3A = tpu.sem_alloc : memref<!tpu.dma_semaphore, #tpu.memory_space<semaphore_mem>>
        %dma_start3A_191 = tpu.memref_slice %arg9[%add3A_190] : memref<163840xf32, #tpu.memory_space<hbm>> -> memref<128xf32, #tpu.memory_space<hbm>>
        %dma_start3A_192 = tpu.memref_slice %arg9[%add3A_190] : memref<163840xf32, #tpu.memory_space<hbm>> -> memref<128xf32, #tpu.memory_space<hbm>>
        tpu.enqueue_dma source(%arg17 : memref<128xf32, #tpu.memory_space<vmem>>) target(%dma_start3A_192 : memref<128xf32, #tpu.memory_space<hbm>>) target_semaphore(%run_scoped3A : memref<!tpu.dma_semaphore, #tpu.memory_space<semaphore_mem>>)
        %dma_wait3A_193 = tpu.memref_slice %arg9[%add3A_190] : memref<163840xf32, #tpu.memory_space<hbm>> -> memref<128xf32, #tpu.memory_space<hbm>>
        %dma_wait3A_194 = tpu.memref_slice %arg9[%add3A_190] : memref<163840xf32, #tpu.memory_space<hbm>> -> memref<128xf32, #tpu.memory_space<hbm>>
        tpu.wait_dma2 semaphore(%run_scoped3A : memref<!tpu.dma_semaphore, #tpu.memory_space<semaphore_mem>>) src(%arg17 : memref<128xf32, #tpu.memory_space<vmem>>) dst(%dma_wait3A_194 : memref<128xf32, #tpu.memory_space<hbm>>)
        tpu.yield
      }) : () -> ()
    }
    %while3A_74 = arith.constant 1 : i32
    scf.for %while3A_75 = %while3A_72 to %while3A_68 step %while3A_74  : i32 {
      %mul3A_76 = arith.constant 2 : i32
      %mul3A_77 = arith.muli %mul3A_76, %while3A_75 : i32
      %add3A_78 = arith.constant 1 : i32
      %add3A_79 = arith.addi %mul3A_77, %add3A_78 : i32
      %mul3A_80 = arith.constant 128 : i32
      %mul3A_81 = arith.muli %add3A_79, %mul3A_80 : i32
      %dma_start3A_82 = arith.constant 1 : i32
      %dma_start3A_83 = arith.constant 0 : i32
      %dma_start3A_84 = arith.constant 0 : i32
      %dma_start3A_85 = tpu.memref_slice %arg13[%dma_start3A_82, %dma_start3A_83, %dma_start3A_84] : memref<2x128x128xi32, #tpu.memory_space<vmem>> -> memref<1x128x128xi32, #tpu.memory_space<vmem>>
      %dma_start3A_86 = tpu.memref_squeeze %dma_start3A_85 : memref<1x128x128xi32, #tpu.memory_space<vmem>> -> memref<128x128xi32, #tpu.memory_space<vmem>>
      %dma_start3A_87 = tpu.memref_slice %arg10[%mul3A_81] : memref<6912xi32, #tpu.memory_space<vmem>> -> memref<128xi32, #tpu.memory_space<vmem>>
      %dma_start3A_88 = arith.constant 0 : i32
      %dma_start3A_89 = arith.constant 0 : i32
      %dma_start3A_90 = tpu.memref_slice %arg2[%dma_start3A_88, %dma_start3A_89] : memref<10000x128xi32, #tpu.memory_space<hbm>> -> memref<10000x128xi32, #tpu.memory_space<hbm>>
      tpu.enqueue_indirect_dma source(%dma_start3A_90 : memref<10000x128xi32, #tpu.memory_space<hbm>>) target(%dma_start3A_86 : memref<128x128xi32, #tpu.memory_space<vmem>>) offsets(%dma_start3A_87 : memref<128xi32, #tpu.memory_space<vmem>>) semaphore(%arg20 : memref<!tpu.dma_semaphore, #tpu.memory_space<semaphore_mem>>)
      %dma_start3A_91 = arith.constant 1 : i32
      %dma_start3A_92 = arith.constant 0 : i32
      %dma_start3A_93 = arith.constant 0 : i32
      %dma_start3A_94 = tpu.memref_slice %arg14[%dma_start3A_91, %dma_start3A_92, %dma_start3A_93] : memref<2x128x128xi32, #tpu.memory_space<vmem>> -> memref<1x128x128xi32, #tpu.memory_space<vmem>>
      %dma_start3A_95 = tpu.memref_squeeze %dma_start3A_94 : memref<1x128x128xi32, #tpu.memory_space<vmem>> -> memref<128x128xi32, #tpu.memory_space<vmem>>
      %dma_start3A_96 = tpu.memref_slice %arg11[%mul3A_81] : memref<6912xi32, #tpu.memory_space<vmem>> -> memref<128xi32, #tpu.memory_space<vmem>>
      %dma_start3A_97 = arith.constant 0 : i32
      %dma_start3A_98 = arith.constant 0 : i32
      %dma_start3A_99 = tpu.memref_slice %arg3[%dma_start3A_97, %dma_start3A_98] : memref<10000x128xi32, #tpu.memory_space<hbm>> -> memref<10000x128xi32, #tpu.memory_space<hbm>>
      tpu.enqueue_indirect_dma source(%dma_start3A_99 : memref<10000x128xi32, #tpu.memory_space<hbm>>) target(%dma_start3A_95 : memref<128x128xi32, #tpu.memory_space<vmem>>) offsets(%dma_start3A_96 : memref<128xi32, #tpu.memory_space<vmem>>) semaphore(%arg20 : memref<!tpu.dma_semaphore, #tpu.memory_space<semaphore_mem>>)
      %dma_start3A_100 = arith.constant 1 : i32
      %dma_start3A_101 = arith.constant 0 : i32
      %dma_start3A_102 = arith.constant 0 : i32
      %dma_start3A_103 = tpu.memref_slice %arg15[%dma_start3A_100, %dma_start3A_101, %dma_start3A_102] : memref<2x128x128xi32, #tpu.memory_space<vmem>> -> memref<1x128x128xi32, #tpu.memory_space<vmem>>
      %dma_start3A_104 = tpu.memref_squeeze %dma_start3A_103 : memref<1x128x128xi32, #tpu.memory_space<vmem>> -> memref<128x128xi32, #tpu.memory_space<vmem>>
      %dma_start3A_105 = tpu.memref_slice %arg12[%mul3A_81] : memref<6912xi32, #tpu.memory_space<vmem>> -> memref<128xi32, #tpu.memory_space<vmem>>
      %dma_start3A_106 = arith.constant 0 : i32
      %dma_start3A_107 = arith.constant 0 : i32
      %dma_start3A_108 = tpu.memref_slice %arg3[%dma_start3A_106, %dma_start3A_107] : memref<10000x128xi32, #tpu.memory_space<hbm>> -> memref<10000x128xi32, #tpu.memory_space<hbm>>
      tpu.enqueue_indirect_dma source(%dma_start3A_108 : memref<10000x128xi32, #tpu.memory_space<hbm>>) target(%dma_start3A_104 : memref<128x128xi32, #tpu.memory_space<vmem>>) offsets(%dma_start3A_105 : memref<128xi32, #tpu.memory_space<vmem>>) semaphore(%arg20 : memref<!tpu.dma_semaphore, #tpu.memory_space<semaphore_mem>>)
      %mul3A_109 = arith.constant 128 : i32
      %mul3A_110 = arith.muli %mul3A_77, %mul3A_109 : i32
      %dma_wait3A_111 = arith.constant 0 : i32
      %dma_wait3A_112 = arith.constant 0 : i32
      %dma_wait3A_113 = arith.constant 0 : i32
      %dma_wait3A_114 = tpu.memref_slice %arg13[%dma_wait3A_111, %dma_wait3A_112, %dma_wait3A_113] : memref<2x128x128xi32, #tpu.memory_space<vmem>> -> memref<1x128x128xi32, #tpu.memory_space<vmem>>
      %dma_wait3A_115 = tpu.memref_squeeze %dma_wait3A_114 : memref<1x128x128xi32, #tpu.memory_space<vmem>> -> memref<128x128xi32, #tpu.memory_space<vmem>>
      %dma_wait3A_116 = tpu.memref_slice %arg10[%mul3A_110] : memref<6912xi32, #tpu.memory_space<vmem>> -> memref<128xi32, #tpu.memory_space<vmem>>
      %dma_wait3A_117 = arith.constant 0 : i32
      %dma_wait3A_118 = arith.constant 0 : i32
      %dma_wait3A_119 = tpu.memref_slice %arg2[%dma_wait3A_117, %dma_wait3A_118] : memref<10000x128xi32, #tpu.memory_space<hbm>> -> memref<10000x128xi32, #tpu.memory_space<hbm>>
      tpu.wait_indirect_dma semaphore(%arg19 : memref<!tpu.dma_semaphore, #tpu.memory_space<semaphore_mem>>) src(%dma_wait3A_119 : memref<10000x128xi32, #tpu.memory_space<hbm>>) dst(%dma_wait3A_115 : memref<128x128xi32, #tpu.memory_space<vmem>>)
      %dma_wait3A_120 = arith.constant 0 : i32
      %dma_wait3A_121 = arith.constant 0 : i32
      %dma_wait3A_122 = arith.constant 0 : i32
      %dma_wait3A_123 = tpu.memref_slice %arg14[%dma_wait3A_120, %dma_wait3A_121, %dma_wait3A_122] : memref<2x128x128xi32, #tpu.memory_space<vmem>> -> memref<1x128x128xi32, #tpu.memory_space<vmem>>
      %dma_wait3A_124 = tpu.memref_squeeze %dma_wait3A_123 : memref<1x128x128xi32, #tpu.memory_space<vmem>> -> memref<128x128xi32, #tpu.memory_space<vmem>>
      %dma_wait3A_125 = tpu.memref_slice %arg11[%mul3A_110] : memref<6912xi32, #tpu.memory_space<vmem>> -> memref<128xi32, #tpu.memory_space<vmem>>
      %dma_wait3A_126 = arith.constant 0 : i32
      %dma_wait3A_127 = arith.constant 0 : i32
      %dma_wait3A_128 = tpu.memref_slice %arg3[%dma_wait3A_126, %dma_wait3A_127] : memref<10000x128xi32, #tpu.memory_space<hbm>> -> memref<10000x128xi32, #tpu.memory_space<hbm>>
      tpu.wait_indirect_dma semaphore(%arg19 : memref<!tpu.dma_semaphore, #tpu.memory_space<semaphore_mem>>) src(%dma_wait3A_128 : memref<10000x128xi32, #tpu.memory_space<hbm>>) dst(%dma_wait3A_124 : memref<128x128xi32, #tpu.memory_space<vmem>>)
      %dma_wait3A_129 = arith.constant 0 : i32
      %dma_wait3A_130 = arith.constant 0 : i32
      %dma_wait3A_131 = arith.constant 0 : i32
      %dma_wait3A_132 = tpu.memref_slice %arg15[%dma_wait3A_129, %dma_wait3A_130, %dma_wait3A_131] : memref<2x128x128xi32, #tpu.memory_space<vmem>> -> memref<1x128x128xi32, #tpu.memory_space<vmem>>
      %dma_wait3A_133 = tpu.memref_squeeze %dma_wait3A_132 : memref<1x128x128xi32, #tpu.memory_space<vmem>> -> memref<128x128xi32, #tpu.memory_space<vmem>>
      %dma_wait3A_134 = tpu.memref_slice %arg12[%mul3A_110] : memref<6912xi32, #tpu.memory_space<vmem>> -> memref<128xi32, #tpu.memory_space<vmem>>
      %dma_wait3A_135 = arith.constant 0 : i32
      %dma_wait3A_136 = arith.constant 0 : i32
      %dma_wait3A_137 = tpu.memref_slice %arg3[%dma_wait3A_135, %dma_wait3A_136] : memref<10000x128xi32, #tpu.memory_space<hbm>> -> memref<10000x128xi32, #tpu.memory_space<hbm>>
      tpu.wait_indirect_dma semaphore(%arg19 : memref<!tpu.dma_semaphore, #tpu.memory_space<semaphore_mem>>) src(%dma_wait3A_137 : memref<10000x128xi32, #tpu.memory_space<hbm>>) dst(%dma_wait3A_133 : memref<128x128xi32, #tpu.memory_space<vmem>>)
      %scan3A = arith.constant 0 : i32
      %scan3A_138 = arith.constant 0 : i32
      %scan3A_139 = arith.constant 8 : i32
      %scan3A_140 = arith.addi %scan3A_138, %scan3A_139 : i32
      %scan3A_141 = arith.constant 1 : i32
      scf.for %scan3A_191 = %scan3A_138 to %scan3A_140 step %scan3A_141  : i32 {
        %broadcast_in_dim3A = arith.constant 0.000000e+00 : f32
        %broadcast_in_dim3A_192 = vector.broadcast %broadcast_in_dim3A : f32 to vector<16xf32>
        %broadcast_in_dim3A_193 = arith.constant 0.000000e+00 : f32
        %broadcast_in_dim3A_194 = vector.broadcast %broadcast_in_dim3A_193 : f32 to vector<16xf32>
        %scan3A_195 = arith.constant 0 : i32
        %scan3A_196 = arith.constant 16 : i32
        %scan3A_197 = arith.addi %scan3A_195, %scan3A_196 : i32
        %scan3A_198 = arith.constant 1 : i32
        %scan3A_199:2 = scf.for %scan3A_208 = %scan3A_195 to %scan3A_197 step %scan3A_198 iter_args(%scan3A_209 = %broadcast_in_dim3A_192, %scan3A_210 = %broadcast_in_dim3A_194) -> (vector<16xf32>, vector<16xf32>)  : i32 {
          %mul3A_211 = arith.constant 16 : i32
          %mul3A_212 = arith.muli %scan3A_191, %mul3A_211 : i32
          %add3A_213 = arith.addi %mul3A_212, %scan3A_208 : i32
          %get3A_214 = arith.constant 0 : i32
          %get3A_215 = arith.index_cast %get3A_214 : i32 to index
          %get3A_216 = arith.index_cast %add3A_213 : i32 to index
          %get3A_217 = arith.constant 0 : index
          %get3A_218 = tpu.vector_load %arg13[%get3A_215, %get3A_216, %get3A_217] {strides = array<i32>} : memref<2x128x128xi32, #tpu.memory_space<vmem>>, vector<16xi32>,
          %shift_left3A = arith.constant 16 : i32
          %shift_left3A_219 = vector.broadcast %shift_left3A : i32 to vector<16xi32>
          %shift_left3A_220 = arith.shli %get3A_218, %shift_left3A_219 : vector<16xi32>
          %bitcast3A = vector.bitcast %shift_left3A_220 : vector<16xi32> to vector<16xf32>
          %bitcast3A_221 = vector.bitcast %get3A_218 : vector<16xi32> to vector<16xf32>
          %get3A_222 = arith.constant 0 : i32
          %get3A_223 = arith.index_cast %get3A_222 : i32 to index
          %get3A_224 = arith.index_cast %add3A_213 : i32 to index
          %get3A_225 = arith.constant 0 : index
          %get3A_226 = tpu.vector_load %arg14[%get3A_223, %get3A_224, %get3A_225] {strides = array<i32>} : memref<2x128x128xi32, #tpu.memory_space<vmem>>, vector<16xi32>,
          %shift_left3A_227 = arith.constant 16 : i32
          %shift_left3A_228 = vector.broadcast %shift_left3A_227 : i32 to vector<16xi32>
          %shift_left3A_229 = arith.shli %get3A_226, %shift_left3A_228 : vector<16xi32>
          %bitcast3A_230 = vector.bitcast %shift_left3A_229 : vector<16xi32> to vector<16xf32>
          %bitcast3A_231 = vector.bitcast %get3A_226 : vector<16xi32> to vector<16xf32>
          %get3A_232 = arith.constant 0 : i32
          %get3A_233 = arith.index_cast %get3A_232 : i32 to index
          %get3A_234 = arith.index_cast %add3A_213 : i32 to index
          %get3A_235 = arith.constant 0 : index
          %get3A_236 = tpu.vector_load %arg15[%get3A_233, %get3A_234, %get3A_235] {strides = array<i32>} : memref<2x128x128xi32, #tpu.memory_space<vmem>>, vector<16xi32>,
          %shift_left3A_237 = arith.constant 16 : i32
          %shift_left3A_238 = vector.broadcast %shift_left3A_237 : i32 to vector<16xi32>
          %shift_left3A_239 = arith.shli %get3A_236, %shift_left3A_238 : vector<16xi32>
          %bitcast3A_240 = vector.bitcast %shift_left3A_239 : vector<16xi32> to vector<16xf32>
          %bitcast3A_241 = vector.bitcast %get3A_236 : vector<16xi32> to vector<16xf32>
          %get3A_242 = arith.constant 0 : index
          %get3A_243 = tpu.vector_load %arg18[%get3A_242] {strides = array<i32>} : memref<272xf32, #tpu.memory_space<vmem>>, vector<16xf32>,
          %get3A_244 = arith.constant 16 : index
          %get3A_245 = tpu.vector_load %arg18[%get3A_244] {strides = array<i32>} : memref<272xf32, #tpu.memory_space<vmem>>, vector<16xf32>,
          %add3A_246 = arith.addf %bitcast3A, %bitcast3A_230 : vector<16xf32>
          %max3A = arith.constant 0.000000e+00 : f32
          %max3A_247 = vector.broadcast %max3A : f32 to vector<16xf32>
          %max3A_248 = arith.maximumf %add3A_246, %max3A_247 : vector<16xf32>
          %mul3A_249 = arith.mulf %max3A_248, %get3A_243 : vector<16xf32>
          %add3A_250 = arith.addf %get3A_17, %mul3A_249 : vector<16xf32>
          %add3A_251 = arith.addf %bitcast3A_221, %bitcast3A_231 : vector<16xf32>
          %max3A_252 = arith.constant 0.000000e+00 : f32
          %max3A_253 = vector.broadcast %max3A_252 : f32 to vector<16xf32>
          %max3A_254 = arith.maximumf %add3A_251, %max3A_253 : vector<16xf32>
          %mul3A_255 = arith.mulf %max3A_254, %get3A_245 : vector<16xf32>
          %add3A_256 = arith.addf %add3A_250, %mul3A_255 : vector<16xf32>
          %add3A_257 = arith.addf %bitcast3A, %bitcast3A_240 : vector<16xf32>
          %max3A_258 = arith.constant 0.000000e+00 : f32
          %max3A_259 = vector.broadcast %max3A_258 : f32 to vector<16xf32>
          %max3A_260 = arith.maximumf %add3A_257, %max3A_259 : vector<16xf32>
          %mul3A_261 = arith.mulf %max3A_260, %get3A_243 : vector<16xf32>
          %add3A_262 = arith.addf %get3A_17, %mul3A_261 : vector<16xf32>
          %add3A_263 = arith.addf %bitcast3A_221, %bitcast3A_241 : vector<16xf32>
          %max3A_264 = arith.constant 0.000000e+00 : f32
          %max3A_265 = vector.broadcast %max3A_264 : f32 to vector<16xf32>
          %max3A_266 = arith.maximumf %add3A_263, %max3A_265 : vector<16xf32>
          %mul3A_267 = arith.mulf %max3A_266, %get3A_245 : vector<16xf32>
          %add3A_268 = arith.addf %add3A_262, %mul3A_267 : vector<16xf32>
          %get3A_269 = arith.constant 0 : i32
          %get3A_270 = arith.index_cast %get3A_269 : i32 to index
          %get3A_271 = arith.index_cast %add3A_213 : i32 to index
          %get3A_272 = arith.constant 16 : index
          %get3A_273 = tpu.vector_load %arg13[%get3A_270, %get3A_271, %get3A_272] {strides = array<i32>} : memref<2x128x128xi32, #tpu.memory_space<vmem>>, vector<16xi32>,
          %shift_left3A_274 = arith.constant 16 : i32
          %shift_left3A_275 = vector.broadcast %shift_left3A_274 : i32 to vector<16xi32>
          %shift_left3A_276 = arith.shli %get3A_273, %shift_left3A_275 : vector<16xi32>
          %bitcast3A_277 = vector.bitcast %shift_left3A_276 : vector<16xi32> to vector<16xf32>
          %bitcast3A_278 = vector.bitcast %get3A_273 : vector<16xi32> to vector<16xf32>
          %get3A_279 = arith.constant 0 : i32
          %get3A_280 = arith.index_cast %get3A_279 : i32 to index
          %get3A_281 = arith.index_cast %add3A_213 : i32 to index
          %get3A_282 = arith.constant 16 : index
          %get3A_283 = tpu.vector_load %arg14[%get3A_280, %get3A_281, %get3A_282] {strides = array<i32>} : memref<2x128x128xi32, #tpu.memory_space<vmem>>, vector<16xi32>,
          %shift_left3A_284 = arith.constant 16 : i32
          %shift_left3A_285 = vector.broadcast %shift_left3A_284 : i32 to vector<16xi32>
          %shift_left3A_286 = arith.shli %get3A_283, %shift_left3A_285 : vector<16xi32>
          %bitcast3A_287 = vector.bitcast %shift_left3A_286 : vector<16xi32> to vector<16xf32>
          %bitcast3A_288 = vector.bitcast %get3A_283 : vector<16xi32> to vector<16xf32>
          %get3A_289 = arith.constant 0 : i32
          %get3A_290 = arith.index_cast %get3A_289 : i32 to index
          %get3A_291 = arith.index_cast %add3A_213 : i32 to index
          %get3A_292 = arith.constant 16 : index
          %get3A_293 = tpu.vector_load %arg15[%get3A_290, %get3A_291, %get3A_292] {strides = array<i32>} : memref<2x128x128xi32, #tpu.memory_space<vmem>>, vector<16xi32>,
          %shift_left3A_294 = arith.constant 16 : i32
          %shift_left3A_295 = vector.broadcast %shift_left3A_294 : i32 to vector<16xi32>
          %shift_left3A_296 = arith.shli %get3A_293, %shift_left3A_295 : vector<16xi32>
          %bitcast3A_297 = vector.bitcast %shift_left3A_296 : vector<16xi32> to vector<16xf32>
          %bitcast3A_298 = vector.bitcast %get3A_293 : vector<16xi32> to vector<16xf32>
          %get3A_299 = arith.constant 32 : index
          %get3A_300 = tpu.vector_load %arg18[%get3A_299] {strides = array<i32>} : memref<272xf32, #tpu.memory_space<vmem>>, vector<16xf32>,
          %get3A_301 = arith.constant 48 : index
          %get3A_302 = tpu.vector_load %arg18[%get3A_301] {strides = array<i32>} : memref<272xf32, #tpu.memory_space<vmem>>, vector<16xf32>,
          %add3A_303 = arith.addf %bitcast3A_277, %bitcast3A_287 : vector<16xf32>
          %max3A_304 = arith.constant 0.000000e+00 : f32
          %max3A_305 = vector.broadcast %max3A_304 : f32 to vector<16xf32>
          %max3A_306 = arith.maximumf %add3A_303, %max3A_305 : vector<16xf32>
          %mul3A_307 = arith.mulf %max3A_306, %get3A_300 : vector<16xf32>
          %add3A_308 = arith.addf %add3A_256, %mul3A_307 : vector<16xf32>
          %add3A_309 = arith.addf %bitcast3A_278, %bitcast3A_288 : vector<16xf32>
          %max3A_310 = arith.constant 0.000000e+00 : f32
          %max3A_311 = vector.broadcast %max3A_310 : f32 to vector<16xf32>
          %max3A_312 = arith.maximumf %add3A_309, %max3A_311 : vector<16xf32>
          %mul3A_313 = arith.mulf %max3A_312, %get3A_302 : vector<16xf32>
          %add3A_314 = arith.addf %add3A_308, %mul3A_313 : vector<16xf32>
          %add3A_315 = arith.addf %bitcast3A_277, %bitcast3A_297 : vector<16xf32>
          %max3A_316 = arith.constant 0.000000e+00 : f32
          %max3A_317 = vector.broadcast %max3A_316 : f32 to vector<16xf32>
          %max3A_318 = arith.maximumf %add3A_315, %max3A_317 : vector<16xf32>
          %mul3A_319 = arith.mulf %max3A_318, %get3A_300 : vector<16xf32>
          %add3A_320 = arith.addf %add3A_268, %mul3A_319 : vector<16xf32>
          %add3A_321 = arith.addf %bitcast3A_278, %bitcast3A_298 : vector<16xf32>
          %max3A_322 = arith.constant 0.000000e+00 : f32
          %max3A_323 = vector.broadcast %max3A_322 : f32 to vector<16xf32>
          %max3A_324 = arith.maximumf %add3A_321, %max3A_323 : vector<16xf32>
          %mul3A_325 = arith.mulf %max3A_324, %get3A_302 : vector<16xf32>
          %add3A_326 = arith.addf %add3A_320, %mul3A_325 : vector<16xf32>
          %get3A_327 = arith.constant 0 : i32
          %get3A_328 = arith.index_cast %get3A_327 : i32 to index
          %get3A_329 = arith.index_cast %add3A_213 : i32 to index
          %get3A_330 = arith.constant 32 : index
          %get3A_331 = tpu.vector_load %arg13[%get3A_328, %get3A_329, %get3A_330] {strides = array<i32>} : memref<2x128x128xi32, #tpu.memory_space<vmem>>, vector<16xi32>,
          %shift_left3A_332 = arith.constant 16 : i32
          %shift_left3A_333 = vector.broadcast %shift_left3A_332 : i32 to vector<16xi32>
          %shift_left3A_334 = arith.shli %get3A_331, %shift_left3A_333 : vector<16xi32>
          %bitcast3A_335 = vector.bitcast %shift_left3A_334 : vector<16xi32> to vector<16xf32>
          %bitcast3A_336 = vector.bitcast %get3A_331 : vector<16xi32> to vector<16xf32>
          %get3A_337 = arith.constant 0 : i32
          %get3A_338 = arith.index_cast %get3A_337 : i32 to index
          %get3A_339 = arith.index_cast %add3A_213 : i32 to index
          %get3A_340 = arith.constant 32 : index
          %get3A_341 = tpu.vector_load %arg14[%get3A_338, %get3A_339, %get3A_340] {strides = array<i32>} : memref<2x128x128xi32, #tpu.memory_space<vmem>>, vector<16xi32>,
          %shift_left3A_342 = arith.constant 16 : i32
          %shift_left3A_343 = vector.broadcast %shift_left3A_342 : i32 to vector<16xi32>
          %shift_left3A_344 = arith.shli %get3A_341, %shift_left3A_343 : vector<16xi32>
          %bitcast3A_345 = vector.bitcast %shift_left3A_344 : vector<16xi32> to vector<16xf32>
          %bitcast3A_346 = vector.bitcast %get3A_341 : vector<16xi32> to vector<16xf32>
          %get3A_347 = arith.constant 0 : i32
          %get3A_348 = arith.index_cast %get3A_347 : i32 to index
          %get3A_349 = arith.index_cast %add3A_213 : i32 to index
          %get3A_350 = arith.constant 32 : index
          %get3A_351 = tpu.vector_load %arg15[%get3A_348, %get3A_349, %get3A_350] {strides = array<i32>} : memref<2x128x128xi32, #tpu.memory_space<vmem>>, vector<16xi32>,
          %shift_left3A_352 = arith.constant 16 : i32
          %shift_left3A_353 = vector.broadcast %shift_left3A_352 : i32 to vector<16xi32>
          %shift_left3A_354 = arith.shli %get3A_351, %shift_left3A_353 : vector<16xi32>
          %bitcast3A_355 = vector.bitcast %shift_left3A_354 : vector<16xi32> to vector<16xf32>
          %bitcast3A_356 = vector.bitcast %get3A_351 : vector<16xi32> to vector<16xf32>
          %get3A_357 = arith.constant 64 : index
          %get3A_358 = tpu.vector_load %arg18[%get3A_357] {strides = array<i32>} : memref<272xf32, #tpu.memory_space<vmem>>, vector<16xf32>,
          %get3A_359 = arith.constant 80 : index
          %get3A_360 = tpu.vector_load %arg18[%get3A_359] {strides = array<i32>} : memref<272xf32, #tpu.memory_space<vmem>>, vector<16xf32>,
          %add3A_361 = arith.addf %bitcast3A_335, %bitcast3A_345 : vector<16xf32>
          %max3A_362 = arith.constant 0.000000e+00 : f32
          %max3A_363 = vector.broadcast %max3A_362 : f32 to vector<16xf32>
          %max3A_364 = arith.maximumf %add3A_361, %max3A_363 : vector<16xf32>
          %mul3A_365 = arith.mulf %max3A_364, %get3A_358 : vector<16xf32>
          %add3A_366 = arith.addf %add3A_314, %mul3A_365 : vector<16xf32>
          %add3A_367 = arith.addf %bitcast3A_336, %bitcast3A_346 : vector<16xf32>
          %max3A_368 = arith.constant 0.000000e+00 : f32
          %max3A_369 = vector.broadcast %max3A_368 : f32 to vector<16xf32>
          %max3A_370 = arith.maximumf %add3A_367, %max3A_369 : vector<16xf32>
          %mul3A_371 = arith.mulf %max3A_370, %get3A_360 : vector<16xf32>
          %add3A_372 = arith.addf %add3A_366, %mul3A_371 : vector<16xf32>
          %add3A_373 = arith.addf %bitcast3A_335, %bitcast3A_355 : vector<16xf32>
          %max3A_374 = arith.constant 0.000000e+00 : f32
          %max3A_375 = vector.broadcast %max3A_374 : f32 to vector<16xf32>
          %max3A_376 = arith.maximumf %add3A_373, %max3A_375 : vector<16xf32>
          %mul3A_377 = arith.mulf %max3A_376, %get3A_358 : vector<16xf32>
          %add3A_378 = arith.addf %add3A_326, %mul3A_377 : vector<16xf32>
          %add3A_379 = arith.addf %bitcast3A_336, %bitcast3A_356 : vector<16xf32>
          %max3A_380 = arith.constant 0.000000e+00 : f32
          %max3A_381 = vector.broadcast %max3A_380 : f32 to vector<16xf32>
          %max3A_382 = arith.maximumf %add3A_379, %max3A_381 : vector<16xf32>
          %mul3A_383 = arith.mulf %max3A_382, %get3A_360 : vector<16xf32>
          %add3A_384 = arith.addf %add3A_378, %mul3A_383 : vector<16xf32>
          %get3A_385 = arith.constant 0 : i32
          %get3A_386 = arith.index_cast %get3A_385 : i32 to index
          %get3A_387 = arith.index_cast %add3A_213 : i32 to index
          %get3A_388 = arith.constant 48 : index
          %get3A_389 = tpu.vector_load %arg13[%get3A_386, %get3A_387, %get3A_388] {strides = array<i32>} : memref<2x128x128xi32, #tpu.memory_space<vmem>>, vector<16xi32>,
          %shift_left3A_390 = arith.constant 16 : i32
          %shift_left3A_391 = vector.broadcast %shift_left3A_390 : i32 to vector<16xi32>
          %shift_left3A_392 = arith.shli %get3A_389, %shift_left3A_391 : vector<16xi32>
          %bitcast3A_393 = vector.bitcast %shift_left3A_392 : vector<16xi32> to vector<16xf32>
          %bitcast3A_394 = vector.bitcast %get3A_389 : vector<16xi32> to vector<16xf32>
          %get3A_395 = arith.constant 0 : i32
          %get3A_396 = arith.index_cast %get3A_395 : i32 to index
          %get3A_397 = arith.index_cast %add3A_213 : i32 to index
          %get3A_398 = arith.constant 48 : index
          %get3A_399 = tpu.vector_load %arg14[%get3A_396, %get3A_397, %get3A_398] {strides = array<i32>} : memref<2x128x128xi32, #tpu.memory_space<vmem>>, vector<16xi32>,
          %shift_left3A_400 = arith.constant 16 : i32
          %shift_left3A_401 = vector.broadcast %shift_left3A_400 : i32 to vector<16xi32>
          %shift_left3A_402 = arith.shli %get3A_399, %shift_left3A_401 : vector<16xi32>
          %bitcast3A_403 = vector.bitcast %shift_left3A_402 : vector<16xi32> to vector<16xf32>
          %bitcast3A_404 = vector.bitcast %get3A_399 : vector<16xi32> to vector<16xf32>
          %get3A_405 = arith.constant 0 : i32
          %get3A_406 = arith.index_cast %get3A_405 : i32 to index
          %get3A_407 = arith.index_cast %add3A_213 : i32 to index
          %get3A_408 = arith.constant 48 : index
          %get3A_409 = tpu.vector_load %arg15[%get3A_406, %get3A_407, %get3A_408] {strides = array<i32>} : memref<2x128x128xi32, #tpu.memory_space<vmem>>, vector<16xi32>,
          %shift_left3A_410 = arith.constant 16 : i32
          %shift_left3A_411 = vector.broadcast %shift_left3A_410 : i32 to vector<16xi32>
          %shift_left3A_412 = arith.shli %get3A_409, %shift_left3A_411 : vector<16xi32>
          %bitcast3A_413 = vector.bitcast %shift_left3A_412 : vector<16xi32> to vector<16xf32>
          %bitcast3A_414 = vector.bitcast %get3A_409 : vector<16xi32> to vector<16xf32>
          %get3A_415 = arith.constant 96 : index
          %get3A_416 = tpu.vector_load %arg18[%get3A_415] {strides = array<i32>} : memref<272xf32, #tpu.memory_space<vmem>>, vector<16xf32>,
          %get3A_417 = arith.constant 112 : index
          %get3A_418 = tpu.vector_load %arg18[%get3A_417] {strides = array<i32>} : memref<272xf32, #tpu.memory_space<vmem>>, vector<16xf32>,
          %add3A_419 = arith.addf %bitcast3A_393, %bitcast3A_403 : vector<16xf32>
          %max3A_420 = arith.constant 0.000000e+00 : f32
          %max3A_421 = vector.broadcast %max3A_420 : f32 to vector<16xf32>
          %max3A_422 = arith.maximumf %add3A_419, %max3A_421 : vector<16xf32>
          %mul3A_423 = arith.mulf %max3A_422, %get3A_416 : vector<16xf32>
          %add3A_424 = arith.addf %add3A_372, %mul3A_423 : vector<16xf32>
          %add3A_425 = arith.addf %bitcast3A_394, %bitcast3A_404 : vector<16xf32>
          %max3A_426 = arith.constant 0.000000e+00 : f32
          %max3A_427 = vector.broadcast %max3A_426 : f32 to vector<16xf32>
          %max3A_428 = arith.maximumf %add3A_425, %max3A_427 : vector<16xf32>
          %mul3A_429 = arith.mulf %max3A_428, %get3A_418 : vector<16xf32>
          %add3A_430 = arith.addf %add3A_424, %mul3A_429 : vector<16xf32>
          %add3A_431 = arith.addf %bitcast3A_393, %bitcast3A_413 : vector<16xf32>
          %max3A_432 = arith.constant 0.000000e+00 : f32
          %max3A_433 = vector.broadcast %max3A_432 : f32 to vector<16xf32>
          %max3A_434 = arith.maximumf %add3A_431, %max3A_433 : vector<16xf32>
          %mul3A_435 = arith.mulf %max3A_434, %get3A_416 : vector<16xf32>
          %add3A_436 = arith.addf %add3A_384, %mul3A_435 : vector<16xf32>
          %add3A_437 = arith.addf %bitcast3A_394, %bitcast3A_414 : vector<16xf32>
          %max3A_438 = arith.constant 0.000000e+00 : f32
          %max3A_439 = vector.broadcast %max3A_438 : f32 to vector<16xf32>
          %max3A_440 = arith.maximumf %add3A_437, %max3A_439 : vector<16xf32>
          %mul3A_441 = arith.mulf %max3A_440, %get3A_418 : vector<16xf32>
          %add3A_442 = arith.addf %add3A_436, %mul3A_441 : vector<16xf32>
          %get3A_443 = arith.constant 0 : i32
          %get3A_444 = arith.index_cast %get3A_443 : i32 to index
          %get3A_445 = arith.index_cast %add3A_213 : i32 to index
          %get3A_446 = arith.constant 64 : index
          %get3A_447 = tpu.vector_load %arg13[%get3A_444, %get3A_445, %get3A_446] {strides = array<i32>} : memref<2x128x128xi32, #tpu.memory_space<vmem>>, vector<16xi32>,
          %shift_left3A_448 = arith.constant 16 : i32
          %shift_left3A_449 = vector.broadcast %shift_left3A_448 : i32 to vector<16xi32>
          %shift_left3A_450 = arith.shli %get3A_447, %shift_left3A_449 : vector<16xi32>
          %bitcast3A_451 = vector.bitcast %shift_left3A_450 : vector<16xi32> to vector<16xf32>
          %bitcast3A_452 = vector.bitcast %get3A_447 : vector<16xi32> to vector<16xf32>
          %get3A_453 = arith.constant 0 : i32
          %get3A_454 = arith.index_cast %get3A_453 : i32 to index
          %get3A_455 = arith.index_cast %add3A_213 : i32 to index
          %get3A_456 = arith.constant 64 : index
          %get3A_457 = tpu.vector_load %arg14[%get3A_454, %get3A_455, %get3A_456] {strides = array<i32>} : memref<2x128x128xi32, #tpu.memory_space<vmem>>, vector<16xi32>,
          %shift_left3A_458 = arith.constant 16 : i32
          %shift_left3A_459 = vector.broadcast %shift_left3A_458 : i32 to vector<16xi32>
          %shift_left3A_460 = arith.shli %get3A_457, %shift_left3A_459 : vector<16xi32>
          %bitcast3A_461 = vector.bitcast %shift_left3A_460 : vector<16xi32> to vector<16xf32>
          %bitcast3A_462 = vector.bitcast %get3A_457 : vector<16xi32> to vector<16xf32>
          %get3A_463 = arith.constant 0 : i32
          %get3A_464 = arith.index_cast %get3A_463 : i32 to index
          %get3A_465 = arith.index_cast %add3A_213 : i32 to index
          %get3A_466 = arith.constant 64 : index
          %get3A_467 = tpu.vector_load %arg15[%get3A_464, %get3A_465, %get3A_466] {strides = array<i32>} : memref<2x128x128xi32, #tpu.memory_space<vmem>>, vector<16xi32>,
          %shift_left3A_468 = arith.constant 16 : i32
          %shift_left3A_469 = vector.broadcast %shift_left3A_468 : i32 to vector<16xi32>
          %shift_left3A_470 = arith.shli %get3A_467, %shift_left3A_469 : vector<16xi32>
          %bitcast3A_471 = vector.bitcast %shift_left3A_470 : vector<16xi32> to vector<16xf32>
          %bitcast3A_472 = vector.bitcast %get3A_467 : vector<16xi32> to vector<16xf32>
          %get3A_473 = arith.constant 128 : index
          %get3A_474 = tpu.vector_load %arg18[%get3A_473] {strides = array<i32>} : memref<272xf32, #tpu.memory_space<vmem>>, vector<16xf32>,
          %get3A_475 = arith.constant 144 : index
          %get3A_476 = tpu.vector_load %arg18[%get3A_475] {strides = array<i32>} : memref<272xf32, #tpu.memory_space<vmem>>, vector<16xf32>,
          %add3A_477 = arith.addf %bitcast3A_451, %bitcast3A_461 : vector<16xf32>
          %max3A_478 = arith.constant 0.000000e+00 : f32
          %max3A_479 = vector.broadcast %max3A_478 : f32 to vector<16xf32>
          %max3A_480 = arith.maximumf %add3A_477, %max3A_479 : vector<16xf32>
          %mul3A_481 = arith.mulf %max3A_480, %get3A_474 : vector<16xf32>
          %add3A_482 = arith.addf %add3A_430, %mul3A_481 : vector<16xf32>
          %add3A_483 = arith.addf %bitcast3A_452, %bitcast3A_462 : vector<16xf32>
          %max3A_484 = arith.constant 0.000000e+00 : f32
          %max3A_485 = vector.broadcast %max3A_484 : f32 to vector<16xf32>
          %max3A_486 = arith.maximumf %add3A_483, %max3A_485 : vector<16xf32>
          %mul3A_487 = arith.mulf %max3A_486, %get3A_476 : vector<16xf32>
          %add3A_488 = arith.addf %add3A_482, %mul3A_487 : vector<16xf32>
          %add3A_489 = arith.addf %bitcast3A_451, %bitcast3A_471 : vector<16xf32>
          %max3A_490 = arith.constant 0.000000e+00 : f32
          %max3A_491 = vector.broadcast %max3A_490 : f32 to vector<16xf32>
          %max3A_492 = arith.maximumf %add3A_489, %max3A_491 : vector<16xf32>
          %mul3A_493 = arith.mulf %max3A_492, %get3A_474 : vector<16xf32>
          %add3A_494 = arith.addf %add3A_442, %mul3A_493 : vector<16xf32>
          %add3A_495 = arith.addf %bitcast3A_452, %bitcast3A_472 : vector<16xf32>
          %max3A_496 = arith.constant 0.000000e+00 : f32
          %max3A_497 = vector.broadcast %max3A_496 : f32 to vector<16xf32>
          %max3A_498 = arith.maximumf %add3A_495, %max3A_497 : vector<16xf32>
          %mul3A_499 = arith.mulf %max3A_498, %get3A_476 : vector<16xf32>
          %add3A_500 = arith.addf %add3A_494, %mul3A_499 : vector<16xf32>
          %get3A_501 = arith.constant 0 : i32
          %get3A_502 = arith.index_cast %get3A_501 : i32 to index
          %get3A_503 = arith.index_cast %add3A_213 : i32 to index
          %get3A_504 = arith.constant 80 : index
          %get3A_505 = tpu.vector_load %arg13[%get3A_502, %get3A_503, %get3A_504] {strides = array<i32>} : memref<2x128x128xi32, #tpu.memory_space<vmem>>, vector<16xi32>,
          %shift_left3A_506 = arith.constant 16 : i32
          %shift_left3A_507 = vector.broadcast %shift_left3A_506 : i32 to vector<16xi32>
          %shift_left3A_508 = arith.shli %get3A_505, %shift_left3A_507 : vector<16xi32>
          %bitcast3A_509 = vector.bitcast %shift_left3A_508 : vector<16xi32> to vector<16xf32>
          %bitcast3A_510 = vector.bitcast %get3A_505 : vector<16xi32> to vector<16xf32>
          %get3A_511 = arith.constant 0 : i32
          %get3A_512 = arith.index_cast %get3A_511 : i32 to index
          %get3A_513 = arith.index_cast %add3A_213 : i32 to index
          %get3A_514 = arith.constant 80 : index
          %get3A_515 = tpu.vector_load %arg14[%get3A_512, %get3A_513, %get3A_514] {strides = array<i32>} : memref<2x128x128xi32, #tpu.memory_space<vmem>>, vector<16xi32>,
          %shift_left3A_516 = arith.constant 16 : i32
          %shift_left3A_517 = vector.broadcast %shift_left3A_516 : i32 to vector<16xi32>
          %shift_left3A_518 = arith.shli %get3A_515, %shift_left3A_517 : vector<16xi32>
          %bitcast3A_519 = vector.bitcast %shift_left3A_518 : vector<16xi32> to vector<16xf32>
          %bitcast3A_520 = vector.bitcast %get3A_515 : vector<16xi32> to vector<16xf32>
          %get3A_521 = arith.constant 0 : i32
          %get3A_522 = arith.index_cast %get3A_521 : i32 to index
          %get3A_523 = arith.index_cast %add3A_213 : i32 to index
          %get3A_524 = arith.constant 80 : index
          %get3A_525 = tpu.vector_load %arg15[%get3A_522, %get3A_523, %get3A_524] {strides = array<i32>} : memref<2x128x128xi32, #tpu.memory_space<vmem>>, vector<16xi32>,
          %shift_left3A_526 = arith.constant 16 : i32
          %shift_left3A_527 = vector.broadcast %shift_left3A_526 : i32 to vector<16xi32>
          %shift_left3A_528 = arith.shli %get3A_525, %shift_left3A_527 : vector<16xi32>
          %bitcast3A_529 = vector.bitcast %shift_left3A_528 : vector<16xi32> to vector<16xf32>
          %bitcast3A_530 = vector.bitcast %get3A_525 : vector<16xi32> to vector<16xf32>
          %get3A_531 = arith.constant 160 : index
          %get3A_532 = tpu.vector_load %arg18[%get3A_531] {strides = array<i32>} : memref<272xf32, #tpu.memory_space<vmem>>, vector<16xf32>,
          %get3A_533 = arith.constant 176 : index
          %get3A_534 = tpu.vector_load %arg18[%get3A_533] {strides = array<i32>} : memref<272xf32, #tpu.memory_space<vmem>>, vector<16xf32>,
          %add3A_535 = arith.addf %bitcast3A_509, %bitcast3A_519 : vector<16xf32>
          %max3A_536 = arith.constant 0.000000e+00 : f32
          %max3A_537 = vector.broadcast %max3A_536 : f32 to vector<16xf32>
          %max3A_538 = arith.maximumf %add3A_535, %max3A_537 : vector<16xf32>
          %mul3A_539 = arith.mulf %max3A_538, %get3A_532 : vector<16xf32>
          %add3A_540 = arith.addf %add3A_488, %mul3A_539 : vector<16xf32>
          %add3A_541 = arith.addf %bitcast3A_510, %bitcast3A_520 : vector<16xf32>
          %max3A_542 = arith.constant 0.000000e+00 : f32
          %max3A_543 = vector.broadcast %max3A_542 : f32 to vector<16xf32>
          %max3A_544 = arith.maximumf %add3A_541, %max3A_543 : vector<16xf32>
          %mul3A_545 = arith.mulf %max3A_544, %get3A_534 : vector<16xf32>
          %add3A_546 = arith.addf %add3A_540, %mul3A_545 : vector<16xf32>
          %add3A_547 = arith.addf %bitcast3A_509, %bitcast3A_529 : vector<16xf32>
          %max3A_548 = arith.constant 0.000000e+00 : f32
          %max3A_549 = vector.broadcast %max3A_548 : f32 to vector<16xf32>
          %max3A_550 = arith.maximumf %add3A_547, %max3A_549 : vector<16xf32>
          %mul3A_551 = arith.mulf %max3A_550, %get3A_532 : vector<16xf32>
          %add3A_552 = arith.addf %add3A_500, %mul3A_551 : vector<16xf32>
          %add3A_553 = arith.addf %bitcast3A_510, %bitcast3A_530 : vector<16xf32>
          %max3A_554 = arith.constant 0.000000e+00 : f32
          %max3A_555 = vector.broadcast %max3A_554 : f32 to vector<16xf32>
          %max3A_556 = arith.maximumf %add3A_553, %max3A_555 : vector<16xf32>
          %mul3A_557 = arith.mulf %max3A_556, %get3A_534 : vector<16xf32>
          %add3A_558 = arith.addf %add3A_552, %mul3A_557 : vector<16xf32>
          %get3A_559 = arith.constant 0 : i32
          %get3A_560 = arith.index_cast %get3A_559 : i32 to index
          %get3A_561 = arith.index_cast %add3A_213 : i32 to index
          %get3A_562 = arith.constant 96 : index
          %get3A_563 = tpu.vector_load %arg13[%get3A_560, %get3A_561, %get3A_562] {strides = array<i32>} : memref<2x128x128xi32, #tpu.memory_space<vmem>>, vector<16xi32>,
          %shift_left3A_564 = arith.constant 16 : i32
          %shift_left3A_565 = vector.broadcast %shift_left3A_564 : i32 to vector<16xi32>
          %shift_left3A_566 = arith.shli %get3A_563, %shift_left3A_565 : vector<16xi32>
          %bitcast3A_567 = vector.bitcast %shift_left3A_566 : vector<16xi32> to vector<16xf32>
          %bitcast3A_568 = vector.bitcast %get3A_563 : vector<16xi32> to vector<16xf32>
          %get3A_569 = arith.constant 0 : i32
          %get3A_570 = arith.index_cast %get3A_569 : i32 to index
          %get3A_571 = arith.index_cast %add3A_213 : i32 to index
          %get3A_572 = arith.constant 96 : index
          %get3A_573 = tpu.vector_load %arg14[%get3A_570, %get3A_571, %get3A_572] {strides = array<i32>} : memref<2x128x128xi32, #tpu.memory_space<vmem>>, vector<16xi32>,
          %shift_left3A_574 = arith.constant 16 : i32
          %shift_left3A_575 = vector.broadcast %shift_left3A_574 : i32 to vector<16xi32>
          %shift_left3A_576 = arith.shli %get3A_573, %shift_left3A_575 : vector<16xi32>
          %bitcast3A_577 = vector.bitcast %shift_left3A_576 : vector<16xi32> to vector<16xf32>
          %bitcast3A_578 = vector.bitcast %get3A_573 : vector<16xi32> to vector<16xf32>
          %get3A_579 = arith.constant 0 : i32
          %get3A_580 = arith.index_cast %get3A_579 : i32 to index
          %get3A_581 = arith.index_cast %add3A_213 : i32 to index
          %get3A_582 = arith.constant 96 : index
          %get3A_583 = tpu.vector_load %arg15[%get3A_580, %get3A_581, %get3A_582] {strides = array<i32>} : memref<2x128x128xi32, #tpu.memory_space<vmem>>, vector<16xi32>,
          %shift_left3A_584 = arith.constant 16 : i32
          %shift_left3A_585 = vector.broadcast %shift_left3A_584 : i32 to vector<16xi32>
          %shift_left3A_586 = arith.shli %get3A_583, %shift_left3A_585 : vector<16xi32>
          %bitcast3A_587 = vector.bitcast %shift_left3A_586 : vector<16xi32> to vector<16xf32>
          %bitcast3A_588 = vector.bitcast %get3A_583 : vector<16xi32> to vector<16xf32>
          %get3A_589 = arith.constant 192 : index
          %get3A_590 = tpu.vector_load %arg18[%get3A_589] {strides = array<i32>} : memref<272xf32, #tpu.memory_space<vmem>>, vector<16xf32>,
          %get3A_591 = arith.constant 208 : index
          %get3A_592 = tpu.vector_load %arg18[%get3A_591] {strides = array<i32>} : memref<272xf32, #tpu.memory_space<vmem>>, vector<16xf32>,
          %add3A_593 = arith.addf %bitcast3A_567, %bitcast3A_577 : vector<16xf32>
          %max3A_594 = arith.constant 0.000000e+00 : f32
          %max3A_595 = vector.broadcast %max3A_594 : f32 to vector<16xf32>
          %max3A_596 = arith.maximumf %add3A_593, %max3A_595 : vector<16xf32>
          %mul3A_597 = arith.mulf %max3A_596, %get3A_590 : vector<16xf32>
          %add3A_598 = arith.addf %add3A_546, %mul3A_597 : vector<16xf32>
          %add3A_599 = arith.addf %bitcast3A_568, %bitcast3A_578 : vector<16xf32>
          %max3A_600 = arith.constant 0.000000e+00 : f32
          %max3A_601 = vector.broadcast %max3A_600 : f32 to vector<16xf32>
          %max3A_602 = arith.maximumf %add3A_599, %max3A_601 : vector<16xf32>
          %mul3A_603 = arith.mulf %max3A_602, %get3A_592 : vector<16xf32>
          %add3A_604 = arith.addf %add3A_598, %mul3A_603 : vector<16xf32>
          %add3A_605 = arith.addf %bitcast3A_567, %bitcast3A_587 : vector<16xf32>
          %max3A_606 = arith.constant 0.000000e+00 : f32
          %max3A_607 = vector.broadcast %max3A_606 : f32 to vector<16xf32>
          %max3A_608 = arith.maximumf %add3A_605, %max3A_607 : vector<16xf32>
          %mul3A_609 = arith.mulf %max3A_608, %get3A_590 : vector<16xf32>
          %add3A_610 = arith.addf %add3A_558, %mul3A_609 : vector<16xf32>
          %add3A_611 = arith.addf %bitcast3A_568, %bitcast3A_588 : vector<16xf32>
          %max3A_612 = arith.constant 0.000000e+00 : f32
          %max3A_613 = vector.broadcast %max3A_612 : f32 to vector<16xf32>
          %max3A_614 = arith.maximumf %add3A_611, %max3A_613 : vector<16xf32>
          %mul3A_615 = arith.mulf %max3A_614, %get3A_592 : vector<16xf32>
          %add3A_616 = arith.addf %add3A_610, %mul3A_615 : vector<16xf32>
          %get3A_617 = arith.constant 0 : i32
          %get3A_618 = arith.index_cast %get3A_617 : i32 to index
          %get3A_619 = arith.index_cast %add3A_213 : i32 to index
          %get3A_620 = arith.constant 112 : index
          %get3A_621 = tpu.vector_load %arg13[%get3A_618, %get3A_619, %get3A_620] {strides = array<i32>} : memref<2x128x128xi32, #tpu.memory_space<vmem>>, vector<16xi32>,
          %shift_left3A_622 = arith.constant 16 : i32
          %shift_left3A_623 = vector.broadcast %shift_left3A_622 : i32 to vector<16xi32>
          %shift_left3A_624 = arith.shli %get3A_621, %shift_left3A_623 : vector<16xi32>
          %bitcast3A_625 = vector.bitcast %shift_left3A_624 : vector<16xi32> to vector<16xf32>
          %bitcast3A_626 = vector.bitcast %get3A_621 : vector<16xi32> to vector<16xf32>
          %get3A_627 = arith.constant 0 : i32
          %get3A_628 = arith.index_cast %get3A_627 : i32 to index
          %get3A_629 = arith.index_cast %add3A_213 : i32 to index
          %get3A_630 = arith.constant 112 : index
          %get3A_631 = tpu.vector_load %arg14[%get3A_628, %get3A_629, %get3A_630] {strides = array<i32>} : memref<2x128x128xi32, #tpu.memory_space<vmem>>, vector<16xi32>,
          %shift_left3A_632 = arith.constant 16 : i32
          %shift_left3A_633 = vector.broadcast %shift_left3A_632 : i32 to vector<16xi32>
          %shift_left3A_634 = arith.shli %get3A_631, %shift_left3A_633 : vector<16xi32>
          %bitcast3A_635 = vector.bitcast %shift_left3A_634 : vector<16xi32> to vector<16xf32>
          %bitcast3A_636 = vector.bitcast %get3A_631 : vector<16xi32> to vector<16xf32>
          %get3A_637 = arith.constant 0 : i32
          %get3A_638 = arith.index_cast %get3A_637 : i32 to index
          %get3A_639 = arith.index_cast %add3A_213 : i32 to index
          %get3A_640 = arith.constant 112 : index
          %get3A_641 = tpu.vector_load %arg15[%get3A_638, %get3A_639, %get3A_640] {strides = array<i32>} : memref<2x128x128xi32, #tpu.memory_space<vmem>>, vector<16xi32>,
          %shift_left3A_642 = arith.constant 16 : i32
          %shift_left3A_643 = vector.broadcast %shift_left3A_642 : i32 to vector<16xi32>
          %shift_left3A_644 = arith.shli %get3A_641, %shift_left3A_643 : vector<16xi32>
          %bitcast3A_645 = vector.bitcast %shift_left3A_644 : vector<16xi32> to vector<16xf32>
          %bitcast3A_646 = vector.bitcast %get3A_641 : vector<16xi32> to vector<16xf32>
          %get3A_647 = arith.constant 224 : index
          %get3A_648 = tpu.vector_load %arg18[%get3A_647] {strides = array<i32>} : memref<272xf32, #tpu.memory_space<vmem>>, vector<16xf32>,
          %get3A_649 = arith.constant 240 : index
          %get3A_650 = tpu.vector_load %arg18[%get3A_649] {strides = array<i32>} : memref<272xf32, #tpu.memory_space<vmem>>, vector<16xf32>,
          %add3A_651 = arith.addf %bitcast3A_625, %bitcast3A_635 : vector<16xf32>
          %max3A_652 = arith.constant 0.000000e+00 : f32
          %max3A_653 = vector.broadcast %max3A_652 : f32 to vector<16xf32>
          %max3A_654 = arith.maximumf %add3A_651, %max3A_653 : vector<16xf32>
          %mul3A_655 = arith.mulf %max3A_654, %get3A_648 : vector<16xf32>
          %add3A_656 = arith.addf %add3A_604, %mul3A_655 : vector<16xf32>
          %add3A_657 = arith.addf %bitcast3A_626, %bitcast3A_636 : vector<16xf32>
          %max3A_658 = arith.constant 0.000000e+00 : f32
          %max3A_659 = vector.broadcast %max3A_658 : f32 to vector<16xf32>
          %max3A_660 = arith.maximumf %add3A_657, %max3A_659 : vector<16xf32>
          %mul3A_661 = arith.mulf %max3A_660, %get3A_650 : vector<16xf32>
          %add3A_662 = arith.addf %add3A_656, %mul3A_661 : vector<16xf32>
          %add3A_663 = arith.addf %bitcast3A_625, %bitcast3A_645 : vector<16xf32>
          %max3A_664 = arith.constant 0.000000e+00 : f32
          %max3A_665 = vector.broadcast %max3A_664 : f32 to vector<16xf32>
          %max3A_666 = arith.maximumf %add3A_663, %max3A_665 : vector<16xf32>
          %mul3A_667 = arith.mulf %max3A_666, %get3A_648 : vector<16xf32>
          %add3A_668 = arith.addf %add3A_616, %mul3A_667 : vector<16xf32>
          %add3A_669 = arith.addf %bitcast3A_626, %bitcast3A_646 : vector<16xf32>
          %max3A_670 = arith.constant 0.000000e+00 : f32
          %max3A_671 = vector.broadcast %max3A_670 : f32 to vector<16xf32>
          %max3A_672 = arith.maximumf %add3A_669, %max3A_671 : vector<16xf32>
          %mul3A_673 = arith.mulf %max3A_672, %get3A_650 : vector<16xf32>
          %add3A_674 = arith.addf %add3A_668, %mul3A_673 : vector<16xf32>
          %reduce_sum3A = arith.constant true
          %reduce_sum3A_675 = vector.broadcast %reduce_sum3A : i1 to vector<16xi1>
          %reduce_sum3A_676 = tpu.scan <sum>, %add3A_662 masked %reduce_sum3A_675 : vector<16xf32>, vector<16xi1> -> vector<16xf32>
          %reduce_sum3A_677 = vector.extract %reduce_sum3A_676[15] : f32 from vector<16xf32>
          %reduce_sum3A_678 = arith.constant true
          %reduce_sum3A_679 = vector.broadcast %reduce_sum3A_678 : i1 to vector<16xi1>
          %reduce_sum3A_680 = tpu.scan <sum>, %add3A_674 masked %reduce_sum3A_679 : vector<16xf32>, vector<16xi1> -> vector<16xf32>
          %reduce_sum3A_681 = vector.extract %reduce_sum3A_680[15] : f32 from vector<16xf32>
          %eq3A_682 = vector.broadcast %scan3A_208 : i32 to vector<16xi32>
          %eq3A_683 = arith.cmpi eq, %iota3A, %eq3A_682 : vector<16xi32>
          %broadcast_in_dim3A_684 = vector.broadcast %reduce_sum3A_677 : f32 to vector<16xf32>
          %select_n3A_685 = arith.select %eq3A_683, %broadcast_in_dim3A_684, %scan3A_209 : vector<16xi1>, vector<16xf32>
          %broadcast_in_dim3A_686 = vector.broadcast %reduce_sum3A_681 : f32 to vector<16xf32>
          %select_n3A_687 = arith.select %eq3A_683, %broadcast_in_dim3A_686, %scan3A_210 : vector<16xi1>, vector<16xf32>
          scf.yield %select_n3A_685, %select_n3A_687 : vector<16xf32>, vector<16xf32>
        }
        %scan3A_200 = arith.constant 16 : i32
        %mul3A_201 = arith.constant 16 : i32
        %mul3A_202 = arith.muli %scan3A_191, %mul3A_201 : i32
        %swap3A = arith.index_cast %mul3A_202 : i32 to index
        %swap3A_203 = tpu.vector_load %arg16[%swap3A] {strides = array<i32>} : memref<128xf32, #tpu.memory_space<vmem>>, vector<16xf32>,
        tpu.vector_store %arg16[%swap3A], %scan3A_199#0 {strides = array<i32>} : memref<128xf32, #tpu.memory_space<vmem>>, vector<16xf32>,
        %mul3A_204 = arith.constant 16 : i32
        %mul3A_205 = arith.muli %scan3A_191, %mul3A_204 : i32
        %swap3A_206 = arith.index_cast %mul3A_205 : i32 to index
        %swap3A_207 = tpu.vector_load %arg17[%swap3A_206] {strides = array<i32>} : memref<128xf32, #tpu.memory_space<vmem>>, vector<16xf32>,
        tpu.vector_store %arg17[%swap3A_206], %scan3A_199#1 {strides = array<i32>} : memref<128xf32, #tpu.memory_space<vmem>>, vector<16xf32>,
      }
      %scan3A_142 = arith.constant 8 : i32
      %mul3A_143 = arith.constant 128 : i32
      %mul3A_144 = arith.muli %mul3A_77, %mul3A_143 : i32
      %add3A_145 = arith.addi %mul3A_6, %mul3A_144 : i32
      "tpu.region"() ({
        %run_scoped3A = tpu.sem_alloc : memref<!tpu.dma_semaphore, #tpu.memory_space<semaphore_mem>>
        %dma_start3A_191 = tpu.memref_slice %arg8[%add3A_145] : memref<163840xf32, #tpu.memory_space<hbm>> -> memref<128xf32, #tpu.memory_space<hbm>>
        %dma_start3A_192 = tpu.memref_slice %arg8[%add3A_145] : memref<163840xf32, #tpu.memory_space<hbm>> -> memref<128xf32, #tpu.memory_space<hbm>>
        tpu.enqueue_dma source(%arg16 : memref<128xf32, #tpu.memory_space<vmem>>) target(%dma_start3A_192 : memref<128xf32, #tpu.memory_space<hbm>>) target_semaphore(%run_scoped3A : memref<!tpu.dma_semaphore, #tpu.memory_space<semaphore_mem>>)
        %dma_wait3A_193 = tpu.memref_slice %arg8[%add3A_145] : memref<163840xf32, #tpu.memory_space<hbm>> -> memref<128xf32, #tpu.memory_space<hbm>>
        %dma_wait3A_194 = tpu.memref_slice %arg8[%add3A_145] : memref<163840xf32, #tpu.memory_space<hbm>> -> memref<128xf32, #tpu.memory_space<hbm>>
        tpu.wait_dma2 semaphore(%run_scoped3A : memref<!tpu.dma_semaphore, #tpu.memory_space<semaphore_mem>>) src(%arg16 : memref<128xf32, #tpu.memory_space<vmem>>) dst(%dma_wait3A_194 : memref<128xf32, #tpu.memory_space<hbm>>)
        tpu.yield
      }) : () -> ()
      "tpu.region"() ({
        %run_scoped3A = tpu.sem_alloc : memref<!tpu.dma_semaphore, #tpu.memory_space<semaphore_mem>>
        %dma_start3A_191 = tpu.memref_slice %arg9[%add3A_145] : memref<163840xf32, #tpu.memory_space<hbm>> -> memref<128xf32, #tpu.memory_space<hbm>>
        %dma_start3A_192 = tpu.memref_slice %arg9[%add3A_145] : memref<163840xf32, #tpu.memory_space<hbm>> -> memref<128xf32, #tpu.memory_space<hbm>>
        tpu.enqueue_dma source(%arg17 : memref<128xf32, #tpu.memory_space<vmem>>) target(%dma_start3A_192 : memref<128xf32, #tpu.memory_space<hbm>>) target_semaphore(%run_scoped3A : memref<!tpu.dma_semaphore, #tpu.memory_space<semaphore_mem>>)
        %dma_wait3A_193 = tpu.memref_slice %arg9[%add3A_145] : memref<163840xf32, #tpu.memory_space<hbm>> -> memref<128xf32, #tpu.memory_space<hbm>>
        %dma_wait3A_194 = tpu.memref_slice %arg9[%add3A_145] : memref<163840xf32, #tpu.memory_space<hbm>> -> memref<128xf32, #tpu.memory_space<hbm>>
        tpu.wait_dma2 semaphore(%run_scoped3A : memref<!tpu.dma_semaphore, #tpu.memory_space<semaphore_mem>>) src(%arg17 : memref<128xf32, #tpu.memory_space<vmem>>) dst(%dma_wait3A_194 : memref<128xf32, #tpu.memory_space<hbm>>)
        tpu.yield
      }) : () -> ()
      %add3A_146 = arith.constant 2 : i32
      %add3A_147 = arith.addi %mul3A_77, %add3A_146 : i32
      %lt3A = arith.cmpi slt, %add3A_147, %select_n3A : i32
      %convert_element_type3A = arith.extui %lt3A : i1 to i32
      %cond3A = arith.constant 0 : i32
      %cond3A_148 = arith.cmpi ne, %convert_element_type3A, %cond3A : i32
      scf.if %cond3A_148 {
        %add3A_191 = arith.constant 2 : i32
        %add3A_192 = arith.addi %mul3A_77, %add3A_191 : i32
        %mul3A_193 = arith.constant 128 : i32
        %mul3A_194 = arith.muli %add3A_192, %mul3A_193 : i32
        %dma_start3A_195 = arith.constant 0 : i32
        %dma_start3A_196 = arith.constant 0 : i32
        %dma_start3A_197 = arith.constant 0 : i32
        %dma_start3A_198 = tpu.memref_slice %arg13[%dma_start3A_195, %dma_start3A_196, %dma_start3A_197] : memref<2x128x128xi32, #tpu.memory_space<vmem>> -> memref<1x128x128xi32, #tpu.memory_space<vmem>>
        %dma_start3A_199 = tpu.memref_squeeze %dma_start3A_198 : memref<1x128x128xi32, #tpu.memory_space<vmem>> -> memref<128x128xi32, #tpu.memory_space<vmem>>
        %dma_start3A_200 = tpu.memref_slice %arg10[%mul3A_194] : memref<6912xi32, #tpu.memory_space<vmem>> -> memref<128xi32, #tpu.memory_space<vmem>>
        %dma_start3A_201 = arith.constant 0 : i32
        %dma_start3A_202 = arith.constant 0 : i32
        %dma_start3A_203 = tpu.memref_slice %arg2[%dma_start3A_201, %dma_start3A_202] : memref<10000x128xi32, #tpu.memory_space<hbm>> -> memref<10000x128xi32, #tpu.memory_space<hbm>>
        tpu.enqueue_indirect_dma source(%dma_start3A_203 : memref<10000x128xi32, #tpu.memory_space<hbm>>) target(%dma_start3A_199 : memref<128x128xi32, #tpu.memory_space<vmem>>) offsets(%dma_start3A_200 : memref<128xi32, #tpu.memory_space<vmem>>) semaphore(%arg19 : memref<!tpu.dma_semaphore, #tpu.memory_space<semaphore_mem>>)
        %dma_start3A_204 = arith.constant 0 : i32
        %dma_start3A_205 = arith.constant 0 : i32
        %dma_start3A_206 = arith.constant 0 : i32
        %dma_start3A_207 = tpu.memref_slice %arg14[%dma_start3A_204, %dma_start3A_205, %dma_start3A_206] : memref<2x128x128xi32, #tpu.memory_space<vmem>> -> memref<1x128x128xi32, #tpu.memory_space<vmem>>
        %dma_start3A_208 = tpu.memref_squeeze %dma_start3A_207 : memref<1x128x128xi32, #tpu.memory_space<vmem>> -> memref<128x128xi32, #tpu.memory_space<vmem>>
        %dma_start3A_209 = tpu.memref_slice %arg11[%mul3A_194] : memref<6912xi32, #tpu.memory_space<vmem>> -> memref<128xi32, #tpu.memory_space<vmem>>
        %dma_start3A_210 = arith.constant 0 : i32
        %dma_start3A_211 = arith.constant 0 : i32
        %dma_start3A_212 = tpu.memref_slice %arg3[%dma_start3A_210, %dma_start3A_211] : memref<10000x128xi32, #tpu.memory_space<hbm>> -> memref<10000x128xi32, #tpu.memory_space<hbm>>
        tpu.enqueue_indirect_dma source(%dma_start3A_212 : memref<10000x128xi32, #tpu.memory_space<hbm>>) target(%dma_start3A_208 : memref<128x128xi32, #tpu.memory_space<vmem>>) offsets(%dma_start3A_209 : memref<128xi32, #tpu.memory_space<vmem>>) semaphore(%arg19 : memref<!tpu.dma_semaphore, #tpu.memory_space<semaphore_mem>>)
        %dma_start3A_213 = arith.constant 0 : i32
        %dma_start3A_214 = arith.constant 0 : i32
        %dma_start3A_215 = arith.constant 0 : i32
        %dma_start3A_216 = tpu.memref_slice %arg15[%dma_start3A_213, %dma_start3A_214, %dma_start3A_215] : memref<2x128x128xi32, #tpu.memory_space<vmem>> -> memref<1x128x128xi32, #tpu.memory_space<vmem>>
        %dma_start3A_217 = tpu.memref_squeeze %dma_start3A_216 : memref<1x128x128xi32, #tpu.memory_space<vmem>> -> memref<128x128xi32, #tpu.memory_space<vmem>>
        %dma_start3A_218 = tpu.memref_slice %arg12[%mul3A_194] : memref<6912xi32, #tpu.memory_space<vmem>> -> memref<128xi32, #tpu.memory_space<vmem>>
        %dma_start3A_219 = arith.constant 0 : i32
        %dma_start3A_220 = arith.constant 0 : i32
        %dma_start3A_221 = tpu.memref_slice %arg3[%dma_start3A_219, %dma_start3A_220] : memref<10000x128xi32, #tpu.memory_space<hbm>> -> memref<10000x128xi32, #tpu.memory_space<hbm>>
        tpu.enqueue_indirect_dma source(%dma_start3A_221 : memref<10000x128xi32, #tpu.memory_space<hbm>>) target(%dma_start3A_217 : memref<128x128xi32, #tpu.memory_space<vmem>>) offsets(%dma_start3A_218 : memref<128xi32, #tpu.memory_space<vmem>>) semaphore(%arg19 : memref<!tpu.dma_semaphore, #tpu.memory_space<semaphore_mem>>)
      } else {
      }
      %add3A_149 = arith.constant 1 : i32
      %add3A_150 = arith.addi %mul3A_77, %add3A_149 : i32
      %mul3A_151 = arith.constant 128 : i32
      %mul3A_152 = arith.muli %add3A_150, %mul3A_151 : i32
      %dma_wait3A_153 = arith.constant 1 : i32
      %dma_wait3A_154 = arith.constant 0 : i32
      %dma_wait3A_155 = arith.constant 0 : i32
      %dma_wait3A_156 = tpu.memref_slice %arg13[%dma_wait3A_153, %dma_wait3A_154, %dma_wait3A_155] : memref<2x128x128xi32, #tpu.memory_space<vmem>> -> memref<1x128x128xi32, #tpu.memory_space<vmem>>
      %dma_wait3A_157 = tpu.memref_squeeze %dma_wait3A_156 : memref<1x128x128xi32, #tpu.memory_space<vmem>> -> memref<128x128xi32, #tpu.memory_space<vmem>>
      %dma_wait3A_158 = tpu.memref_slice %arg10[%mul3A_152] : memref<6912xi32, #tpu.memory_space<vmem>> -> memref<128xi32, #tpu.memory_space<vmem>>
      %dma_wait3A_159 = arith.constant 0 : i32
      %dma_wait3A_160 = arith.constant 0 : i32
      %dma_wait3A_161 = tpu.memref_slice %arg2[%dma_wait3A_159, %dma_wait3A_160] : memref<10000x128xi32, #tpu.memory_space<hbm>> -> memref<10000x128xi32, #tpu.memory_space<hbm>>
      tpu.wait_indirect_dma semaphore(%arg20 : memref<!tpu.dma_semaphore, #tpu.memory_space<semaphore_mem>>) src(%dma_wait3A_161 : memref<10000x128xi32, #tpu.memory_space<hbm>>) dst(%dma_wait3A_157 : memref<128x128xi32, #tpu.memory_space<vmem>>)
      %dma_wait3A_162 = arith.constant 1 : i32
      %dma_wait3A_163 = arith.constant 0 : i32
      %dma_wait3A_164 = arith.constant 0 : i32
      %dma_wait3A_165 = tpu.memref_slice %arg14[%dma_wait3A_162, %dma_wait3A_163, %dma_wait3A_164] : memref<2x128x128xi32, #tpu.memory_space<vmem>> -> memref<1x128x128xi32, #tpu.memory_space<vmem>>
      %dma_wait3A_166 = tpu.memref_squeeze %dma_wait3A_165 : memref<1x128x128xi32, #tpu.memory_space<vmem>> -> memref<128x128xi32, #tpu.memory_space<vmem>>
      %dma_wait3A_167 = tpu.memref_slice %arg11[%mul3A_152] : memref<6912xi32, #tpu.memory_space<vmem>> -> memref<128xi32, #tpu.memory_space<vmem>>
      %dma_wait3A_168 = arith.constant 0 : i32
      %dma_wait3A_169 = arith.constant 0 : i32
      %dma_wait3A_170 = tpu.memref_slice %arg3[%dma_wait3A_168, %dma_wait3A_169] : memref<10000x128xi32, #tpu.memory_space<hbm>> -> memref<10000x128xi32, #tpu.memory_space<hbm>>
      tpu.wait_indirect_dma semaphore(%arg20 : memref<!tpu.dma_semaphore, #tpu.memory_space<semaphore_mem>>) src(%dma_wait3A_170 : memref<10000x128xi32, #tpu.memory_space<hbm>>) dst(%dma_wait3A_166 : memref<128x128xi32, #tpu.memory_space<vmem>>)
      %dma_wait3A_171 = arith.constant 1 : i32
      %dma_wait3A_172 = arith.constant 0 : i32
      %dma_wait3A_173 = arith.constant 0 : i32
      %dma_wait3A_174 = tpu.memref_slice %arg15[%dma_wait3A_171, %dma_wait3A_172, %dma_wait3A_173] : memref<2x128x128xi32, #tpu.memory_space<vmem>> -> memref<1x128x128xi32, #tpu.memory_space<vmem>>
      %dma_wait3A_175 = tpu.memref_squeeze %dma_wait3A_174 : memref<1x128x128xi32, #tpu.memory_space<vmem>> -> memref<128x128xi32, #tpu.memory_space<vmem>>
      %dma_wait3A_176 = tpu.memref_slice %arg12[%mul3A_152] : memref<6912xi32, #tpu.memory_space<vmem>> -> memref<128xi32, #tpu.memory_space<vmem>>
      %dma_wait3A_177 = arith.constant 0 : i32
      %dma_wait3A_178 = arith.constant 0 : i32
      %dma_wait3A_179 = tpu.memref_slice %arg3[%dma_wait3A_177, %dma_wait3A_178] : memref<10000x128xi32, #tpu.memory_space<hbm>> -> memref<10000x128xi32, #tpu.memory_space<hbm>>
      tpu.wait_indirect_dma semaphore(%arg20 : memref<!tpu.dma_semaphore, #tpu.memory_space<semaphore_mem>>) src(%dma_wait3A_179 : memref<10000x128xi32, #tpu.memory_space<hbm>>) dst(%dma_wait3A_175 : memref<128x128xi32, #tpu.memory_space<vmem>>)
      %add3A_180 = arith.constant 1 : i32
      %add3A_181 = arith.addi %mul3A_77, %add3A_180 : i32
      %scan3A_182 = arith.constant 0 : i32
      %scan3A_183 = arith.constant 0 : i32
      %scan3A_184 = arith.constant 8 : i32
      %scan3A_185 = arith.addi %scan3A_183, %scan3A_184 : i32
      %scan3A_186 = arith.constant 1 : i32
      scf.for %scan3A_191 = %scan3A_183 to %scan3A_185 step %scan3A_186  : i32 {
        %broadcast_in_dim3A = arith.constant 0.000000e+00 : f32
        %broadcast_in_dim3A_192 = vector.broadcast %broadcast_in_dim3A : f32 to vector<16xf32>
        %broadcast_in_dim3A_193 = arith.constant 0.000000e+00 : f32
        %broadcast_in_dim3A_194 = vector.broadcast %broadcast_in_dim3A_193 : f32 to vector<16xf32>
        %scan3A_195 = arith.constant 0 : i32
        %scan3A_196 = arith.constant 16 : i32
        %scan3A_197 = arith.addi %scan3A_195, %scan3A_196 : i32
        %scan3A_198 = arith.constant 1 : i32
        %scan3A_199:2 = scf.for %scan3A_208 = %scan3A_195 to %scan3A_197 step %scan3A_198 iter_args(%scan3A_209 = %broadcast_in_dim3A_192, %scan3A_210 = %broadcast_in_dim3A_194) -> (vector<16xf32>, vector<16xf32>)  : i32 {
          %mul3A_211 = arith.constant 16 : i32
          %mul3A_212 = arith.muli %scan3A_191, %mul3A_211 : i32
          %add3A_213 = arith.addi %mul3A_212, %scan3A_208 : i32
          %get3A_214 = arith.constant 1 : i32
          %get3A_215 = arith.index_cast %get3A_214 : i32 to index
          %get3A_216 = arith.index_cast %add3A_213 : i32 to index
          %get3A_217 = arith.constant 0 : index
          %get3A_218 = tpu.vector_load %arg13[%get3A_215, %get3A_216, %get3A_217] {strides = array<i32>} : memref<2x128x128xi32, #tpu.memory_space<vmem>>, vector<16xi32>,
          %shift_left3A = arith.constant 16 : i32
          %shift_left3A_219 = vector.broadcast %shift_left3A : i32 to vector<16xi32>
          %shift_left3A_220 = arith.shli %get3A_218, %shift_left3A_219 : vector<16xi32>
          %bitcast3A = vector.bitcast %shift_left3A_220 : vector<16xi32> to vector<16xf32>
          %bitcast3A_221 = vector.bitcast %get3A_218 : vector<16xi32> to vector<16xf32>
          %get3A_222 = arith.constant 1 : i32
          %get3A_223 = arith.index_cast %get3A_222 : i32 to index
          %get3A_224 = arith.index_cast %add3A_213 : i32 to index
          %get3A_225 = arith.constant 0 : index
          %get3A_226 = tpu.vector_load %arg14[%get3A_223, %get3A_224, %get3A_225] {strides = array<i32>} : memref<2x128x128xi32, #tpu.memory_space<vmem>>, vector<16xi32>,
          %shift_left3A_227 = arith.constant 16 : i32
          %shift_left3A_228 = vector.broadcast %shift_left3A_227 : i32 to vector<16xi32>
          %shift_left3A_229 = arith.shli %get3A_226, %shift_left3A_228 : vector<16xi32>
          %bitcast3A_230 = vector.bitcast %shift_left3A_229 : vector<16xi32> to vector<16xf32>
          %bitcast3A_231 = vector.bitcast %get3A_226 : vector<16xi32> to vector<16xf32>
          %get3A_232 = arith.constant 1 : i32
          %get3A_233 = arith.index_cast %get3A_232 : i32 to index
          %get3A_234 = arith.index_cast %add3A_213 : i32 to index
          %get3A_235 = arith.constant 0 : index
          %get3A_236 = tpu.vector_load %arg15[%get3A_233, %get3A_234, %get3A_235] {strides = array<i32>} : memref<2x128x128xi32, #tpu.memory_space<vmem>>, vector<16xi32>,
          %shift_left3A_237 = arith.constant 16 : i32
          %shift_left3A_238 = vector.broadcast %shift_left3A_237 : i32 to vector<16xi32>
          %shift_left3A_239 = arith.shli %get3A_236, %shift_left3A_238 : vector<16xi32>
          %bitcast3A_240 = vector.bitcast %shift_left3A_239 : vector<16xi32> to vector<16xf32>
          %bitcast3A_241 = vector.bitcast %get3A_236 : vector<16xi32> to vector<16xf32>
          %get3A_242 = arith.constant 0 : index
          %get3A_243 = tpu.vector_load %arg18[%get3A_242] {strides = array<i32>} : memref<272xf32, #tpu.memory_space<vmem>>, vector<16xf32>,
          %get3A_244 = arith.constant 16 : index
          %get3A_245 = tpu.vector_load %arg18[%get3A_244] {strides = array<i32>} : memref<272xf32, #tpu.memory_space<vmem>>, vector<16xf32>,
          %add3A_246 = arith.addf %bitcast3A, %bitcast3A_230 : vector<16xf32>
          %max3A = arith.constant 0.000000e+00 : f32
          %max3A_247 = vector.broadcast %max3A : f32 to vector<16xf32>
          %max3A_248 = arith.maximumf %add3A_246, %max3A_247 : vector<16xf32>
          %mul3A_249 = arith.mulf %max3A_248, %get3A_243 : vector<16xf32>
          %add3A_250 = arith.addf %get3A_17, %mul3A_249 : vector<16xf32>
          %add3A_251 = arith.addf %bitcast3A_221, %bitcast3A_231 : vector<16xf32>
          %max3A_252 = arith.constant 0.000000e+00 : f32
          %max3A_253 = vector.broadcast %max3A_252 : f32 to vector<16xf32>
          %max3A_254 = arith.maximumf %add3A_251, %max3A_253 : vector<16xf32>
          %mul3A_255 = arith.mulf %max3A_254, %get3A_245 : vector<16xf32>
          %add3A_256 = arith.addf %add3A_250, %mul3A_255 : vector<16xf32>
          %add3A_257 = arith.addf %bitcast3A, %bitcast3A_240 : vector<16xf32>
          %max3A_258 = arith.constant 0.000000e+00 : f32
          %max3A_259 = vector.broadcast %max3A_258 : f32 to vector<16xf32>
          %max3A_260 = arith.maximumf %add3A_257, %max3A_259 : vector<16xf32>
          %mul3A_261 = arith.mulf %max3A_260, %get3A_243 : vector<16xf32>
          %add3A_262 = arith.addf %get3A_17, %mul3A_261 : vector<16xf32>
          %add3A_263 = arith.addf %bitcast3A_221, %bitcast3A_241 : vector<16xf32>
          %max3A_264 = arith.constant 0.000000e+00 : f32
          %max3A_265 = vector.broadcast %max3A_264 : f32 to vector<16xf32>
          %max3A_266 = arith.maximumf %add3A_263, %max3A_265 : vector<16xf32>
          %mul3A_267 = arith.mulf %max3A_266, %get3A_245 : vector<16xf32>
          %add3A_268 = arith.addf %add3A_262, %mul3A_267 : vector<16xf32>
          %get3A_269 = arith.constant 1 : i32
          %get3A_270 = arith.index_cast %get3A_269 : i32 to index
          %get3A_271 = arith.index_cast %add3A_213 : i32 to index
          %get3A_272 = arith.constant 16 : index
          %get3A_273 = tpu.vector_load %arg13[%get3A_270, %get3A_271, %get3A_272] {strides = array<i32>} : memref<2x128x128xi32, #tpu.memory_space<vmem>>, vector<16xi32>,
          %shift_left3A_274 = arith.constant 16 : i32
          %shift_left3A_275 = vector.broadcast %shift_left3A_274 : i32 to vector<16xi32>
          %shift_left3A_276 = arith.shli %get3A_273, %shift_left3A_275 : vector<16xi32>
          %bitcast3A_277 = vector.bitcast %shift_left3A_276 : vector<16xi32> to vector<16xf32>
          %bitcast3A_278 = vector.bitcast %get3A_273 : vector<16xi32> to vector<16xf32>
          %get3A_279 = arith.constant 1 : i32
          %get3A_280 = arith.index_cast %get3A_279 : i32 to index
          %get3A_281 = arith.index_cast %add3A_213 : i32 to index
          %get3A_282 = arith.constant 16 : index
          %get3A_283 = tpu.vector_load %arg14[%get3A_280, %get3A_281, %get3A_282] {strides = array<i32>} : memref<2x128x128xi32, #tpu.memory_space<vmem>>, vector<16xi32>,
          %shift_left3A_284 = arith.constant 16 : i32
          %shift_left3A_285 = vector.broadcast %shift_left3A_284 : i32 to vector<16xi32>
          %shift_left3A_286 = arith.shli %get3A_283, %shift_left3A_285 : vector<16xi32>
          %bitcast3A_287 = vector.bitcast %shift_left3A_286 : vector<16xi32> to vector<16xf32>
          %bitcast3A_288 = vector.bitcast %get3A_283 : vector<16xi32> to vector<16xf32>
          %get3A_289 = arith.constant 1 : i32
          %get3A_290 = arith.index_cast %get3A_289 : i32 to index
          %get3A_291 = arith.index_cast %add3A_213 : i32 to index
          %get3A_292 = arith.constant 16 : index
          %get3A_293 = tpu.vector_load %arg15[%get3A_290, %get3A_291, %get3A_292] {strides = array<i32>} : memref<2x128x128xi32, #tpu.memory_space<vmem>>, vector<16xi32>,
          %shift_left3A_294 = arith.constant 16 : i32
          %shift_left3A_295 = vector.broadcast %shift_left3A_294 : i32 to vector<16xi32>
          %shift_left3A_296 = arith.shli %get3A_293, %shift_left3A_295 : vector<16xi32>
          %bitcast3A_297 = vector.bitcast %shift_left3A_296 : vector<16xi32> to vector<16xf32>
          %bitcast3A_298 = vector.bitcast %get3A_293 : vector<16xi32> to vector<16xf32>
          %get3A_299 = arith.constant 32 : index
          %get3A_300 = tpu.vector_load %arg18[%get3A_299] {strides = array<i32>} : memref<272xf32, #tpu.memory_space<vmem>>, vector<16xf32>,
          %get3A_301 = arith.constant 48 : index
          %get3A_302 = tpu.vector_load %arg18[%get3A_301] {strides = array<i32>} : memref<272xf32, #tpu.memory_space<vmem>>, vector<16xf32>,
          %add3A_303 = arith.addf %bitcast3A_277, %bitcast3A_287 : vector<16xf32>
          %max3A_304 = arith.constant 0.000000e+00 : f32
          %max3A_305 = vector.broadcast %max3A_304 : f32 to vector<16xf32>
          %max3A_306 = arith.maximumf %add3A_303, %max3A_305 : vector<16xf32>
          %mul3A_307 = arith.mulf %max3A_306, %get3A_300 : vector<16xf32>
          %add3A_308 = arith.addf %add3A_256, %mul3A_307 : vector<16xf32>
          %add3A_309 = arith.addf %bitcast3A_278, %bitcast3A_288 : vector<16xf32>
          %max3A_310 = arith.constant 0.000000e+00 : f32
          %max3A_311 = vector.broadcast %max3A_310 : f32 to vector<16xf32>
          %max3A_312 = arith.maximumf %add3A_309, %max3A_311 : vector<16xf32>
          %mul3A_313 = arith.mulf %max3A_312, %get3A_302 : vector<16xf32>
          %add3A_314 = arith.addf %add3A_308, %mul3A_313 : vector<16xf32>
          %add3A_315 = arith.addf %bitcast3A_277, %bitcast3A_297 : vector<16xf32>
          %max3A_316 = arith.constant 0.000000e+00 : f32
          %max3A_317 = vector.broadcast %max3A_316 : f32 to vector<16xf32>
          %max3A_318 = arith.maximumf %add3A_315, %max3A_317 : vector<16xf32>
          %mul3A_319 = arith.mulf %max3A_318, %get3A_300 : vector<16xf32>
          %add3A_320 = arith.addf %add3A_268, %mul3A_319 : vector<16xf32>
          %add3A_321 = arith.addf %bitcast3A_278, %bitcast3A_298 : vector<16xf32>
          %max3A_322 = arith.constant 0.000000e+00 : f32
          %max3A_323 = vector.broadcast %max3A_322 : f32 to vector<16xf32>
          %max3A_324 = arith.maximumf %add3A_321, %max3A_323 : vector<16xf32>
          %mul3A_325 = arith.mulf %max3A_324, %get3A_302 : vector<16xf32>
          %add3A_326 = arith.addf %add3A_320, %mul3A_325 : vector<16xf32>
          %get3A_327 = arith.constant 1 : i32
          %get3A_328 = arith.index_cast %get3A_327 : i32 to index
          %get3A_329 = arith.index_cast %add3A_213 : i32 to index
          %get3A_330 = arith.constant 32 : index
          %get3A_331 = tpu.vector_load %arg13[%get3A_328, %get3A_329, %get3A_330] {strides = array<i32>} : memref<2x128x128xi32, #tpu.memory_space<vmem>>, vector<16xi32>,
          %shift_left3A_332 = arith.constant 16 : i32
          %shift_left3A_333 = vector.broadcast %shift_left3A_332 : i32 to vector<16xi32>
          %shift_left3A_334 = arith.shli %get3A_331, %shift_left3A_333 : vector<16xi32>
          %bitcast3A_335 = vector.bitcast %shift_left3A_334 : vector<16xi32> to vector<16xf32>
          %bitcast3A_336 = vector.bitcast %get3A_331 : vector<16xi32> to vector<16xf32>
          %get3A_337 = arith.constant 1 : i32
          %get3A_338 = arith.index_cast %get3A_337 : i32 to index
          %get3A_339 = arith.index_cast %add3A_213 : i32 to index
          %get3A_340 = arith.constant 32 : index
          %get3A_341 = tpu.vector_load %arg14[%get3A_338, %get3A_339, %get3A_340] {strides = array<i32>} : memref<2x128x128xi32, #tpu.memory_space<vmem>>, vector<16xi32>,
          %shift_left3A_342 = arith.constant 16 : i32
          %shift_left3A_343 = vector.broadcast %shift_left3A_342 : i32 to vector<16xi32>
          %shift_left3A_344 = arith.shli %get3A_341, %shift_left3A_343 : vector<16xi32>
          %bitcast3A_345 = vector.bitcast %shift_left3A_344 : vector<16xi32> to vector<16xf32>
          %bitcast3A_346 = vector.bitcast %get3A_341 : vector<16xi32> to vector<16xf32>
          %get3A_347 = arith.constant 1 : i32
          %get3A_348 = arith.index_cast %get3A_347 : i32 to index
          %get3A_349 = arith.index_cast %add3A_213 : i32 to index
          %get3A_350 = arith.constant 32 : index
          %get3A_351 = tpu.vector_load %arg15[%get3A_348, %get3A_349, %get3A_350] {strides = array<i32>} : memref<2x128x128xi32, #tpu.memory_space<vmem>>, vector<16xi32>,
          %shift_left3A_352 = arith.constant 16 : i32
          %shift_left3A_353 = vector.broadcast %shift_left3A_352 : i32 to vector<16xi32>
          %shift_left3A_354 = arith.shli %get3A_351, %shift_left3A_353 : vector<16xi32>
          %bitcast3A_355 = vector.bitcast %shift_left3A_354 : vector<16xi32> to vector<16xf32>
          %bitcast3A_356 = vector.bitcast %get3A_351 : vector<16xi32> to vector<16xf32>
          %get3A_357 = arith.constant 64 : index
          %get3A_358 = tpu.vector_load %arg18[%get3A_357] {strides = array<i32>} : memref<272xf32, #tpu.memory_space<vmem>>, vector<16xf32>,
          %get3A_359 = arith.constant 80 : index
          %get3A_360 = tpu.vector_load %arg18[%get3A_359] {strides = array<i32>} : memref<272xf32, #tpu.memory_space<vmem>>, vector<16xf32>,
          %add3A_361 = arith.addf %bitcast3A_335, %bitcast3A_345 : vector<16xf32>
          %max3A_362 = arith.constant 0.000000e+00 : f32
          %max3A_363 = vector.broadcast %max3A_362 : f32 to vector<16xf32>
          %max3A_364 = arith.maximumf %add3A_361, %max3A_363 : vector<16xf32>
          %mul3A_365 = arith.mulf %max3A_364, %get3A_358 : vector<16xf32>
          %add3A_366 = arith.addf %add3A_314, %mul3A_365 : vector<16xf32>
          %add3A_367 = arith.addf %bitcast3A_336, %bitcast3A_346 : vector<16xf32>
          %max3A_368 = arith.constant 0.000000e+00 : f32
          %max3A_369 = vector.broadcast %max3A_368 : f32 to vector<16xf32>
          %max3A_370 = arith.maximumf %add3A_367, %max3A_369 : vector<16xf32>
          %mul3A_371 = arith.mulf %max3A_370, %get3A_360 : vector<16xf32>
          %add3A_372 = arith.addf %add3A_366, %mul3A_371 : vector<16xf32>
          %add3A_373 = arith.addf %bitcast3A_335, %bitcast3A_355 : vector<16xf32>
          %max3A_374 = arith.constant 0.000000e+00 : f32
          %max3A_375 = vector.broadcast %max3A_374 : f32 to vector<16xf32>
          %max3A_376 = arith.maximumf %add3A_373, %max3A_375 : vector<16xf32>
          %mul3A_377 = arith.mulf %max3A_376, %get3A_358 : vector<16xf32>
          %add3A_378 = arith.addf %add3A_326, %mul3A_377 : vector<16xf32>
          %add3A_379 = arith.addf %bitcast3A_336, %bitcast3A_356 : vector<16xf32>
          %max3A_380 = arith.constant 0.000000e+00 : f32
          %max3A_381 = vector.broadcast %max3A_380 : f32 to vector<16xf32>
          %max3A_382 = arith.maximumf %add3A_379, %max3A_381 : vector<16xf32>
          %mul3A_383 = arith.mulf %max3A_382, %get3A_360 : vector<16xf32>
          %add3A_384 = arith.addf %add3A_378, %mul3A_383 : vector<16xf32>
          %get3A_385 = arith.constant 1 : i32
          %get3A_386 = arith.index_cast %get3A_385 : i32 to index
          %get3A_387 = arith.index_cast %add3A_213 : i32 to index
          %get3A_388 = arith.constant 48 : index
          %get3A_389 = tpu.vector_load %arg13[%get3A_386, %get3A_387, %get3A_388] {strides = array<i32>} : memref<2x128x128xi32, #tpu.memory_space<vmem>>, vector<16xi32>,
          %shift_left3A_390 = arith.constant 16 : i32
          %shift_left3A_391 = vector.broadcast %shift_left3A_390 : i32 to vector<16xi32>
          %shift_left3A_392 = arith.shli %get3A_389, %shift_left3A_391 : vector<16xi32>
          %bitcast3A_393 = vector.bitcast %shift_left3A_392 : vector<16xi32> to vector<16xf32>
          %bitcast3A_394 = vector.bitcast %get3A_389 : vector<16xi32> to vector<16xf32>
          %get3A_395 = arith.constant 1 : i32
          %get3A_396 = arith.index_cast %get3A_395 : i32 to index
          %get3A_397 = arith.index_cast %add3A_213 : i32 to index
          %get3A_398 = arith.constant 48 : index
          %get3A_399 = tpu.vector_load %arg14[%get3A_396, %get3A_397, %get3A_398] {strides = array<i32>} : memref<2x128x128xi32, #tpu.memory_space<vmem>>, vector<16xi32>,
          %shift_left3A_400 = arith.constant 16 : i32
          %shift_left3A_401 = vector.broadcast %shift_left3A_400 : i32 to vector<16xi32>
          %shift_left3A_402 = arith.shli %get3A_399, %shift_left3A_401 : vector<16xi32>
          %bitcast3A_403 = vector.bitcast %shift_left3A_402 : vector<16xi32> to vector<16xf32>
          %bitcast3A_404 = vector.bitcast %get3A_399 : vector<16xi32> to vector<16xf32>
          %get3A_405 = arith.constant 1 : i32
          %get3A_406 = arith.index_cast %get3A_405 : i32 to index
          %get3A_407 = arith.index_cast %add3A_213 : i32 to index
          %get3A_408 = arith.constant 48 : index
          %get3A_409 = tpu.vector_load %arg15[%get3A_406, %get3A_407, %get3A_408] {strides = array<i32>} : memref<2x128x128xi32, #tpu.memory_space<vmem>>, vector<16xi32>,
          %shift_left3A_410 = arith.constant 16 : i32
          %shift_left3A_411 = vector.broadcast %shift_left3A_410 : i32 to vector<16xi32>
          %shift_left3A_412 = arith.shli %get3A_409, %shift_left3A_411 : vector<16xi32>
          %bitcast3A_413 = vector.bitcast %shift_left3A_412 : vector<16xi32> to vector<16xf32>
          %bitcast3A_414 = vector.bitcast %get3A_409 : vector<16xi32> to vector<16xf32>
          %get3A_415 = arith.constant 96 : index
          %get3A_416 = tpu.vector_load %arg18[%get3A_415] {strides = array<i32>} : memref<272xf32, #tpu.memory_space<vmem>>, vector<16xf32>,
          %get3A_417 = arith.constant 112 : index
          %get3A_418 = tpu.vector_load %arg18[%get3A_417] {strides = array<i32>} : memref<272xf32, #tpu.memory_space<vmem>>, vector<16xf32>,
          %add3A_419 = arith.addf %bitcast3A_393, %bitcast3A_403 : vector<16xf32>
          %max3A_420 = arith.constant 0.000000e+00 : f32
          %max3A_421 = vector.broadcast %max3A_420 : f32 to vector<16xf32>
          %max3A_422 = arith.maximumf %add3A_419, %max3A_421 : vector<16xf32>
          %mul3A_423 = arith.mulf %max3A_422, %get3A_416 : vector<16xf32>
          %add3A_424 = arith.addf %add3A_372, %mul3A_423 : vector<16xf32>
          %add3A_425 = arith.addf %bitcast3A_394, %bitcast3A_404 : vector<16xf32>
          %max3A_426 = arith.constant 0.000000e+00 : f32
          %max3A_427 = vector.broadcast %max3A_426 : f32 to vector<16xf32>
          %max3A_428 = arith.maximumf %add3A_425, %max3A_427 : vector<16xf32>
          %mul3A_429 = arith.mulf %max3A_428, %get3A_418 : vector<16xf32>
          %add3A_430 = arith.addf %add3A_424, %mul3A_429 : vector<16xf32>
          %add3A_431 = arith.addf %bitcast3A_393, %bitcast3A_413 : vector<16xf32>
          %max3A_432 = arith.constant 0.000000e+00 : f32
          %max3A_433 = vector.broadcast %max3A_432 : f32 to vector<16xf32>
          %max3A_434 = arith.maximumf %add3A_431, %max3A_433 : vector<16xf32>
          %mul3A_435 = arith.mulf %max3A_434, %get3A_416 : vector<16xf32>
          %add3A_436 = arith.addf %add3A_384, %mul3A_435 : vector<16xf32>
          %add3A_437 = arith.addf %bitcast3A_394, %bitcast3A_414 : vector<16xf32>
          %max3A_438 = arith.constant 0.000000e+00 : f32
          %max3A_439 = vector.broadcast %max3A_438 : f32 to vector<16xf32>
          %max3A_440 = arith.maximumf %add3A_437, %max3A_439 : vector<16xf32>
          %mul3A_441 = arith.mulf %max3A_440, %get3A_418 : vector<16xf32>
          %add3A_442 = arith.addf %add3A_436, %mul3A_441 : vector<16xf32>
          %get3A_443 = arith.constant 1 : i32
          %get3A_444 = arith.index_cast %get3A_443 : i32 to index
          %get3A_445 = arith.index_cast %add3A_213 : i32 to index
          %get3A_446 = arith.constant 64 : index
          %get3A_447 = tpu.vector_load %arg13[%get3A_444, %get3A_445, %get3A_446] {strides = array<i32>} : memref<2x128x128xi32, #tpu.memory_space<vmem>>, vector<16xi32>,
          %shift_left3A_448 = arith.constant 16 : i32
          %shift_left3A_449 = vector.broadcast %shift_left3A_448 : i32 to vector<16xi32>
          %shift_left3A_450 = arith.shli %get3A_447, %shift_left3A_449 : vector<16xi32>
          %bitcast3A_451 = vector.bitcast %shift_left3A_450 : vector<16xi32> to vector<16xf32>
          %bitcast3A_452 = vector.bitcast %get3A_447 : vector<16xi32> to vector<16xf32>
          %get3A_453 = arith.constant 1 : i32
          %get3A_454 = arith.index_cast %get3A_453 : i32 to index
          %get3A_455 = arith.index_cast %add3A_213 : i32 to index
          %get3A_456 = arith.constant 64 : index
          %get3A_457 = tpu.vector_load %arg14[%get3A_454, %get3A_455, %get3A_456] {strides = array<i32>} : memref<2x128x128xi32, #tpu.memory_space<vmem>>, vector<16xi32>,
          %shift_left3A_458 = arith.constant 16 : i32
          %shift_left3A_459 = vector.broadcast %shift_left3A_458 : i32 to vector<16xi32>
          %shift_left3A_460 = arith.shli %get3A_457, %shift_left3A_459 : vector<16xi32>
          %bitcast3A_461 = vector.bitcast %shift_left3A_460 : vector<16xi32> to vector<16xf32>
          %bitcast3A_462 = vector.bitcast %get3A_457 : vector<16xi32> to vector<16xf32>
          %get3A_463 = arith.constant 1 : i32
          %get3A_464 = arith.index_cast %get3A_463 : i32 to index
          %get3A_465 = arith.index_cast %add3A_213 : i32 to index
          %get3A_466 = arith.constant 64 : index
          %get3A_467 = tpu.vector_load %arg15[%get3A_464, %get3A_465, %get3A_466] {strides = array<i32>} : memref<2x128x128xi32, #tpu.memory_space<vmem>>, vector<16xi32>,
          %shift_left3A_468 = arith.constant 16 : i32
          %shift_left3A_469 = vector.broadcast %shift_left3A_468 : i32 to vector<16xi32>
          %shift_left3A_470 = arith.shli %get3A_467, %shift_left3A_469 : vector<16xi32>
          %bitcast3A_471 = vector.bitcast %shift_left3A_470 : vector<16xi32> to vector<16xf32>
          %bitcast3A_472 = vector.bitcast %get3A_467 : vector<16xi32> to vector<16xf32>
          %get3A_473 = arith.constant 128 : index
          %get3A_474 = tpu.vector_load %arg18[%get3A_473] {strides = array<i32>} : memref<272xf32, #tpu.memory_space<vmem>>, vector<16xf32>,
          %get3A_475 = arith.constant 144 : index
          %get3A_476 = tpu.vector_load %arg18[%get3A_475] {strides = array<i32>} : memref<272xf32, #tpu.memory_space<vmem>>, vector<16xf32>,
          %add3A_477 = arith.addf %bitcast3A_451, %bitcast3A_461 : vector<16xf32>
          %max3A_478 = arith.constant 0.000000e+00 : f32
          %max3A_479 = vector.broadcast %max3A_478 : f32 to vector<16xf32>
          %max3A_480 = arith.maximumf %add3A_477, %max3A_479 : vector<16xf32>
          %mul3A_481 = arith.mulf %max3A_480, %get3A_474 : vector<16xf32>
          %add3A_482 = arith.addf %add3A_430, %mul3A_481 : vector<16xf32>
          %add3A_483 = arith.addf %bitcast3A_452, %bitcast3A_462 : vector<16xf32>
          %max3A_484 = arith.constant 0.000000e+00 : f32
          %max3A_485 = vector.broadcast %max3A_484 : f32 to vector<16xf32>
          %max3A_486 = arith.maximumf %add3A_483, %max3A_485 : vector<16xf32>
          %mul3A_487 = arith.mulf %max3A_486, %get3A_476 : vector<16xf32>
          %add3A_488 = arith.addf %add3A_482, %mul3A_487 : vector<16xf32>
          %add3A_489 = arith.addf %bitcast3A_451, %bitcast3A_471 : vector<16xf32>
          %max3A_490 = arith.constant 0.000000e+00 : f32
          %max3A_491 = vector.broadcast %max3A_490 : f32 to vector<16xf32>
          %max3A_492 = arith.maximumf %add3A_489, %max3A_491 : vector<16xf32>
          %mul3A_493 = arith.mulf %max3A_492, %get3A_474 : vector<16xf32>
          %add3A_494 = arith.addf %add3A_442, %mul3A_493 : vector<16xf32>
          %add3A_495 = arith.addf %bitcast3A_452, %bitcast3A_472 : vector<16xf32>
          %max3A_496 = arith.constant 0.000000e+00 : f32
          %max3A_497 = vector.broadcast %max3A_496 : f32 to vector<16xf32>
          %max3A_498 = arith.maximumf %add3A_495, %max3A_497 : vector<16xf32>
          %mul3A_499 = arith.mulf %max3A_498, %get3A_476 : vector<16xf32>
          %add3A_500 = arith.addf %add3A_494, %mul3A_499 : vector<16xf32>
          %get3A_501 = arith.constant 1 : i32
          %get3A_502 = arith.index_cast %get3A_501 : i32 to index
          %get3A_503 = arith.index_cast %add3A_213 : i32 to index
          %get3A_504 = arith.constant 80 : index
          %get3A_505 = tpu.vector_load %arg13[%get3A_502, %get3A_503, %get3A_504] {strides = array<i32>} : memref<2x128x128xi32, #tpu.memory_space<vmem>>, vector<16xi32>,
          %shift_left3A_506 = arith.constant 16 : i32
          %shift_left3A_507 = vector.broadcast %shift_left3A_506 : i32 to vector<16xi32>
          %shift_left3A_508 = arith.shli %get3A_505, %shift_left3A_507 : vector<16xi32>
          %bitcast3A_509 = vector.bitcast %shift_left3A_508 : vector<16xi32> to vector<16xf32>
          %bitcast3A_510 = vector.bitcast %get3A_505 : vector<16xi32> to vector<16xf32>
          %get3A_511 = arith.constant 1 : i32
          %get3A_512 = arith.index_cast %get3A_511 : i32 to index
          %get3A_513 = arith.index_cast %add3A_213 : i32 to index
          %get3A_514 = arith.constant 80 : index
          %get3A_515 = tpu.vector_load %arg14[%get3A_512, %get3A_513, %get3A_514] {strides = array<i32>} : memref<2x128x128xi32, #tpu.memory_space<vmem>>, vector<16xi32>,
          %shift_left3A_516 = arith.constant 16 : i32
          %shift_left3A_517 = vector.broadcast %shift_left3A_516 : i32 to vector<16xi32>
          %shift_left3A_518 = arith.shli %get3A_515, %shift_left3A_517 : vector<16xi32>
          %bitcast3A_519 = vector.bitcast %shift_left3A_518 : vector<16xi32> to vector<16xf32>
          %bitcast3A_520 = vector.bitcast %get3A_515 : vector<16xi32> to vector<16xf32>
          %get3A_521 = arith.constant 1 : i32
          %get3A_522 = arith.index_cast %get3A_521 : i32 to index
          %get3A_523 = arith.index_cast %add3A_213 : i32 to index
          %get3A_524 = arith.constant 80 : index
          %get3A_525 = tpu.vector_load %arg15[%get3A_522, %get3A_523, %get3A_524] {strides = array<i32>} : memref<2x128x128xi32, #tpu.memory_space<vmem>>, vector<16xi32>,
          %shift_left3A_526 = arith.constant 16 : i32
          %shift_left3A_527 = vector.broadcast %shift_left3A_526 : i32 to vector<16xi32>
          %shift_left3A_528 = arith.shli %get3A_525, %shift_left3A_527 : vector<16xi32>
          %bitcast3A_529 = vector.bitcast %shift_left3A_528 : vector<16xi32> to vector<16xf32>
          %bitcast3A_530 = vector.bitcast %get3A_525 : vector<16xi32> to vector<16xf32>
          %get3A_531 = arith.constant 160 : index
          %get3A_532 = tpu.vector_load %arg18[%get3A_531] {strides = array<i32>} : memref<272xf32, #tpu.memory_space<vmem>>, vector<16xf32>,
          %get3A_533 = arith.constant 176 : index
          %get3A_534 = tpu.vector_load %arg18[%get3A_533] {strides = array<i32>} : memref<272xf32, #tpu.memory_space<vmem>>, vector<16xf32>,
          %add3A_535 = arith.addf %bitcast3A_509, %bitcast3A_519 : vector<16xf32>
          %max3A_536 = arith.constant 0.000000e+00 : f32
          %max3A_537 = vector.broadcast %max3A_536 : f32 to vector<16xf32>
          %max3A_538 = arith.maximumf %add3A_535, %max3A_537 : vector<16xf32>
          %mul3A_539 = arith.mulf %max3A_538, %get3A_532 : vector<16xf32>
          %add3A_540 = arith.addf %add3A_488, %mul3A_539 : vector<16xf32>
          %add3A_541 = arith.addf %bitcast3A_510, %bitcast3A_520 : vector<16xf32>
          %max3A_542 = arith.constant 0.000000e+00 : f32
          %max3A_543 = vector.broadcast %max3A_542 : f32 to vector<16xf32>
          %max3A_544 = arith.maximumf %add3A_541, %max3A_543 : vector<16xf32>
          %mul3A_545 = arith.mulf %max3A_544, %get3A_534 : vector<16xf32>
          %add3A_546 = arith.addf %add3A_540, %mul3A_545 : vector<16xf32>
          %add3A_547 = arith.addf %bitcast3A_509, %bitcast3A_529 : vector<16xf32>
          %max3A_548 = arith.constant 0.000000e+00 : f32
          %max3A_549 = vector.broadcast %max3A_548 : f32 to vector<16xf32>
          %max3A_550 = arith.maximumf %add3A_547, %max3A_549 : vector<16xf32>
          %mul3A_551 = arith.mulf %max3A_550, %get3A_532 : vector<16xf32>
          %add3A_552 = arith.addf %add3A_500, %mul3A_551 : vector<16xf32>
          %add3A_553 = arith.addf %bitcast3A_510, %bitcast3A_530 : vector<16xf32>
          %max3A_554 = arith.constant 0.000000e+00 : f32
          %max3A_555 = vector.broadcast %max3A_554 : f32 to vector<16xf32>
          %max3A_556 = arith.maximumf %add3A_553, %max3A_555 : vector<16xf32>
          %mul3A_557 = arith.mulf %max3A_556, %get3A_534 : vector<16xf32>
          %add3A_558 = arith.addf %add3A_552, %mul3A_557 : vector<16xf32>
          %get3A_559 = arith.constant 1 : i32
          %get3A_560 = arith.index_cast %get3A_559 : i32 to index
          %get3A_561 = arith.index_cast %add3A_213 : i32 to index
          %get3A_562 = arith.constant 96 : index
          %get3A_563 = tpu.vector_load %arg13[%get3A_560, %get3A_561, %get3A_562] {strides = array<i32>} : memref<2x128x128xi32, #tpu.memory_space<vmem>>, vector<16xi32>,
          %shift_left3A_564 = arith.constant 16 : i32
          %shift_left3A_565 = vector.broadcast %shift_left3A_564 : i32 to vector<16xi32>
          %shift_left3A_566 = arith.shli %get3A_563, %shift_left3A_565 : vector<16xi32>
          %bitcast3A_567 = vector.bitcast %shift_left3A_566 : vector<16xi32> to vector<16xf32>
          %bitcast3A_568 = vector.bitcast %get3A_563 : vector<16xi32> to vector<16xf32>
          %get3A_569 = arith.constant 1 : i32
          %get3A_570 = arith.index_cast %get3A_569 : i32 to index
          %get3A_571 = arith.index_cast %add3A_213 : i32 to index
          %get3A_572 = arith.constant 96 : index
          %get3A_573 = tpu.vector_load %arg14[%get3A_570, %get3A_571, %get3A_572] {strides = array<i32>} : memref<2x128x128xi32, #tpu.memory_space<vmem>>, vector<16xi32>,
          %shift_left3A_574 = arith.constant 16 : i32
          %shift_left3A_575 = vector.broadcast %shift_left3A_574 : i32 to vector<16xi32>
          %shift_left3A_576 = arith.shli %get3A_573, %shift_left3A_575 : vector<16xi32>
          %bitcast3A_577 = vector.bitcast %shift_left3A_576 : vector<16xi32> to vector<16xf32>
          %bitcast3A_578 = vector.bitcast %get3A_573 : vector<16xi32> to vector<16xf32>
          %get3A_579 = arith.constant 1 : i32
          %get3A_580 = arith.index_cast %get3A_579 : i32 to index
          %get3A_581 = arith.index_cast %add3A_213 : i32 to index
          %get3A_582 = arith.constant 96 : index
          %get3A_583 = tpu.vector_load %arg15[%get3A_580, %get3A_581, %get3A_582] {strides = array<i32>} : memref<2x128x128xi32, #tpu.memory_space<vmem>>, vector<16xi32>,
          %shift_left3A_584 = arith.constant 16 : i32
          %shift_left3A_585 = vector.broadcast %shift_left3A_584 : i32 to vector<16xi32>
          %shift_left3A_586 = arith.shli %get3A_583, %shift_left3A_585 : vector<16xi32>
          %bitcast3A_587 = vector.bitcast %shift_left3A_586 : vector<16xi32> to vector<16xf32>
          %bitcast3A_588 = vector.bitcast %get3A_583 : vector<16xi32> to vector<16xf32>
          %get3A_589 = arith.constant 192 : index
          %get3A_590 = tpu.vector_load %arg18[%get3A_589] {strides = array<i32>} : memref<272xf32, #tpu.memory_space<vmem>>, vector<16xf32>,
          %get3A_591 = arith.constant 208 : index
          %get3A_592 = tpu.vector_load %arg18[%get3A_591] {strides = array<i32>} : memref<272xf32, #tpu.memory_space<vmem>>, vector<16xf32>,
          %add3A_593 = arith.addf %bitcast3A_567, %bitcast3A_577 : vector<16xf32>
          %max3A_594 = arith.constant 0.000000e+00 : f32
          %max3A_595 = vector.broadcast %max3A_594 : f32 to vector<16xf32>
          %max3A_596 = arith.maximumf %add3A_593, %max3A_595 : vector<16xf32>
          %mul3A_597 = arith.mulf %max3A_596, %get3A_590 : vector<16xf32>
          %add3A_598 = arith.addf %add3A_546, %mul3A_597 : vector<16xf32>
          %add3A_599 = arith.addf %bitcast3A_568, %bitcast3A_578 : vector<16xf32>
          %max3A_600 = arith.constant 0.000000e+00 : f32
          %max3A_601 = vector.broadcast %max3A_600 : f32 to vector<16xf32>
          %max3A_602 = arith.maximumf %add3A_599, %max3A_601 : vector<16xf32>
          %mul3A_603 = arith.mulf %max3A_602, %get3A_592 : vector<16xf32>
          %add3A_604 = arith.addf %add3A_598, %mul3A_603 : vector<16xf32>
          %add3A_605 = arith.addf %bitcast3A_567, %bitcast3A_587 : vector<16xf32>
          %max3A_606 = arith.constant 0.000000e+00 : f32
          %max3A_607 = vector.broadcast %max3A_606 : f32 to vector<16xf32>
          %max3A_608 = arith.maximumf %add3A_605, %max3A_607 : vector<16xf32>
          %mul3A_609 = arith.mulf %max3A_608, %get3A_590 : vector<16xf32>
          %add3A_610 = arith.addf %add3A_558, %mul3A_609 : vector<16xf32>
          %add3A_611 = arith.addf %bitcast3A_568, %bitcast3A_588 : vector<16xf32>
          %max3A_612 = arith.constant 0.000000e+00 : f32
          %max3A_613 = vector.broadcast %max3A_612 : f32 to vector<16xf32>
          %max3A_614 = arith.maximumf %add3A_611, %max3A_613 : vector<16xf32>
          %mul3A_615 = arith.mulf %max3A_614, %get3A_592 : vector<16xf32>
          %add3A_616 = arith.addf %add3A_610, %mul3A_615 : vector<16xf32>
          %get3A_617 = arith.constant 1 : i32
          %get3A_618 = arith.index_cast %get3A_617 : i32 to index
          %get3A_619 = arith.index_cast %add3A_213 : i32 to index
          %get3A_620 = arith.constant 112 : index
          %get3A_621 = tpu.vector_load %arg13[%get3A_618, %get3A_619, %get3A_620] {strides = array<i32>} : memref<2x128x128xi32, #tpu.memory_space<vmem>>, vector<16xi32>,
          %shift_left3A_622 = arith.constant 16 : i32
          %shift_left3A_623 = vector.broadcast %shift_left3A_622 : i32 to vector<16xi32>
          %shift_left3A_624 = arith.shli %get3A_621, %shift_left3A_623 : vector<16xi32>
          %bitcast3A_625 = vector.bitcast %shift_left3A_624 : vector<16xi32> to vector<16xf32>
          %bitcast3A_626 = vector.bitcast %get3A_621 : vector<16xi32> to vector<16xf32>
          %get3A_627 = arith.constant 1 : i32
          %get3A_628 = arith.index_cast %get3A_627 : i32 to index
          %get3A_629 = arith.index_cast %add3A_213 : i32 to index
          %get3A_630 = arith.constant 112 : index
          %get3A_631 = tpu.vector_load %arg14[%get3A_628, %get3A_629, %get3A_630] {strides = array<i32>} : memref<2x128x128xi32, #tpu.memory_space<vmem>>, vector<16xi32>,
          %shift_left3A_632 = arith.constant 16 : i32
          %shift_left3A_633 = vector.broadcast %shift_left3A_632 : i32 to vector<16xi32>
          %shift_left3A_634 = arith.shli %get3A_631, %shift_left3A_633 : vector<16xi32>
          %bitcast3A_635 = vector.bitcast %shift_left3A_634 : vector<16xi32> to vector<16xf32>
          %bitcast3A_636 = vector.bitcast %get3A_631 : vector<16xi32> to vector<16xf32>
          %get3A_637 = arith.constant 1 : i32
          %get3A_638 = arith.index_cast %get3A_637 : i32 to index
          %get3A_639 = arith.index_cast %add3A_213 : i32 to index
          %get3A_640 = arith.constant 112 : index
          %get3A_641 = tpu.vector_load %arg15[%get3A_638, %get3A_639, %get3A_640] {strides = array<i32>} : memref<2x128x128xi32, #tpu.memory_space<vmem>>, vector<16xi32>,
          %shift_left3A_642 = arith.constant 16 : i32
          %shift_left3A_643 = vector.broadcast %shift_left3A_642 : i32 to vector<16xi32>
          %shift_left3A_644 = arith.shli %get3A_641, %shift_left3A_643 : vector<16xi32>
          %bitcast3A_645 = vector.bitcast %shift_left3A_644 : vector<16xi32> to vector<16xf32>
          %bitcast3A_646 = vector.bitcast %get3A_641 : vector<16xi32> to vector<16xf32>
          %get3A_647 = arith.constant 224 : index
          %get3A_648 = tpu.vector_load %arg18[%get3A_647] {strides = array<i32>} : memref<272xf32, #tpu.memory_space<vmem>>, vector<16xf32>,
          %get3A_649 = arith.constant 240 : index
          %get3A_650 = tpu.vector_load %arg18[%get3A_649] {strides = array<i32>} : memref<272xf32, #tpu.memory_space<vmem>>, vector<16xf32>,
          %add3A_651 = arith.addf %bitcast3A_625, %bitcast3A_635 : vector<16xf32>
          %max3A_652 = arith.constant 0.000000e+00 : f32
          %max3A_653 = vector.broadcast %max3A_652 : f32 to vector<16xf32>
          %max3A_654 = arith.maximumf %add3A_651, %max3A_653 : vector<16xf32>
          %mul3A_655 = arith.mulf %max3A_654, %get3A_648 : vector<16xf32>
          %add3A_656 = arith.addf %add3A_604, %mul3A_655 : vector<16xf32>
          %add3A_657 = arith.addf %bitcast3A_626, %bitcast3A_636 : vector<16xf32>
          %max3A_658 = arith.constant 0.000000e+00 : f32
          %max3A_659 = vector.broadcast %max3A_658 : f32 to vector<16xf32>
          %max3A_660 = arith.maximumf %add3A_657, %max3A_659 : vector<16xf32>
          %mul3A_661 = arith.mulf %max3A_660, %get3A_650 : vector<16xf32>
          %add3A_662 = arith.addf %add3A_656, %mul3A_661 : vector<16xf32>
          %add3A_663 = arith.addf %bitcast3A_625, %bitcast3A_645 : vector<16xf32>
          %max3A_664 = arith.constant 0.000000e+00 : f32
          %max3A_665 = vector.broadcast %max3A_664 : f32 to vector<16xf32>
          %max3A_666 = arith.maximumf %add3A_663, %max3A_665 : vector<16xf32>
          %mul3A_667 = arith.mulf %max3A_666, %get3A_648 : vector<16xf32>
          %add3A_668 = arith.addf %add3A_616, %mul3A_667 : vector<16xf32>
          %add3A_669 = arith.addf %bitcast3A_626, %bitcast3A_646 : vector<16xf32>
          %max3A_670 = arith.constant 0.000000e+00 : f32
          %max3A_671 = vector.broadcast %max3A_670 : f32 to vector<16xf32>
          %max3A_672 = arith.maximumf %add3A_669, %max3A_671 : vector<16xf32>
          %mul3A_673 = arith.mulf %max3A_672, %get3A_650 : vector<16xf32>
          %add3A_674 = arith.addf %add3A_668, %mul3A_673 : vector<16xf32>
          %reduce_sum3A = arith.constant true
          %reduce_sum3A_675 = vector.broadcast %reduce_sum3A : i1 to vector<16xi1>
          %reduce_sum3A_676 = tpu.scan <sum>, %add3A_662 masked %reduce_sum3A_675 : vector<16xf32>, vector<16xi1> -> vector<16xf32>
          %reduce_sum3A_677 = vector.extract %reduce_sum3A_676[15] : f32 from vector<16xf32>
          %reduce_sum3A_678 = arith.constant true
          %reduce_sum3A_679 = vector.broadcast %reduce_sum3A_678 : i1 to vector<16xi1>
          %reduce_sum3A_680 = tpu.scan <sum>, %add3A_674 masked %reduce_sum3A_679 : vector<16xf32>, vector<16xi1> -> vector<16xf32>
          %reduce_sum3A_681 = vector.extract %reduce_sum3A_680[15] : f32 from vector<16xf32>
          %eq3A_682 = vector.broadcast %scan3A_208 : i32 to vector<16xi32>
          %eq3A_683 = arith.cmpi eq, %iota3A, %eq3A_682 : vector<16xi32>
          %broadcast_in_dim3A_684 = vector.broadcast %reduce_sum3A_677 : f32 to vector<16xf32>
          %select_n3A_685 = arith.select %eq3A_683, %broadcast_in_dim3A_684, %scan3A_209 : vector<16xi1>, vector<16xf32>
          %broadcast_in_dim3A_686 = vector.broadcast %reduce_sum3A_681 : f32 to vector<16xf32>
          %select_n3A_687 = arith.select %eq3A_683, %broadcast_in_dim3A_686, %scan3A_210 : vector<16xi1>, vector<16xf32>
          scf.yield %select_n3A_685, %select_n3A_687 : vector<16xf32>, vector<16xf32>
        }
        %scan3A_200 = arith.constant 16 : i32
        %mul3A_201 = arith.constant 16 : i32
        %mul3A_202 = arith.muli %scan3A_191, %mul3A_201 : i32
        %swap3A = arith.index_cast %mul3A_202 : i32 to index
        %swap3A_203 = tpu.vector_load %arg16[%swap3A] {strides = array<i32>} : memref<128xf32, #tpu.memory_space<vmem>>, vector<16xf32>,
        tpu.vector_store %arg16[%swap3A], %scan3A_199#0 {strides = array<i32>} : memref<128xf32, #tpu.memory_space<vmem>>, vector<16xf32>,
        %mul3A_204 = arith.constant 16 : i32
        %mul3A_205 = arith.muli %scan3A_191, %mul3A_204 : i32
        %swap3A_206 = arith.index_cast %mul3A_205 : i32 to index
        %swap3A_207 = tpu.vector_load %arg17[%swap3A_206] {strides = array<i32>} : memref<128xf32, #tpu.memory_space<vmem>>, vector<16xf32>,
        tpu.vector_store %arg17[%swap3A_206], %scan3A_199#1 {strides = array<i32>} : memref<128xf32, #tpu.memory_space<vmem>>, vector<16xf32>,
      }
      %scan3A_187 = arith.constant 8 : i32
      %mul3A_188 = arith.constant 128 : i32
      %mul3A_189 = arith.muli %add3A_181, %mul3A_188 : i32
      %add3A_190 = arith.addi %mul3A_6, %mul3A_189 : i32
      "tpu.region"() ({
        %run_scoped3A = tpu.sem_alloc : memref<!tpu.dma_semaphore, #tpu.memory_space<semaphore_mem>>
        %dma_start3A_191 = tpu.memref_slice %arg8[%add3A_190] : memref<163840xf32, #tpu.memory_space<hbm>> -> memref<128xf32, #tpu.memory_space<hbm>>
        %dma_start3A_192 = tpu.memref_slice %arg8[%add3A_190] : memref<163840xf32, #tpu.memory_space<hbm>> -> memref<128xf32, #tpu.memory_space<hbm>>
        tpu.enqueue_dma source(%arg16 : memref<128xf32, #tpu.memory_space<vmem>>) target(%dma_start3A_192 : memref<128xf32, #tpu.memory_space<hbm>>) target_semaphore(%run_scoped3A : memref<!tpu.dma_semaphore, #tpu.memory_space<semaphore_mem>>)
        %dma_wait3A_193 = tpu.memref_slice %arg8[%add3A_190] : memref<163840xf32, #tpu.memory_space<hbm>> -> memref<128xf32, #tpu.memory_space<hbm>>
        %dma_wait3A_194 = tpu.memref_slice %arg8[%add3A_190] : memref<163840xf32, #tpu.memory_space<hbm>> -> memref<128xf32, #tpu.memory_space<hbm>>
        tpu.wait_dma2 semaphore(%run_scoped3A : memref<!tpu.dma_semaphore, #tpu.memory_space<semaphore_mem>>) src(%arg16 : memref<128xf32, #tpu.memory_space<vmem>>) dst(%dma_wait3A_194 : memref<128xf32, #tpu.memory_space<hbm>>)
        tpu.yield
      }) : () -> ()
      "tpu.region"() ({
        %run_scoped3A = tpu.sem_alloc : memref<!tpu.dma_semaphore, #tpu.memory_space<semaphore_mem>>
        %dma_start3A_191 = tpu.memref_slice %arg9[%add3A_190] : memref<163840xf32, #tpu.memory_space<hbm>> -> memref<128xf32, #tpu.memory_space<hbm>>
        %dma_start3A_192 = tpu.memref_slice %arg9[%add3A_190] : memref<163840xf32, #tpu.memory_space<hbm>> -> memref<128xf32, #tpu.memory_space<hbm>>
        tpu.enqueue_dma source(%arg17 : memref<128xf32, #tpu.memory_space<vmem>>) target(%dma_start3A_192 : memref<128xf32, #tpu.memory_space<hbm>>) target_semaphore(%run_scoped3A : memref<!tpu.dma_semaphore, #tpu.memory_space<semaphore_mem>>)
        %dma_wait3A_193 = tpu.memref_slice %arg9[%add3A_190] : memref<163840xf32, #tpu.memory_space<hbm>> -> memref<128xf32, #tpu.memory_space<hbm>>
        %dma_wait3A_194 = tpu.memref_slice %arg9[%add3A_190] : memref<163840xf32, #tpu.memory_space<hbm>> -> memref<128xf32, #tpu.memory_space<hbm>>
        tpu.wait_dma2 semaphore(%run_scoped3A : memref<!tpu.dma_semaphore, #tpu.memory_space<semaphore_mem>>) src(%arg17 : memref<128xf32, #tpu.memory_space<vmem>>) dst(%dma_wait3A_194 : memref<128xf32, #tpu.memory_space<hbm>>)
        tpu.yield
      }) : () -> ()
    }
    return
  }
}

module attributes {stable_mosaic.version = 14 : i64} {
  func.func @_tc_body(%arg0: i32, %arg1: memref<1000x256xf32, #tpu.memory_space<vmem>>, %arg2: memref<256x256xf32, #tpu.memory_space<vmem>>, %arg3: memref<256x256xf32, #tpu.memory_space<vmem>>, %arg4: memref<1x256xf32, #tpu.memory_space<vmem>>, %arg5: memref<1000x128xi32, #tpu.memory_space<vmem>>, %arg6: memref<1000x128xi32, #tpu.memory_space<vmem>>) attributes {dimension_semantics = [#tpu.dimension_semantics<arbitrary>], iteration_bounds = array<i64: 10>, scalar_prefetch = 0 : i64, scratch_operands = 0 : i64, tpu.core_type = #tpu.core_type<tc>, window_params = [{transform_indices = @transform_0, window_bounds = array<i64: 1000, 256>}, {pipeline_mode = #tpu.pipeline_mode<synchronous>, transform_indices = @transform_1, window_bounds = array<i64: 256, 256>}, {pipeline_mode = #tpu.pipeline_mode<synchronous>, transform_indices = @transform_2, window_bounds = array<i64: 256, 256>}, {pipeline_mode = #tpu.pipeline_mode<synchronous>, transform_indices = @transform_3, window_bounds = array<i64: 1, 256>}, {transform_indices = @transform_4, window_bounds = array<i64: 1000, 128>}, {transform_indices = @transform_5, window_bounds = array<i64: 1000, 128>}]} {
    %get3A = arith.constant 0 : index
    %get3A_0 = arith.constant 0 : index
    %get3A_1 = vector.load %arg1[%get3A, %get3A_0] : memref<1000x256xf32, #tpu.memory_space<vmem>>, vector<1000x256xf32>
    %get3A_2 = arith.constant 0 : index
    %get3A_3 = arith.constant 0 : index
    %get3A_4 = vector.load %arg2[%get3A_2, %get3A_3] : memref<256x256xf32, #tpu.memory_space<vmem>>, vector<256x256xf32>
    %dot_general3A = arith.constant dense<0.000000e+00> : vector<1000x256xf32>
    %dot_general3A_5 = tpu.matmul %get3A_1, %get3A_4, %dot_general3A {dimension_numbers = #tpu.dot_dimension_numbers<[1], [0], [0], [1], [0, 0, 1, 1], [], []>, transpose_lhs_hint = false} : vector<1000x256xf32>, vector<256x256xf32>, vector<1000x256xf32> -> vector<1000x256xf32>
    %get3A_6 = arith.constant 0 : index
    %get3A_7 = arith.constant 0 : index
    %get3A_8 = vector.load %arg4[%get3A_6, %get3A_7] : memref<1x256xf32, #tpu.memory_space<vmem>>, vector<1x256xf32>
    %add3A = vector.broadcast %get3A_8 : vector<1x256xf32> to vector<1000x256xf32>
    %add3A_9 = arith.addf %dot_general3A_5, %add3A : vector<1000x256xf32>
    %get3A_10 = arith.constant 0 : index
    %get3A_11 = arith.constant 0 : index
    %get3A_12 = vector.load %arg3[%get3A_10, %get3A_11] : memref<256x256xf32, #tpu.memory_space<vmem>>, vector<256x256xf32>
    %dot_general3A_13 = arith.constant dense<0.000000e+00> : vector<1000x256xf32>
    %dot_general3A_14 = tpu.matmul %get3A_1, %get3A_12, %dot_general3A_13 {dimension_numbers = #tpu.dot_dimension_numbers<[1], [0], [0], [1], [0, 0, 1, 1], [], []>, transpose_lhs_hint = false} : vector<1000x256xf32>, vector<256x256xf32>, vector<1000x256xf32> -> vector<1000x256xf32>
    %bitcast_convert_type3A = tpu.bitcast %add3A_9 : vector<1000x256xf32> -> vector<1000x256xi32>
    %add3A_15 = arith.constant 32767 : i32
    %add3A_16 = vector.broadcast %add3A_15 : i32 to vector<1000x256xi32>
    %add3A_17 = arith.addi %bitcast_convert_type3A, %add3A_16 : vector<1000x256xi32>
    %shift_right_logical3A = arith.constant 16 : i32
    %shift_right_logical3A_18 = vector.broadcast %shift_right_logical3A : i32 to vector<1000x256xi32>
    %shift_right_logical3A_19 = arith.shrui %bitcast_convert_type3A, %shift_right_logical3A_18 : vector<1000x256xi32>
    %and3A = arith.constant 1 : i32
    %and3A_20 = vector.broadcast %and3A : i32 to vector<1000x256xi32>
    %and3A_21 = arith.andi %shift_right_logical3A_19, %and3A_20 : vector<1000x256xi32>
    %add3A_22 = arith.addi %add3A_17, %and3A_21 : vector<1000x256xi32>
    %slice3A = vector.extract_strided_slice %add3A_22 {offsets = [0, 0], sizes = [1000, 128], strides = [1, 1]} : vector<1000x256xi32> to vector<1000x128xi32>
    %shift_right_logical3A_23 = arith.constant 16 : i32
    %shift_right_logical3A_24 = vector.broadcast %shift_right_logical3A_23 : i32 to vector<1000x128xi32>
    %shift_right_logical3A_25 = arith.shrui %slice3A, %shift_right_logical3A_24 : vector<1000x128xi32>
    %slice3A_26 = vector.extract_strided_slice %add3A_22 {offsets = [0, 128], sizes = [1000, 128], strides = [1, 1]} : vector<1000x256xi32> to vector<1000x128xi32>
    %and3A_27 = arith.constant -65536 : i32
    %and3A_28 = vector.broadcast %and3A_27 : i32 to vector<1000x128xi32>
    %and3A_29 = arith.andi %slice3A_26, %and3A_28 : vector<1000x128xi32>
    %or3A = arith.ori %and3A_29, %shift_right_logical3A_25 : vector<1000x128xi32>
    %swap3A = arith.constant 0 : index
    %swap3A_30 = arith.constant 0 : index
    %swap3A_31 = vector.load %arg5[%swap3A, %swap3A_30] : memref<1000x128xi32, #tpu.memory_space<vmem>>, vector<1000x128xi32>
    tpu.vector_store %arg5[%swap3A, %swap3A_30], %or3A {strides = array<i32>} : memref<1000x128xi32, #tpu.memory_space<vmem>>, vector<1000x128xi32>,
    %bitcast_convert_type3A_32 = tpu.bitcast %dot_general3A_14 : vector<1000x256xf32> -> vector<1000x256xi32>
    %add3A_33 = arith.constant 32767 : i32
    %add3A_34 = vector.broadcast %add3A_33 : i32 to vector<1000x256xi32>
    %add3A_35 = arith.addi %bitcast_convert_type3A_32, %add3A_34 : vector<1000x256xi32>
    %shift_right_logical3A_36 = arith.constant 16 : i32
    %shift_right_logical3A_37 = vector.broadcast %shift_right_logical3A_36 : i32 to vector<1000x256xi32>
    %shift_right_logical3A_38 = arith.shrui %bitcast_convert_type3A_32, %shift_right_logical3A_37 : vector<1000x256xi32>
    %and3A_39 = arith.constant 1 : i32
    %and3A_40 = vector.broadcast %and3A_39 : i32 to vector<1000x256xi32>
    %and3A_41 = arith.andi %shift_right_logical3A_38, %and3A_40 : vector<1000x256xi32>
    %add3A_42 = arith.addi %add3A_35, %and3A_41 : vector<1000x256xi32>
    %slice3A_43 = vector.extract_strided_slice %add3A_42 {offsets = [0, 0], sizes = [1000, 128], strides = [1, 1]} : vector<1000x256xi32> to vector<1000x128xi32>
    %shift_right_logical3A_44 = arith.constant 16 : i32
    %shift_right_logical3A_45 = vector.broadcast %shift_right_logical3A_44 : i32 to vector<1000x128xi32>
    %shift_right_logical3A_46 = arith.shrui %slice3A_43, %shift_right_logical3A_45 : vector<1000x128xi32>
    %slice3A_47 = vector.extract_strided_slice %add3A_42 {offsets = [0, 128], sizes = [1000, 128], strides = [1, 1]} : vector<1000x256xi32> to vector<1000x128xi32>
    %and3A_48 = arith.constant -65536 : i32
    %and3A_49 = vector.broadcast %and3A_48 : i32 to vector<1000x128xi32>
    %and3A_50 = arith.andi %slice3A_47, %and3A_49 : vector<1000x128xi32>
    %or3A_51 = arith.ori %and3A_50, %shift_right_logical3A_46 : vector<1000x128xi32>
    %swap3A_52 = arith.constant 0 : index
    %swap3A_53 = arith.constant 0 : index
    %swap3A_54 = vector.load %arg6[%swap3A_52, %swap3A_53] : memref<1000x128xi32, #tpu.memory_space<vmem>>, vector<1000x128xi32>
    tpu.vector_store %arg6[%swap3A_52, %swap3A_53], %or3A_51 {strides = array<i32>} : memref<1000x128xi32, #tpu.memory_space<vmem>>, vector<1000x128xi32>,
    return
  }
  func.func @transform_0(%arg0: i32) -> (i32, i32) {
    %c0_i32 = arith.constant 0 : i32
    %c0_i32_0 = arith.constant 0 : i32
    return %arg0, %c0_i32 : i32, i32
  }
  func.func @transform_1(%arg0: i32) -> (i32, i32) {
    %c0_i32 = arith.constant 0 : i32
    %c0_i32_0 = arith.constant 0 : i32
    %c0_i32_1 = arith.constant 0 : i32
    return %c0_i32, %c0_i32_0 : i32, i32
  }
  func.func @transform_2(%arg0: i32) -> (i32, i32) {
    %c0_i32 = arith.constant 0 : i32
    %c0_i32_0 = arith.constant 0 : i32
    %c0_i32_1 = arith.constant 0 : i32
    return %c0_i32, %c0_i32_0 : i32, i32
  }
  func.func @transform_3(%arg0: i32) -> (i32, i32) {
    %c0_i32 = arith.constant 0 : i32
    %c0_i32_0 = arith.constant 0 : i32
    %c0_i32_1 = arith.constant 0 : i32
    return %c0_i32, %c0_i32_0 : i32, i32
  }
  func.func @transform_4(%arg0: i32) -> (i32, i32) {
    %c0_i32 = arith.constant 0 : i32
    %c0_i32_0 = arith.constant 0 : i32
    return %arg0, %c0_i32 : i32, i32
  }
  func.func @transform_5(%arg0: i32) -> (i32, i32) {
    %c0_i32 = arith.constant 0 : i32
    %c0_i32_0 = arith.constant 0 : i32
    return %arg0, %c0_i32 : i32, i32
  }
}

</mosaic_0001>

<sc_bundles>
// kernel: kernel.4.cloned.1.call-start
scs
__scs_entry_jumppad:
0x0: {  	(pc) =	sbr.rel $0x88, $3  }
0x1: {  	(tag) =	ssettag $0x0;
	lr =	simm.s32 $0x1  }
0x2: {  	[smem:$0x3F97] =	sst lr;
	_ =	strace $0xD0000000  }
0x3: {  	_ = 	snop  }
0x4: {  	_ = 	snop  }
0x5: {  	_ = 	snop  }
0x6: {  	_ = 	snop  }
0x7: {  	_ = 	snop  }
__scs_overlays_trampoline_lowered:
0x8: {  	[smem:$0x3FA6] =	sst s0  }
0x9: {  	[smem:$0x3FA7] =	sst s1  }
0xa: {  	[smem:$0x3FA8] =	sst s2  }
0xb: {  	[smem:$0x3FA9] =	sst s3  }
0xc: {  	[smem:$0x3FAA] =	sst s4  }
0xd: {  	[smem:$0x3FAB] =	sst s5  }
0xe: {  	[smem:$0x3FAC] =	sst s6  }
0xf: {  	[smem:$0x3FAD] =	sst s7  }
0x10: {  	[smem:$0x3FAE] =	sst s8  }
0x11: {  	[smem:$0x3FAF] =	sst s9;
	s0 =	simm.s32 @!p0 $0x0  }
0x12: {  	s1 =	sld [smem:$0x3F95];
	s0 =	simm.s32 @p0 $0x1  }
0x13: {  	[smem:$0x3FB0] =	sst s0;
	s0 =	simm.s32 @!p1 $0x0  }
0x14: {  	s2 =	sld [smem:$0x3F94];
	s0 =	simm.s32 @p1 $0x1  }
0x15: {  	[smem:$0x3FB1] =	sst s0;
	s0 =	simm.s32 @!p2 $0x0  }
0x16: {  	s3 =	sld [smem:$0x3FDB];
	s0 =	simm.s32 @p2 $0x1  }
0x17: {  	s4 =	simm.s32 $0x1BF5;
	[smem:$0x3FB3] =	sst s0  }
0x18: {  	s0 =	sld [smem:$0x3F96];
	_ =	swait.ge [sflag:s4], $0x0  }
0x19: {  	s7 =	sld [smem:$0x3F97]  }
0x1a: {  	s8 =	sadd.s32 $0xFFFFE003, lr  }
0x1b: {  	s9 =	sadd.s32 $0xFFFFFEF7, lr;
	s5 =	simm.s32 $0xFFFFFFFF;
	p2 =	slt.u32 s8, $0xFFFFF086  }
0x1c: {  	p1 =	slt.u32 s9, $0xF7A;
	s5 =	simm.s32 @!p2 $0x0  }
0x1d: {  	s5 =	simm.s32 @p1 $0x1;
	p0 =	seq.s32 s7, s2  }
0x1e: {  	s7 =	smul.u32 @!p0 $0xF7A, s2;
	p2 =	seq.s32 @!p0 s5, $0x0  }
0x1f: {  	s9 =	smul.u32 $0xF7A, s1;
	s8 =	simm.s32 @!p0 $0x1BF5;
	p2 =	por !p2, p0  }
0x20: {  	[sflag:s8] =	ssyncset.s32 @!p0 $0xFFFFF086;
	s6 =	sadd.s32 @!p0 s3, s7;
	s7 =	simm.s32 @!p0 $0x108  }
0x21: {  	s3 =	sadd.s32 s3, s9;
	s6 =	sadd.s32 @!p0 $0x88, s6;
	s7 =	simm.s32 @p2 $0x1082  }
0x22: {  	[simem:s7], [sflag:s8] =	dma.local @!p0 [hbm:s6], $0xF7A  }
0x23: {  	s9 =	sor.u32 $0xD0000000, s2;
	s6 =	simm.s32 $0x108;
	_ =	swait.ge @!p0 [sflag:s8], $0x0  }
0x24: {  	s3 =	sadd.s32 $0x88, s3;
	s6 =	simm.s32 @!p1 $0x1082;
	[sflag:s4] =	ssyncset.s32 $0xFFFFF086  }
0x25: {  	[simem:s6], [sflag:s4] =	dma.local [hbm:s3], $0xF7A  }
0x26: {  	[smem:$0x3F97] =	sst s1;
	(tag) =	ssettag s2;
	_ =	strace s9  }
0x27: {  	s1 =	sld [smem:$0x3FA7]  }
0x28: {  	s2 =	sld [smem:$0x3FA8]  }
0x29: {  	s4 =	sld [smem:$0x3FAA]  }
0x2a: {  	p0 =	seq.s32 s5, $0x0;
	s5 =	sld [smem:$0x3FAB]  }
0x2b: {  	s6 =	sld [smem:$0x3FAC]  }
0x2c: {  	s7 =	sld [smem:$0x3FAD]  }
0x2d: {  	s3 =	simm.s32 $0x108;
	s8 =	sld [smem:$0x3FAE]  }
0x2e: {  	s3 =	simm.s32 @!p0 $0x1082;
	s9 =	sld [smem:$0x3FAF]  }
0x2f: {  	lr =	sadd.s32 s0, s3;
	s0 =	sld [smem:$0x3FA6]  }
0x30: {  	s3 =	sld [smem:$0x3FA9]  }
0x31: {  	[smem:$0x3FB2] =	sst s10  }
0x32: {  	s10 =	sld [smem:$0x3FB0];
	_ =	sdelay $0x3  }
0x33: {  	p0 =	seq.s32 s10, $0x1;
	s10 =	sld [smem:$0x3FB2];
	_ =	sdelay $0x3  }
0x34: {  	[smem:$0x3FB2] =	sst s10  }
0x35: {  	s10 =	sld [smem:$0x3FB1];
	_ =	sdelay $0x3  }
0x36: {  	p1 =	seq.s32 s10, $0x1;
	s10 =	sld [smem:$0x3FB2];
	_ =	sdelay $0x3  }
0x37: {  	[smem:$0x3FB2] =	sst s10  }
0x38: {  	s10 =	sld [smem:$0x3FB3]  }
0x39: {  	_ = 	snop;
	(pc) =	sbr.ind lr, $3  }
0x3a: {  	_ = 	snop  }
0x3b: {  	_ = 	snop  }
0x3c: {  	p2 =	seq.s32 s10, $0x1;
	s10 =	sld [smem:$0x3FB2]  }
0x3d: {  	_ =	shalt  }
0x3e: {  	_ =	shalt  }
0x3f: {  	_ =	shalt  }
0x40: {  	_ =	shalt  }
0x41: {  	_ =	shalt  }
0x42: {  	_ =	shalt  }
0x43: {  	_ =	shalt  }
0x44: {  	_ =	shalt  }
0x45: {  	_ =	shalt  }
0x46: {  	_ =	shalt  }
0x47: {  	_ =	shalt  }
0x48: {  	_ =	shalt  }
0x49: {  	_ =	shalt  }
0x4a: {  	_ =	shalt  }
0x4b: {  	_ =	shalt  }
0x4c: {  	_ =	shalt  }
0x4d: {  	_ =	shalt  }
0x4e: {  	_ =	shalt  }
0x4f: {  	_ =	shalt  }
0x50: {  	_ =	shalt  }
0x51: {  	_ =	shalt  }
0x52: {  	_ =	shalt  }
0x53: {  	_ =	shalt  }
0x54: {  	_ =	shalt  }
0x55: {  	_ =	shalt  }
0x56: {  	_ =	shalt  }
0x57: {  	_ =	shalt  }
0x58: {  	_ =	shalt  }
0x59: {  	_ =	shalt  }
0x5a: {  	_ =	shalt  }
0x5b: {  	_ =	shalt  }
0x5c: {  	_ =	shalt  }
0x5d: {  	_ =	shalt  }
0x5e: {  	_ =	shalt  }
0x5f: {  	_ =	shalt  }
0x60: {  	_ =	shalt  }
0x61: {  	_ =	shalt  }
0x62: {  	_ =	shalt  }
0x63: {  	_ =	shalt  }
0x64: {  	_ =	shalt  }
0x65: {  	_ =	shalt  }
0x66: {  	_ =	shalt  }
0x67: {  	_ =	shalt  }
0x68: {  	_ =	shalt  }
0x69: {  	_ =	shalt  }
0x6a: {  	_ =	shalt  }
0x6b: {  	_ =	shalt  }
0x6c: {  	_ =	shalt  }
0x6d: {  	_ =	shalt  }
0x6e: {  	_ =	shalt  }
0x6f: {  	_ =	shalt  }
0x70: {  	_ =	shalt  }
0x71: {  	_ =	shalt  }
0x72: {  	_ =	shalt  }
0x73: {  	_ =	shalt  }
0x74: {  	_ =	shalt  }
0x75: {  	_ =	shalt  }
0x76: {  	_ =	shalt  }
0x77: {  	_ =	shalt  }
0x78: {  	_ =	shalt  }
0x79: {  	_ =	shalt  }
0x7a: {  	_ =	shalt  }
0x7b: {  	_ =	shalt  }
0x7c: {  	_ =	shalt  }
0x7d: {  	_ =	shalt  }
0x7e: {  	_ =	shalt  }
0x7f: {  	_ =	shalt  }
0x80: {  	_ =	shalt  }
0x81: {  	_ =	shalt  }
0x82: {  	_ =	shalt  }
0x83: {  	_ =	shalt  }
0x84: {  	_ =	shalt  }
0x85: {  	_ =	shalt  }
0x86: {  	_ =	shalt  }
0x87: {  	_ =	shalt  }
.Lfunc_end0:
.L_simem_size_0:
called_computation_lowered:
.L_overlay_start_0:
0x88: {  	s2 =	sld [smem:$0x3FD9]  }
0x89: {  	s3 =	sld [smem:$0x3FFE];
	_ =	sdelay $0x1  }
0x8a: {  	s1 =	srdreg.scid  }
0x8b: {  	s0 =	sand.u32 $0x1, s1  }
0x8c: {  	s14 =	sshll.u32 s0, $0xA;
	s2 =	sadd.s32 s3, s2  }
0x8d: {  	s2 =	sadd.s32 s2, s14  }
0x8e: {  	[smem:$0x3FBE] =	sst s2  }
0x8f: {  	_ = 	snop  }
0x90: {  	s2 =	sld [smem:$0x3FD0];
	_ =	sdelay $0x2  }
0x91: {  	s15 =	simm.s32 $0xA;
	s4 =	simm.s32 $0x10  }
0x92: {  	[smem:s4], [sflag:s15] =	dma.local [hbm:s2], $0x1  }
0x93: {  	_ =	swait.eq [sflag:s15], $0x1  }
0x94: {  	[sflag:s15] =	ssyncset.done $0x0  }
0x95: {  	[sflag:s15] =	ssyncadd.s32 $0xFFFFFFFF  }
0x96: {  	s16 =	sld [smem:$0x11];
	(tm) =	ssettm $0x1  }
0x97: {  	s17 =	sld [smem:$0x3FFB];
	_ =	sdelay $0x3  }
0x98: {  	_ =	strace s17  }
0x99: {  	s3 =	sld [smem:$0x3FFC];
	_ =	sdelay $0x3  }
0x9a: {  	_ =	strace s3  }
0x9b: {  	s3 =	sld [smem:$0x3FFD];
	_ =	sdelay $0x3  }
0x9c: {  	_ =	strace s3  }
0x9d: {  	_ =	strace $0x8FFFFFFF  }
0x9e: {  	s18 =	sld [smem:$0x3FDB];
	_ =	sdelay $0x1  }
0x9f: {  	s19 =	simm.s32 $_scs_section_size  }
0xa0: {  	s5 =	simm.s32 $_size__tile_overlayer_lowered;
	s6 =	simm.s32 $_tile_overlayer_lowered  }
0xa1: {  	s22 =	simm.s32 $0x1BFF;
	s21 =	sshll.u32 s6, $0x1;
	s3 =	sadd.s32 s19, s18  }
0xa2: {  	s7 =	simm.s32 $0x0;
	s20 =	sshll.u32 s5, $0x1;
	s5 =	sadd.s32 s21, s3  }
0xa3: {  	[timem:s7], [sflag:s22] =	dma.local [hbm:s5], s20  }
0xa4: {  	_ =	swait.ge [sflag:s22], s20  }
0xa5: {  	s4 =	ssub.s32 $0x0, s20;
	[sflag:s22] =	ssyncset.done $0x0  }
0xa6: {  	[sflag:s22] =	ssyncadd.s32 s4;
	_ =	sdelay $0x1  }
0xa7: {  	s23 =	simm.s32 $0x1B8B  }
0xa8: {  	_ =	swait.ge [sflag:s23], $0x1  }
0xa9: {  	[sflag:s23] =	ssyncset.done $0x0  }
0xaa: {  	s25 =	simm.s32 $0x1B8E;
	s24 =	sld [smem:$0x3FFE];
	[sflag:s23] =	ssyncadd.s32 $0xFFFFFFFF  }
0xab: {  	s26 =	simm.s32 $execute0_lowered;
	[smem:$0x3FD2] =	sst s25  }
0xac: {  	s5 =	sshll.u32 s26, $0x1;
	_ =	strace $0x80000046;
	[dreg:$0x1] =	wrdreg $0xFFFFFFFF  }
0xad: {  	s28 =	simm.s32 $_size_execute0_lowered;
	s3 =	sadd.s32 s3, s5;
	[dreg:$0x0] =	wrdreg $0x0  }
0xae: {  	s5 =	sshll.u32 s28, $0x1;
	[dreg:$0x2] =	wrdreg s3  }
0xaf: {  	[dreg:$0x3] =	wrdreg s5  }
0xb0: {  	[dreg:$0x4] =	wrdreg $0xC0  }
0xb1: {  	_ =	task [dreg:s7], $0x5FFFF  }
0xb2: {  	[dreg:$0x1] =	wrdreg $0xFFFFFFFF  }
0xb3: {  	[dreg:$0x0] =	wrdreg $0x60  }
0xb4: {  	[dreg:$0x2] =	wrdreg s24  }
0xb5: {  	[dreg:$0x3] =	wrdreg s16  }
0xb6: {  	[dreg:$0x4] =	wrdreg $0x9  }
0xb7: {  	_ =	task.clear_ibuf [dreg:s7], $0x5FFFF;
	_ =	strace $0x90000046  }
0xb8: {  	s29 =	simm.s32 $0x9;
	_ =	strace $0x80000048  }
0xb9: {  	_ =	swait.ge [sflag:s29], $0x1  }
0xba: {  	[sflag:s29] =	ssyncadd.s32 $0xFFFFFFFF  }
0xbb: {  	_ =	strace $0x90000048  }
0xbc: {  	_ =	sfence  }
0xbd: {  	s30 =	sld [smem:$0x0];
	_ =	sdelay $0x2  }
0xbe: {  	s31 =	sshll.u32 s1, $0xD;
	s1 =	sshrl.u32 s1, $0x2  }
0xbf: {  	s3 =	sand.u32 $0x4000, s31;
	s1 =	sadd.s32 s1, s30  }
0xc0: {  	s0 =	sor.u32 s3, s0;
	s1 =	sshll.u32 s1, $0x11  }
0xc1: {  	s0 =	sor.u32 s1, s0  }
0xc2: {  	s0 =	sadd.s32 $0x8F2B, s0  }
0xc3: {  	[sflag:s0] =	ssyncadd.remote.s32 $0x1  }
0xc4: {  	_ =	sfence.sel $0xFFFF  }
0xc5: {  	[dreg:$0x0] =	wrdreg $0xFFFFFFFF;
	(pc) =	sbr.abs _section_cstart, $3  }
0xc6: {  	[dreg:$0x1] =	wrdreg $0xFFFFFFFF  }
0xc7: {  	_ =	task.clear_ibuf [dreg:s7], $0x2FFFF;
	_ =	strace $0x9FFFFFFF  }
0xc8: {  	(tm) =	ssettm $0x7FFFFFFF  }
0xc9: {  	_ =	shalt  }
tec
execute0_lowered:
.L_overlay_start_1:
0x0: {  	(tag) =	ssettag $0x1  }
0x1: {  	s0 =	srdreg.scid  }
0x2: {  	s2 =	stileid.u32;
	s1 =	rddreg [dreg:$0x0]  }
0x3: {  	s3 =	simm.s32 $0x0;
	s8 =	simm.s32 $0x36;
	s18 =	simm.s32 $0x1  }
0x4: {  	s19 =	simm.s32 $0x80;
	s28 =	simm.s32 $0x3;
	s29 =	simm.s32 $0x1D180  }
0x5: {  	s30 =	simm.s32 $0x2;
	s0 =	sand.u32 $0x1, s0;
	s2 =	smul.u32 $0x50, s2  }
0x6: {  	[smem:$0x7FF] =	sst s3;
	s5 =	sadd.s32 $0x37800, s1;
	s7 =	sadd.s32 $0x63A00, s1  }
0x7: {  	s4 =	smul.u32 $0x36, s0;
	s23 =	ssub.s32 $0x2, s0;
	p0 =	seq.s32 s0, $0x0  }
0x8: {  	_ =	strace $0x80000047;
	s9 =	sshrl.u32 s23, $0x1;
	s8 =	simm.s32 @!p0 $0x1A  }
0x9: {  	s2 =	sadd.s32 s4, s2;
	s4 =	sadd.s32 $0x10600, s1;
	s24 =	ssub.s32 s23, s9  }
0xa: {  	s13 =	sshrl.u32 s8, $0x1;
	s23 =	simm.s32 $0x9100;
	s6 =	sshll.u32 s2, $0x4  }
0xb: {  	s9 =	sshll.u32 s2, $0x7;
	s0 =	smax.u32 s24, $0x1;
	s10 =	sadd.s32 s6, s1  }
0xc: {  	s24 =	simm.s32 $0x11100;
	[dreg:$0x6] =	wrdreg s0;
	s25 =	sadd.s32 $0x1000, s10  }
0xd: {  	s6 =	sadd.s32 $0x5EA00, s1;
	s26 =	sadd.s32 $0x6200, s10;
	[dreg:$0x3] =	wrdreg s25  }
0xe: {  	s1 =	simm.s32 $0x0;
	s31 =	sadd.s32 $0xB400, s10;
	[dreg:$0x4] =	wrdreg s26  }
0xf: {  	v0 =	vlaneseq.u32;
	[dreg:$0x5] =	wrdreg s31;
	s25 =	simm.s32 $0x19100;
	s26 =	simm.s32 $0x1D100  }
.LBB2_1:
0x10: {  	[dreg:$0x7] =	wrdreg s1  }
0x11: {  	s0 =	rddreg [dreg:$0x1];
	s14 =	simm.s32 $0x1D200  }
0x12: {  	[tilespmem:s14], [sflag:$0x1] =	stream.linear.gather [hbm4b:s0+s3], $0x180, $0x38;
	[tilespmem:$0x1D380] =	vst v63  }
0x13: {  	s15 =	rddreg [dreg:$0x3]  }
0x14: {  	[tilespmem:s3], [sflag:$0x1] =	stream.linear.gather [hbm4b:s15+s3], $0x1B00, $0x38;
	[tilespmem:$0x1D380] =	vst v63  }
0x15: {  	s16 =	rddreg [dreg:$0x4];
	s17 =	simm.s32 $0x1B00  }
0x16: {  	[tilespmem:s17], [sflag:$0x1] =	stream.linear.gather [hbm4b:s16+s3], $0x1B00, $0x38;
	[tilespmem:$0x1D380] =	vst v63  }
0x17: {  	s20 =	rddreg [dreg:$0x5];
	s2 =	simm.s32 $0x3600  }
0x18: {  	[tilespmem:s2], [sflag:$0x1] =	stream.linear.gather [hbm4b:s20+s3], $0x1B00, $0x38;
	[tilespmem:$0x1D380] =	vst v63  }
0x19: {  	_ =	swait.ge [sflag:s18], $0x180  }
0x1a: {  	[sflag:s18] =	ssyncset.done $0x0  }
0x1b: {  	[sflag:s18] =	ssyncadd.s32 $0xFFFFFE80  }
0x1c: {  	_ =	swait.ge [sflag:s18], $0x1B00  }
0x1d: {  	[sflag:s18] =	ssyncset.done $0x0  }
0x1e: {  	[sflag:s18] =	ssyncadd.s32 $0xFFFFE500  }
0x1f: {  	_ =	swait.ge [sflag:s18], $0x1B00  }
0x20: {  	[sflag:s18] =	ssyncset.done $0x0  }
0x21: {  	[sflag:s18] =	ssyncadd.s32 $0xFFFFE500  }
0x22: {  	_ =	swait.ge [sflag:s18], $0x1B00  }
0x23: {  	[sflag:s18] =	ssyncset.done $0x0  }
0x24: {  	s21 =	simm.s32 $0x5100;
	[sflag:s18] =	ssyncadd.s32 $0xFFFFE500  }
0x25: {  	v1 =	vld [tilespmem:$0x1D300];
	[tilespmem:s21], [sflag:$0x1] =	stream.indirect.gather [hbm4b:s4+s19], $0x80, s3, s19, $0xb8  }
0x26: {  	s22 =	simm.s32 $0xD100  }
0x27: {  	[tilespmem:s22], [sflag:$0x1] =	stream.indirect.gather [hbm4b:s5+s19], $0x80, s17, s19, $0xb8;
	[tilespmem:$0x1D380] =	vst v63  }
0x28: {  	s31 =	simm.s32 $0x15100;
	s1 =	simm.s32 $0x0  }
0x29: {  	[tilespmem:s31], [sflag:$0x1] =	stream.indirect.gather [hbm4b:s5+s19], $0x80, s2, s19, $0xb8;
	[tilespmem:$0x1D380] =	vst v63  }
.LBB2_2:
0x2a: {  	s2 =	sshll.u32 s1, $0x8  }
0x2b: {  	s0 =	sor.u32 $0x80, s2  }
0x2c: {  	[tilespmem:s23], [sflag:$0x2] =	stream.indirect.gather [hbm4b:s4+s19], $0x80, s0, s19, $0xb8;
	[tilespmem:$0x1D380] =	vst v63  }
0x2d: {  	s10 =	sadd.s32 $0x1B80, s2  }
0x2e: {  	[tilespmem:s24], [sflag:$0x2] =	stream.indirect.gather [hbm4b:s5+s19], $0x80, s10, s19, $0xb8;
	[tilespmem:$0x1D380] =	vst v63  }
0x2f: {  	s31 =	sadd.s32 $0x3680, s2  }
0x30: {  	[tilespmem:s25], [sflag:$0x2] =	stream.indirect.gather [hbm4b:s5+s19], $0x80, s31, s19, $0xb8;
	[tilespmem:$0x1D380] =	vst v63  }
0x31: {  	_ =	swait.ge [sflag:s18], $0x4000  }
0x32: {  	[sflag:s18] =	ssyncset.done $0x0  }
0x33: {  	[sflag:s18] =	ssyncadd.s32 $0xFFFFC000  }
0x34: {  	_ =	swait.ge [sflag:s18], $0x4000  }
0x35: {  	[sflag:s18] =	ssyncset.done $0x0  }
0x36: {  	[sflag:s18] =	ssyncadd.s32 $0xFFFFC000  }
0x37: {  	s15 =	simm.s32 $0x0;
	_ =	swait.ge [sflag:s18], $0x4000  }
0x38: {  	s20 =	simm.s32 $0x5140;
	s21 =	simm.s32 $0xD140;
	[sflag:s18] =	ssyncset.done $0x0  }
0x39: {  	s22 =	simm.s32 $0x15140;
	s16 =	simm.s32 $0x0;
	[sflag:s18] =	ssyncadd.s32 $0xFFFFC000  }
.LBB2_3:
0x3a: {  	v19 =	vld [tilespmem:s21+$0x0]  }
0x3b: {  	v18 =	vld [tilespmem:s21+$0xFFFFFFF0]  }
0x3c: {  	v2 =	vld [tilespmem:s21+$0xFFFFFFC0]  }
0x3d: {  	v3 =	vld [tilespmem:s20+$0xFFFFFFC0]  }
0x3e: {  	v4 =	vld [tilespmem:s22+$0xFFFFFFC0]  }
0x3f: {  	v22 =	vld [tilespmem:s21+$0xFFFFFFE0]  }
0x40: {  	v9 =	vld [tilespmem:s21+$0xFFFFFFD0]  }
0x41: {  	v10 =	vld [tilespmem:s20+$0xFFFFFFD0]  }
0x42: {  	v6 =	vld [tilespmem:s22+$0xFFFFFFD0]  }
0x43: {  	v23 =	vld [tilespmem:s20+$0xFFFFFFE0]  }
0x44: {  	v25 =	vld [tilespmem:s20+$0xFFFFFFF0]  }
0x45: {  	v27 =	vld [tilespmem:s22+$0xFFFFFFF0]  }
0x46: {  	v31 =	vld [tilespmem:s22+$0x0]  }
0x47: {  	v35 =	vld [tilespmem:s20+$0x20];
	v52 =	vmov s15  }
0x48: {  	v37 =	vld [tilespmem:s22+$0x20];
	vm0 =	veq.s32 v52, v0;
	v21 =	vshll.u32 v18, $0x10  }
0x49: {  	v63 =	vld [tilespmem:s20+$0x30];
	v20 =	vshll.u32 v19, $0x10;
	v5 =	vadd.f32 v2, v3;
	v7 =	vshll.u32 v3, $0x10  }
0x4a: {  	v45 =	vld [tilespmem:s22+$0x30];
	v2 =	vshll.u32 v2, $0x10;
	v11 =	vshll.u32 v4, $0x10;
	v14 =	vshll.u32 v22, $0x10  }
0x4b: {  	v4 =	vadd.f32 v4, v3;
	v16 =	vshll.u32 v10, $0x10;
	v24 =	vshll.u32 v6, $0x10  }
0x4c: {  	v6 =	vadd.f32 v6, v10;
	v26 =	vshll.u32 v23, $0x10;
	v30 =	vshll.u32 v25, $0x10  }
0x4d: {  	v62 =	vld [tilespmem:s22+$0x10];
	s11 =	sadd.s32 $0x80, s22;
	v32 =	vshll.u32 v27, $0x10;
	v33 =	vadd.f32 v9, v10;
	v34 =	vshll.u32 v31, $0x10  }
0x4e: {  	v53 =	vld [tilespmem:s11+$0xFFFFFFD0];
	v39 =	vshll.u32 v37, $0x10;
	v37 =	vadd.f32 v37, v35;
	v22 =	vadd.f32 v22, v23  }
0x4f: {  	v44 =	vshll.u32 v35, $0x10;
	v48 =	vadd.f32 v45, v63;
	v2 =	vadd.f32 v2, v7  }
0x50: {  	v17 =	vld [tilespmem:$0x1D210];
	v40 =	vshll.u32 v63, $0x10;
	v7 =	vadd.f32 v11, v7;
	v24 =	vadd.f32 v24, v16  }
0x51: {  	v13 =	vld [tilespmem:$0x1D200];
	v41 =	vshll.u32 v45, $0x10;
	v10 =	vadd.f32 v32, v30;
	v39 =	vadd.f32 v39, v44  }
0x52: {  	v8 =	vld [tilespmem:$0x1D220];
	s12 =	sadd.s32 $0x80, s21;
	v38 =	vshll.u32 v62, $0x10;
	v46 =	vadd.f32 v41, v40;
	v21 =	vadd.f32 v21, v30  }
0x53: {  	v59 =	vld [tilespmem:s12+$0xFFFFFFD0];
	v42 =	vshll.u32 v53, $0x10;
	v5 =	vmax.f32 v5, $0.0e+00;
	v4 =	vmax.f32 v4, $0.0e+00  }
0x54: {  	v3 =	vld [tilespmem:$0x1D230];
	v6 =	vmax.f32 v6, $0.0e+00;
	v33 =	vmax.f32 v33, $0.0e+00;
	v22 =	vmax.f32 v22, $0.0e+00  }
0x55: {  	v11 =	vmul.f32 v17, v5;
	v12 =	vmax.f32 v2, $0.0e+00;
	v2 =	vmax.f32 v7, $0.0e+00;
	v7 =	vld [tilespmem:s22+$0xFFFFFFE0]  }
0x56: {  	v5 =	vshll.u32 v9, $0x10;
	v4 =	vmul.f32 v4, v17;
	v15 =	vmul.f32 v2, v13  }
0x57: {  	v32 =	vld [tilespmem:s12+$0xFFFFFFE0];
	v24 =	vmax.f32 v24, $0.0e+00;
	v39 =	vmax.f32 v39, $0.0e+00;
	v47 =	vmax.f32 v46, $0.0e+00  }
0x58: {  	v21 =	vmax.f32 v21, $0.0e+00;
	v46 =	vshll.u32 v59, $0x10;
	v15 =	vadd.f32 v15, v1  }
0x59: {  	v2 =	vld [tilespmem:$0x1D240];
	v12 =	vmul.f32 v12, v13;
	v16 =	vadd.f32 v5, v16;
	v24 =	vmul.f32 v24, v8  }
0x5a: {  	v5 =	vld [tilespmem:$0x1D250];
	v6 =	vmul.f32 v6, v3;
	v15 =	vadd.f32 v15, v4;
	v28 =	vshll.u32 v7, $0x10  }
0x5b: {  	v33 =	vmul.f32 v3, v33;
	v12 =	vadd.f32 v12, v1;
	v28 =	vadd.f32 v28, v26  }
0x5c: {  	v16 =	vmax.f32 v16, $0.0e+00;
	v58 =	vshll.u32 v32, $0x10;
	v4 =	vld [tilespmem:$0x1D260];
	v15 =	vadd.f32 v24, v15  }
0x5d: {  	v16 =	vmul.f32 v16, v8;
	v29 =	vadd.f32 v7, v23;
	v24 =	vld [tilespmem:s20+$0x0];
	v28 =	vmax.f32 v28, $0.0e+00  }
0x5e: {  	v23 =	vmax.f32 v37, $0.0e+00;
	v15 =	vadd.f32 v15, v6;
	v28 =	vmul.f32 v28, v2  }
0x5f: {  	v7 =	vld [tilespmem:$0x1D270];
	v26 =	vadd.f32 v14, v26;
	v22 =	vmul.f32 v5, v22;
	v9 =	vmax.f32 v29, $0.0e+00  }
0x60: {  	v29 =	vadd.f32 v12, v11;
	v9 =	vmul.f32 v9, v5;
	v6 =	vld [tilespmem:$0x1D280];
	v11 =	vadd.f32 v28, v15  }
0x61: {  	v12 =	vmax.f32 v10, $0.0e+00;
	v26 =	vmax.f32 v26, $0.0e+00;
	v28 =	vld [tilespmem:s20+$0x10];
	v15 =	vadd.f32 v27, v25  }
0x62: {  	v12 =	vmul.f32 v12, v4;
	v27 =	vshll.u32 v24, $0x10;
	v11 =	vadd.f32 v11, v9  }
0x63: {  	v10 =	vld [tilespmem:$0x1D290];
	v29 =	vadd.f32 v16, v29;
	v15 =	vmax.f32 v15, $0.0e+00;
	v34 =	vadd.f32 v34, v27  }
0x64: {  	v50 =	vld [tilespmem:s12+$0xFFFFFFC0];
	v26 =	vmul.f32 v26, v2;
	v15 =	vmul.f32 v15, v7;
	v11 =	vadd.f32 v12, v11  }
0x65: {  	v21 =	vmul.f32 v21, v4;
	v31 =	vadd.f32 v31, v24;
	v9 =	vld [tilespmem:$0x1D2A0];
	v34 =	vmax.f32 v34, $0.0e+00  }
0x66: {  	v36 =	vshll.u32 v28, $0x10;
	v34 =	vmul.f32 v34, v6;
	v15 =	vadd.f32 v11, v15  }
0x67: {  	v29 =	vadd.f32 v29, v33;
	v14 =	vmax.f32 v31, $0.0e+00;
	v12 =	vld [tilespmem:$0x1D2B0];
	v31 =	vadd.f32 v38, v36  }
0x68: {  	v25 =	vadd.f32 v18, v25;
	v14 =	vmul.f32 v14, v10;
	v15 =	vadd.f32 v34, v15  }
0x69: {  	v18 =	vimm.f32 $0.0e+00;
	v11 =	vld [tilespmem:$0x1D2C0];
	v16 =	vmax.f32 v31, $0.0e+00;
	v31 =	vadd.f32 v62, v28  }
0x6a: {  	v49 =	vld [tilespmem:s21+$0x30];
	v33 =	vshll.u32 v50, $0x10;
	v16 =	vmul.f32 v16, v9;
	v15 =	vadd.f32 v15, v14  }
0x6b: {  	v19 =	vadd.f32 v19, v24;
	v26 =	vadd.f32 v26, v29;
	v14 =	vld [tilespmem:$0x1D2D0];
	v31 =	vmax.f32 v31, $0.0e+00  }
0x6c: {  	v20 =	vadd.f32 v20, v27;
	v27 =	vld [tilespmem:s21+$0x20];
	v31 =	vmul.f32 v31, v12;
	v16 =	vadd.f32 v16, v15  }
0x6d: {  	v29 =	vmax.f32 v48, $0.0e+00;
	v25 =	vmax.f32 v25, $0.0e+00;
	v22 =	vadd.f32 v26, v22;
	v15 =	vld [tilespmem:$0x1D2E0]  }
0x6e: {  	v30 =	vld [tilespmem:s21+$0x10];
	v19 =	vmax.f32 v19, $0.0e+00;
	v39 =	vmul.f32 v39, v11;
	v31 =	vadd.f32 v16, v31  }
0x6f: {  	v20 =	vmax.f32 v20, $0.0e+00;
	v21 =	vadd.f32 v21, v22;
	v22 =	vmul.f32 v7, v25;
	v16 =	vld [tilespmem:$0x1D2F0]  }
0x70: {  	v48 =	vld [tilespmem:s11+$0x0];
	v20 =	vmul.f32 v20, v6;
	v23 =	vmul.f32 v23, v14;
	v31 =	vadd.f32 v39, v31  }
0x71: {  	s10 =	sadd.s32 $0x80, s20;
	v25 =	vshll.u32 v49, $0x10;
	v21 =	vadd.f32 v21, v22;
	v22 =	vshll.u32 v27, $0x10  }
0x72: {  	v27 =	vadd.f32 v27, v35;
	v35 =	vld [tilespmem:s10+$0xFFFFFFD0];
	v23 =	vadd.f32 v31, v23;
	v31 =	vmul.f32 v47, v15  }
0x73: {  	v19 =	vmul.f32 v10, v19;
	v25 =	vadd.f32 v25, v40;
	v40 =	vld [tilespmem:s10+$0xFFFFFFE0];
	v28 =	vadd.f32 v30, v28  }
0x74: {  	v21 =	vadd.f32 v20, v21;
	v29 =	vmul.f32 v29, v16;
	v23 =	vadd.f32 v31, v23  }
0x75: {  	v52 =	vshll.u32 v48, $0x10;
	v22 =	vadd.f32 v22, v44;
	v28 =	vmax.f32 v28, $0.0e+00  }
0x76: {  	v43 =	vld [tilespmem:s10+$0xFFFFFFF0];
	v28 =	vmul.f32 v12, v28;
	v19 =	vadd.f32 v21, v19;
	v23 =	vadd.f32 v23, v29  }
0x77: {  	v21 =	vmax.f32 v22, $0.0e+00;
	v22 =	vmax.f32 v27, $0.0e+00;
	v37 =	vadd.f32 v53, v35;
	v31 =	vld [tilespmem:s11+$0xFFFFFFC0]  }
0x78: {  	v27 =	vadd.f32 v49, v63;
	v32 =	vadd.f32 v32, v40;
	(xrf2) =	vadd.scan.msk.f32 $0xffff, v23;
	v23 =	vshll.u32 v30, $0x10;
	v30 =	vld [tilespmem:s10+$0xFFFFFFC0]  }
0x79: {  	v49 =	vld [tilespmem:s11+$0x10];
	v60 =	vshll.u32 v35, $0x10;
	v35 =	vadd.f32 v59, v35;
	v37 =	vmax.f32 v37, $0.0e+00  }
0x7a: {  	v42 =	vadd.f32 v42, v60;
	v41 =	vadd.f32 v46, v60;
	v63 =	vmul.f32 v37, v3;
	v37 =	vld [tilespmem:s10+$0x0]  }
0x7b: {  	v44 =	vshll.u32 v40, $0x10;
	v32 =	vmax.f32 v32, $0.0e+00;
	v35 =	vmax.f32 v35, $0.0e+00  }
0x7c: {  	v32 =	vmul.f32 v5, v32;
	v42 =	vmax.f32 v42, $0.0e+00;
	v41 =	vmax.f32 v41, $0.0e+00  }
0x7d: {  	v35 =	vmul.f32 v3, v35;
	v55 =	vshll.u32 v31, $0x10;
	v54 =	vshll.u32 v30, $0x10  }
0x7e: {  	v61 =	vmul.f32 v42, v8;
	v53 =	vshll.u32 v49, $0x10;
	v56 =	vadd.f32 v55, v54  }
0x7f: {  	v20 =	vld [tilespmem:s12+$0x10];
	v47 =	vshll.u32 v43, $0x10;
	v46 =	vshll.u32 v37, $0x10;
	v26 =	vadd.f32 v23, v36  }
0x80: {  	v57 =	vadd.f32 v50, v30;
	v30 =	vadd.f32 v31, v30;
	v31 =	vld [tilespmem:s11+$0xFFFFFFE0];
	v34 =	vmax.f32 v56, $0.0e+00  }
0x81: {  	v48 =	vadd.f32 v48, v37;
	v26 =	vmax.f32 v26, $0.0e+00;
	v34 =	vmul.f32 v34, v13  }
0x82: {  	v29 =	vmul.f32 v21, v11;
	v23 =	vld [tilespmem:s12+$0x30];
	v26 =	vmul.f32 v26, v9;
	v30 =	vmax.f32 v30, $0.0e+00  }
0x83: {  	v21 =	vmax.f32 v25, $0.0e+00;
	v30 =	vmul.f32 v30, v17;
	v34 =	vadd.f32 v34, v1  }
0x84: {  	v45 =	vld [tilespmem:s11+$0xFFFFFFF0];
	v25 =	vmul.f32 v14, v22;
	v22 =	vmax.f32 v27, $0.0e+00;
	v19 =	vadd.f32 v26, v19  }
0x85: {  	v27 =	vshll.u32 v20, $0x10;
	v62 =	vshll.u32 v31, $0x10;
	v30 =	vadd.f32 v34, v30  }
0x86: {  	v21 =	vmul.f32 v21, v15;
	v51 =	vadd.f32 v19, v28;
	v42 =	vadd.f32 v62, v44  }
0x87: {  	v26 =	vshll.u32 v23, $0x10;
	v33 =	vadd.f32 v33, v54;
	v30 =	vadd.f32 v61, v30  }
0x88: {  	v29 =	vadd.f32 v29, v51;
	v31 =	vadd.f32 v31, v40;
	v42 =	vmax.f32 v42, $0.0e+00  }
0x89: {  	v51 =	vshll.u32 v45, $0x10;
	v50 =	vmul.f32 v42, v2;
	v30 =	vadd.f32 v30, v63  }
0x8a: {  	v54 =	vmax.f32 v48, $0.0e+00;
	v31 =	vmax.f32 v31, $0.0e+00;
	v42 =	vadd.f32 v51, v47  }
0x8b: {  	v55 =	vmul.f32 v41, v8;
	v31 =	vmul.f32 v31, v5;
	v30 =	vadd.f32 v50, v30  }
0x8c: {  	v36 =	vmax.f32 v57, $0.0e+00;
	v45 =	vadd.f32 v45, v43;
	v34 =	vld [tilespmem:s10+$0x10];
	v42 =	vmax.f32 v42, $0.0e+00  }
0x8d: {  	v24 =	vld [tilespmem:s12+$0x20];
	v33 =	vmax.f32 v33, $0.0e+00;
	v30 =	vadd.f32 v30, v31;
	v31 =	vmul.f32 v42, v4  }
0x8e: {  	v33 =	vmul.f32 v33, v13;
	v45 =	vmax.f32 v45, $0.0e+00;
	v42 =	vadd.f32 v52, v46  }
0x8f: {  	v28 =	vmul.f32 v16, v22;
	v51 =	vld [tilespmem:s11+$0x20];
	v30 =	vadd.f32 v31, v30;
	v31 =	vmul.f32 v45, v7  }
0x90: {  	v36 =	vmul.f32 v17, v36;
	v33 =	vadd.f32 v33, v1;
	v45 =	vld [tilespmem:s10+$0x20];
	v42 =	vmax.f32 v42, $0.0e+00  }
0x91: {  	v50 =	vshll.u32 v34, $0x10;
	v30 =	vadd.f32 v30, v31;
	v31 =	vmul.f32 v42, v6  }
0x92: {  	v22 =	vshll.u32 v24, $0x10;
	v56 =	vadd.f32 v58, v44;
	v42 =	vadd.f32 v53, v50  }
0x93: {  	v59 =	vld [tilespmem:s11+$0x30];
	v33 =	vadd.f32 v33, v36;
	v30 =	vadd.f32 v31, v30;
	v31 =	vmul.f32 v54, v10  }
0x94: {  	v41 =	vld [tilespmem:s10+$0x30];
	v58 =	vadd.f32 v49, v34;
	v60 =	vshll.u32 v51, $0x10;
	v57 =	vmax.f32 v42, $0.0e+00  }
0x95: {  	v36 =	vshll.u32 v45, $0x10;
	v30 =	vadd.f32 v30, v31;
	v31 =	vmul.f32 v57, v9  }
0x96: {  	v19, _, _ =	vpop (xrf2);
	v38 =	vmax.f32 v56, $0.0e+00;
	v42 =	vmax.f32 v58, $0.0e+00;
	v44 =	vadd.f32 v60, v36  }
0x97: {  	v19 =	vbroadcast v19, $0xF;
	v42 =	vmul.f32 v42, v12;
	v30 =	vadd.f32 v31, v30  }
0x98: {  	v48 =	vld [tilespmem:s12+$0xFFFFFFF0];
	v62 =	vshll.u32 v59, $0x10;
	v51 =	vadd.f32 v51, v45;
	v44 =	vmax.f32 v44, $0.0e+00  }
0x99: {  	v44 =	vmul.f32 v44, v11;
	v30 =	vadd.f32 v30, v42;
	v42 =	vshll.u32 v41, $0x10  }
0x9a: {  	v33 =	vadd.f32 v55, v33;
	v51 =	vmax.f32 v51, $0.0e+00;
	v40 =	vadd.f32 v62, v42  }
0x9b: {  	v38 =	vmul.f32 v38, v2;
	v61 =	vld [tilespmem:s12+$0x0];
	v54 =	vmul.f32 v51, v14;
	v30 =	vadd.f32 v44, v30  }
0x9c: {  	v39 =	vadd.f32 v59, v41;
	v33 =	vadd.f32 v33, v35;
	v40 =	vmax.f32 v40, $0.0e+00  }
0x9d: {  	v31 =	vshll.u32 v48, $0x10;
	v30 =	vadd.f32 v30, v54;
	v40 =	vmul.f32 v40, v15  }
0x9e: {  	v56 =	vadd.f32 v48, v43;
	v55 =	vmax.f32 v39, $0.0e+00;
	v31 =	vadd.f32 v31, v47  }
0x9f: {  	v33 =	vadd.f32 v38, v33;
	v38 =	vmul.f32 v55, v16;
	v30 =	vadd.f32 v40, v30  }
0xa0: {  	v23 =	vadd.f32 v23, v41;
	v63 =	vshll.u32 v61, $0x10;
	v31 =	vmax.f32 v31, $0.0e+00  }
0xa1: {  	v32 =	vadd.f32 v33, v32;
	v31 =	vmul.f32 v31, v4;
	v30 =	vadd.f32 v30, v38  }
0xa2: {  	v25 =	vadd.f32 v29, v25;
	v35 =	vadd.f32 v63, v46;
	v57 =	vmax.f32 v56, $0.0e+00  }
0xa3: {  	v23 =	vmax.f32 v23, $0.0e+00;
	v58 =	vmul.f32 v7, v57;
	v31 =	vadd.f32 v31, v32;
	(xrf2) =	vadd.scan.msk.f32 $0xffff, v30  }
0xa4: {  	s14 =	sadd.s32 $0x80, s12;
	v59 =	vadd.f32 v20, v34;
	v37 =	vadd.f32 v61, v37;
	v35 =	vmax.f32 v35, $0.0e+00  }
0xa5: {  	s12 =	sadd.s32 $0x80, s10;
	v20 =	vld [tilespmem:s14+$0x30];
	v27 =	vadd.f32 v27, v50;
	v29 =	vmul.f32 v35, v6;
	v31 =	vadd.f32 v31, v58  }
0xa6: {  	v34 =	vld [tilespmem:s12+$0xFFFFFFC0];
	v24 =	vadd.f32 v24, v45;
	v60 =	vadd.f32 v21, v25;
	v30 =	vmax.f32 v37, $0.0e+00  }
0xa7: {  	v35 =	vld [tilespmem:s14+$0xFFFFFFC0];
	v61 =	vadd.f32 v22, v36;
	v29 =	vadd.f32 v29, v31;
	v30 =	vmul.f32 v10, v30  }
0xa8: {  	v21 =	vld [tilespmem:s14+$0x20];
	v25 =	vmax.f32 v27, $0.0e+00;
	v27 =	vmax.f32 v59, $0.0e+00;
	v62 =	vadd.f32 v26, v42  }
0xa9: {  	v22 =	vld [tilespmem:s14+$0x10];
	v33 =	vmul.f32 v12, v27;
	v31 =	vmul.f32 v25, v9;
	v29 =	vadd.f32 v29, v30  }
0xaa: {  	v24 =	vmax.f32 v24, $0.0e+00;
	v27 =	vmax.f32 v61, $0.0e+00;
	v26 =	vld [tilespmem:s14+$0xFFFFFFF0];
	v30 =	vmax.f32 v62, $0.0e+00  }
0xab: {  	v63 =	vadd.f32 v60, v28;
	v32 =	vmul.f32 v27, v11;
	v27 =	vld [tilespmem:s14+$0xFFFFFFE0];
	v29 =	vadd.f32 v31, v29  }
0xac: {  	v19 =	vsel vm0, v19, v18;
	s11 =	sadd.s32 $0x80, s11;
	v23 =	vmul.f32 v16, v23;
	v36 =	vmul.f32 v14, v24;
	v25 =	vld [tilespmem:s14+$0x0]  }
0xad: {  	s17 =	simm.s32 $0x2;
	s31 =	simm.s32 $0x3;
	s10 =	simm.s32 $0x1;
	v24 =	vshll.u32 v20, $0x10;
	v37 =	vld [tilespmem:s11+$0xFFFFFFC0];
	(xrf2) =	vadd.scan.msk.f32 $0xffff, v63;
	v28 =	vmul.f32 v30, v15;
	v33 =	vadd.f32 v29, v33;
	v30, _, _ =	vpop (xrf2)  }
.LBB2_4:
0xae: {  	v29 =	vshll.u32 v21, $0x10  }
0xaf: {  	p0 =	sne.s32 s31, $0xF;
	v38 =	vmov s10;
	v30 =	vbroadcast v30, $0xF;
	vm1 =	vmmov vm0;
	s10 =	smov.u32 s17;
	s17 =	smov.u32 s31  }
0xb0: {  	v31 =	vshll.u32 v22, $0x10;
	v39 =	vld [tilespmem:s14+$0xFFFFFFD0];
	v40 =	vadd.f32 v32, v33;
	vm0 =	veq.s32 v38, v0  }
0xb1: {  	v33 =	vshll.u32 v26, $0x10;
	v32 =	vshll.u32 v25, $0x10;
	v38 =	vld [tilespmem:s12+$0xFFFFFFD0];
	v19 =	vsel vm0, v30, v19  }
0xb2: {  	v42 =	vshll.u32 v27, $0x10;
	v30 =	vadd.f32 v35, v34;
	v41 =	vld [tilespmem:s11+$0xFFFFFFD0];
	v36 =	vadd.f32 v40, v36  }
0xb3: {  	v40 =	vshll.u32 v34, $0x10;
	v35 =	vshll.u32 v35, $0x10;
	v43 =	vshll.u32 v37, $0x10  }
0xb4: {  	v35 =	vadd.f32 v35, v40;
	v30 =	vmax.f32 v30, $0.0e+00;
	v40 =	vadd.f32 v43, v40  }
0xb5: {  	v28 =	vadd.f32 v28, v36;
	v43 =	vmul.f32 v17, v30;
	v44 =	vshll.u32 v39, $0x10;
	v45 =	vld [tilespmem:s12+$0xFFFFFFE0]  }
0xb6: {  	v34 =	vadd.f32 v37, v34;
	v35 =	vmax.f32 v35, $0.0e+00;
	v47 =	vmax.f32 v40, $0.0e+00;
	v36 =	vld [tilespmem:s11+$0xFFFFFFE0]  }
0xb7: {  	v40 =	vshll.u32 v38, $0x10;
	v37 =	vmul.f32 v47, v13;
	v46 =	vshll.u32 v41, $0x10;
	v30, _, _ =	vpop (xrf2)  }
0xb8: {  	v34 =	vmax.f32 v34, $0.0e+00;
	v35 =	vmul.f32 v35, v13;
	v46 =	vadd.f32 v46, v40  }
0xb9: {  	v34 =	vmul.f32 v34, v17;
	v40 =	vadd.f32 v44, v40;
	v37 =	vadd.f32 v37, v1;
	v44 =	vld [tilespmem:s12+$0xFFFFFFF0]  }
0xba: {  	v41 =	vadd.f32 v41, v38;
	v46 =	vmax.f32 v46, $0.0e+00;
	v47 =	vshll.u32 v45, $0x10;
	v48 =	vld [tilespmem:s11+$0xFFFFFFF0]  }
0xbb: {  	v34 =	vadd.f32 v37, v34;
	v37 =	vmul.f32 v46, v8;
	v46 =	vshll.u32 v36, $0x10  }
0xbc: {  	v35 =	vadd.f32 v35, v1;
	v41 =	vmax.f32 v41, $0.0e+00;
	v46 =	vadd.f32 v46, v47  }
0xbd: {  	v40 =	vmax.f32 v40, $0.0e+00;
	v34 =	vadd.f32 v37, v34;
	v37 =	vmul.f32 v41, v3;
	v41 =	vld [tilespmem:s12+$0x0]  }
0xbe: {  	v36 =	vadd.f32 v36, v45;
	v46 =	vmax.f32 v46, $0.0e+00;
	v49 =	vshll.u32 v44, $0x10;
	v50 =	vld [tilespmem:s11+$0x0]  }
0xbf: {  	v34 =	vadd.f32 v34, v37;
	v37 =	vmul.f32 v46, v2;
	v46 =	vshll.u32 v48, $0x10  }
0xc0: {  	v38 =	vadd.f32 v39, v38;
	v36 =	vmax.f32 v36, $0.0e+00;
	v39 =	vadd.f32 v46, v49  }
0xc1: {  	v35 =	vadd.f32 v35, v43;
	v36 =	vmul.f32 v36, v5;
	v34 =	vadd.f32 v37, v34;
	v37 =	vld [tilespmem:s12+$0x10]  }
0xc2: {  	v43 =	vadd.f32 v48, v44;
	v39 =	vmax.f32 v39, $0.0e+00;
	v46 =	vshll.u32 v41, $0x10;
	v48 =	vld [tilespmem:s11+$0x10]  }
0xc3: {  	v34 =	vadd.f32 v34, v36;
	v36 =	vmul.f32 v39, v4;
	v39 =	vshll.u32 v50, $0x10  }
0xc4: {  	v40 =	vmul.f32 v40, v8;
	v43 =	vmax.f32 v43, $0.0e+00;
	v39 =	vadd.f32 v39, v46  }
0xc5: {  	v38 =	vmax.f32 v38, $0.0e+00;
	v34 =	vadd.f32 v36, v34;
	v36 =	vmul.f32 v43, v7;
	v43 =	vld [tilespmem:s12+$0x20]  }
0xc6: {  	v50 =	vadd.f32 v50, v41;
	v39 =	vmax.f32 v39, $0.0e+00;
	v51 =	vshll.u32 v37, $0x10;
	v52 =	vld [tilespmem:s11+$0x20]  }
0xc7: {  	v34 =	vadd.f32 v34, v36;
	v36 =	vmul.f32 v39, v6;
	v39 =	vshll.u32 v48, $0x10  }
0xc8: {  	v42 =	vadd.f32 v42, v47;
	v47 =	vmax.f32 v50, $0.0e+00;
	v39 =	vadd.f32 v39, v51  }
0xc9: {  	v35 =	vadd.f32 v40, v35;
	v34 =	vadd.f32 v36, v34;
	v36 =	vmul.f32 v47, v10;
	v40 =	vld [tilespmem:s12+$0x30]  }
0xca: {  	v47 =	vadd.f32 v48, v37;
	v39 =	vmax.f32 v39, $0.0e+00;
	v48 =	vshll.u32 v43, $0x10;
	v50 =	vld [tilespmem:s11+$0x30]  }
0xcb: {  	v34 =	vadd.f32 v34, v36;
	v36 =	vmul.f32 v39, v9;
	v39 =	vshll.u32 v52, $0x10  }
0xcc: {  	v38 =	vmul.f32 v3, v38;
	v47 =	vmax.f32 v47, $0.0e+00;
	v39 =	vadd.f32 v39, v48  }
0xcd: {  	v42 =	vmax.f32 v42, $0.0e+00;
	v34 =	vadd.f32 v36, v34;
	v36 =	vmul.f32 v47, v12  }
0xce: {  	v47 =	vadd.f32 v52, v43;
	v39 =	vmax.f32 v39, $0.0e+00;
	v52 =	vshll.u32 v40, $0x10  }
0xcf: {  	v34 =	vadd.f32 v34, v36;
	v36 =	vmul.f32 v39, v11;
	v39 =	vshll.u32 v50, $0x10  }
0xd0: {  	v27 =	vadd.f32 v27, v45;
	v45 =	vmax.f32 v47, $0.0e+00;
	v39 =	vadd.f32 v39, v52  }
0xd1: {  	v35 =	vadd.f32 v35, v38;
	v34 =	vadd.f32 v36, v34;
	v36 =	vmul.f32 v45, v14  }
0xd2: {  	v38 =	vmul.f32 v42, v2;
	v42 =	vadd.f32 v50, v40;
	v39 =	vmax.f32 v39, $0.0e+00  }
0xd3: {  	v27 =	vmax.f32 v27, $0.0e+00;
	v34 =	vadd.f32 v34, v36;
	v36 =	vmul.f32 v39, v15  }
0xd4: {  	v33 =	vadd.f32 v33, v49;
	v35 =	vadd.f32 v38, v35;
	v38 =	vmax.f32 v42, $0.0e+00  }
0xd5: {  	v27 =	vmul.f32 v5, v27;
	v34 =	vadd.f32 v36, v34;
	v36 =	vmul.f32 v38, v16  }
0xd6: {  	v26 =	vadd.f32 v26, v44;
	v33 =	vmax.f32 v33, $0.0e+00;
	v32 =	vadd.f32 v32, v46  }
0xd7: {  	v33 =	vmul.f32 v33, v4;
	v27 =	vadd.f32 v35, v27;
	v34 =	vadd.f32 v34, v36  }
0xd8: {  	v26 =	vmax.f32 v26, $0.0e+00;
	v25 =	vadd.f32 v25, v41;
	v32 =	vmax.f32 v32, $0.0e+00  }
0xd9: {  	v26 =	vmul.f32 v7, v26;
	v27 =	vadd.f32 v33, v27;
	v32 =	vmul.f32 v32, v6;
	(xrf2) =	vadd.scan.msk.f32 $0xffff, v34  }
0xda: {  	s14 =	sadd.s32 $0x80, s14;
	v25 =	vmax.f32 v25, $0.0e+00;
	v22 =	vadd.f32 v22, v37;
	v31 =	vadd.f32 v31, v51  }
0xdb: {  	v26 =	vadd.f32 v27, v26;
	v27 =	vmul.f32 v10, v25;
	v29 =	vadd.f32 v29, v48;
	v33 =	vld [tilespmem:s14+$0x30]  }
0xdc: {  	v25 =	vmax.f32 v31, $0.0e+00;
	v31 =	vmax.f32 v22, $0.0e+00;
	v34 =	vadd.f32 v21, v43;
	v21 =	vld [tilespmem:s14+$0x20]  }
0xdd: {  	v32 =	vadd.f32 v32, v26;
	v37 =	vmul.f32 v25, v9;
	v31 =	vmul.f32 v12, v31;
	v22 =	vld [tilespmem:s14+$0x10]  }
0xde: {  	v29 =	vmax.f32 v29, $0.0e+00;
	v24 =	vadd.f32 v24, v52;
	v34 =	vmax.f32 v34, $0.0e+00;
	v25 =	vld [tilespmem:s14+$0x0]  }
.Ltmp0:
0xdf: {  	v38 =	vadd.f32 v32, v27;
	v32 =	vmul.f32 v29, v11;
	v36 =	vmul.f32 v14, v34;
	v26 =	vld [tilespmem:s14+$0xFFFFFFF0];
	(pc) =	sbr.rel @p0 .LBB2_4-.Ltmp0, $4  }
0xe0: {  	v23 =	vadd.f32 v28, v23;
	v24 =	vmax.f32 v24, $0.0e+00;
	v29 =	vadd.f32 v20, v40;
	v27 =	vld [tilespmem:s14+$0xFFFFFFE0];
	v20 =	vmovc v33  }
0xe1: {  	s12 =	sadd.s32 $0x80, s12;
	v28 =	vmul.f32 v24, v15;
	v33 =	vadd.f32 v37, v38;
	v38 =	vbroadcast v30, $0xF;
	v35 =	vld [tilespmem:s14+$0xFFFFFFC0]  }
0xe2: {  	s11 =	sadd.s32 $0x80, s11;
	v29 =	vmax.f32 v29, $0.0e+00;
	v24 =	vshll.u32 v20, $0x10;
	v34 =	vld [tilespmem:s12+$0xFFFFFFC0];
	(xrf2) =	vadd.scan.msk.f32 $0xffff, v23  }
0xe3: {  	s31 =	sadd.s32 $0x1, s31;
	v33 =	vadd.f32 v33, v31;
	v23 =	vmul.f32 v16, v29;
	v18 =	vsel vm1, v38, v18;
	v37 =	vld [tilespmem:s11+$0xFFFFFFC0];
	v30, _, _ =	vpop (xrf2)  }
0xe4: {  	v38 =	vld [tilespmem:s12+$0xFFFFFFD0]  }
0xe5: {  	v39 =	vld [tilespmem:s11+$0xFFFFFFD0]  }
0xe6: {  	v31 =	vshll.u32 v21, $0x10;
	v63 =	vld [tilespmem:s11+$0xFFFFFFE0]  }
0xe7: {  	v40 =	vshll.u32 v22, $0x10;
	v41 =	vshll.u32 v26, $0x10;
	v47 =	vld [tilespmem:s11+$0xFFFFFFF0];
	v29 =	vadd.f32 v32, v33  }
0xe8: {  	v48 =	vld [tilespmem:s14+$0xFFFFFFD0];
	v61 =	vshll.u32 v35, $0x10;
	v59 =	vshll.u32 v34, $0x10;
	v43 =	vadd.f32 v35, v34  }
0xe9: {  	v29 =	vadd.f32 v29, v36;
	v60 =	vshll.u32 v37, $0x10;
	v62 =	vadd.f32 v37, v34  }
0xea: {  	v42 =	vshll.u32 v25, $0x10;
	v32 =	vadd.f32 v61, v59;
	v33 =	vadd.f32 v60, v59  }
0xeb: {  	v44 =	vshll.u32 v38, $0x10;
	v45 =	vshll.u32 v39, $0x10;
	v43 =	vmax.f32 v43, $0.0e+00  }
0xec: {  	v36 =	vld [tilespmem:s12+$0xFFFFFFE0];
	v39 =	vadd.f32 v39, v38;
	v54 =	vshll.u32 v63, $0x10;
	v57 =	vshll.u32 v47, $0x10  }
0xed: {  	v60 =	vshll.u32 v48, $0x10;
	v34 =	vmax.f32 v62, $0.0e+00;
	v52 =	vadd.f32 v45, v44  }
0xee: {  	v49 =	vld [tilespmem:s11+$0x0];
	v32 =	vmax.f32 v32, $0.0e+00;
	v61 =	vadd.f32 v60, v44;
	v33 =	vmax.f32 v33, $0.0e+00  }
0xef: {  	v45 =	vld [tilespmem:s12+$0xFFFFFFF0];
	v34 =	vmul.f32 v34, v17;
	v17 =	vmul.f32 v17, v43;
	v39 =	vmax.f32 v39, $0.0e+00  }
0xf0: {  	v58 =	vmul.f32 v32, v13;
	v33 =	vmul.f32 v33, v13;
	v35 =	vmax.f32 v52, $0.0e+00  }
0xf1: {  	v46 =	vshll.u32 v36, $0x10;
	v55 =	vmul.f32 v39, v3;
	v37 =	vadd.f32 v63, v36  }
0xf2: {  	v39 =	vld [tilespmem:s12+$0x0];
	v52 =	vadd.f32 v48, v38;
	v53 =	vmul.f32 v35, v8;
	v35 =	vadd.f32 v54, v46  }
0xf3: {  	v13 =	vadd.f32 v58, v1;
	v54 =	vshll.u32 v49, $0x10;
	v33 =	vadd.f32 v33, v1  }
0xf4: {  	v59 =	vmax.f32 v37, $0.0e+00;
	v35 =	vmax.f32 v35, $0.0e+00;
	v43 =	vshll.u32 v45, $0x10  }
0xf5: {  	v37 =	vld [tilespmem:s12+$0x10];
	v32 =	vmul.f32 v59, v5;
	v62 =	vadd.f32 v47, v45;
	v13 =	vadd.f32 v13, v17  }
0xf6: {  	v33 =	vadd.f32 v33, v34;
	v56 =	vmul.f32 v35, v2;
	v35 =	vadd.f32 v57, v43  }
0xf7: {  	v34 =	vmax.f32 v61, $0.0e+00;
	v38 =	vshll.u32 v39, $0x10;
	v44 =	vmax.f32 v62, $0.0e+00  }
0xf8: {  	v17 =	vld [tilespmem:s12+$0x20];
	v58 =	vadd.f32 v49, v39;
	v33 =	vadd.f32 v53, v33;
	v35 =	vmax.f32 v35, $0.0e+00  }
0xf9: {  	v53 =	vld [tilespmem:s11+$0x10];
	v48 =	vadd.f32 v54, v38;
	v44 =	vmul.f32 v44, v7;
	v63 =	vmul.f32 v35, v4  }
0xfa: {  	v49 =	vshll.u32 v37, $0x10;
	v35 =	vmax.f32 v52, $0.0e+00;
	v33 =	vadd.f32 v33, v55  }
0xfb: {  	v52 =	vadd.f32 v27, v36;
	v36 =	vadd.f32 v25, v39;
	v55 =	vshll.u32 v27, $0x10  }
0xfc: {  	v57 =	vmax.f32 v48, $0.0e+00;
	v48 =	vmax.f32 v58, $0.0e+00;
	v33 =	vadd.f32 v56, v33  }
0xfd: {  	v3 =	vmul.f32 v3, v35;
	v61 =	vmul.f32 v48, v10;
	v48 =	vshll.u32 v17, $0x10  }
0xfe: {  	v56 =	vmul.f32 v34, v8;
	v59 =	vshll.u32 v53, $0x10;
	v32 =	vadd.f32 v33, v32  }
0xff: {  	v27 =	vmax.f32 v52, $0.0e+00;
	v33 =	vadd.f32 v55, v46;
	v46 =	vadd.f32 v59, v49  }
0x100: {  	v34 =	vmul.f32 v57, v6;
	v8 =	vadd.f32 v56, v13;
	v56 =	vadd.f32 v41, v43  }
0x101: {  	v59 =	vadd.f32 v26, v45;
	v41 =	vmax.f32 v36, $0.0e+00;
	v43 =	vadd.f32 v22, v37  }
0x102: {  	v32 =	vadd.f32 v63, v32;
	v62 =	vmax.f32 v46, $0.0e+00;
	v33 =	vmax.f32 v33, $0.0e+00  }
0x103: {  	v63 =	vadd.f32 v53, v37;
	v3 =	vadd.f32 v8, v3;
	v2 =	vmul.f32 v33, v2  }
0x104: {  	v58 =	vmax.f32 v56, $0.0e+00;
	v46 =	vadd.f32 v31, v48;
	v50 =	vmul.f32 v62, v9  }
0x105: {  	v54 =	vld [tilespmem:s12+$0x30];
	v62 =	vadd.f32 v42, v38;
	v2 =	vadd.f32 v2, v3;
	v3 =	vmul.f32 v5, v27  }
0x106: {  	v26 =	vmax.f32 v59, $0.0e+00;
	v42 =	vadd.f32 v40, v49;
	v32 =	vadd.f32 v32, v44;
	v44 =	vld [tilespmem:s11+$0x20]  }
0x107: {  	v35 =	vmax.f32 v62, $0.0e+00;
	v2 =	vadd.f32 v2, v3;
	v3 =	vmul.f32 v58, v4  }
0x108: {  	v53 =	vmax.f32 v63, $0.0e+00;
	v60 =	vadd.f32 v34, v32;
	v39 =	vmul.f32 v35, v6  }
0x109: {  	v6 =	vmax.f32 v43, $0.0e+00;
	v2 =	vadd.f32 v3, v2;
	v3 =	vmul.f32 v7, v26  }
0x10a: {  	v63 =	vshll.u32 v54, $0x10;
	v57 =	vmul.f32 v53, v12;
	v6 =	vmul.f32 v12, v6  }
0x10b: {  	v13 =	vadd.f32 v60, v61;
	v51 =	vshll.u32 v44, $0x10;
	v2 =	vadd.f32 v2, v3  }
0x10c: {  	v60 =	vld [tilespmem:s11+$0x30];
	v61 =	vadd.f32 v44, v17;
	v7 =	vmul.f32 v10, v41;
	v55 =	vadd.f32 v51, v48  }
0x10d: {  	v44 =	vmax.f32 v42, $0.0e+00;
	v13 =	vadd.f32 v50, v13;
	v2 =	vadd.f32 v39, v2  }
0x10e: {  	v45 =	vmul.f32 v44, v9;
	v48 =	vadd.f32 v21, v17;
	v51 =	vadd.f32 v24, v63  }
0x10f: {  	v4 =	vmax.f32 v61, $0.0e+00;
	v33 =	vmax.f32 v55, $0.0e+00;
	v2 =	vadd.f32 v2, v7  }
0x110: {  	v5 =	vadd.f32 v13, v57;
	v4 =	vmul.f32 v4, v14;
	v38 =	vmul.f32 v33, v11  }
0x111: {  	v3 =	vshll.u32 v60, $0x10;
	v47 =	vadd.f32 v60, v54;
	v2 =	vadd.f32 v45, v2  }
0x112: {  	v3 =	vadd.f32 v3, v63;
	v5 =	vadd.f32 v38, v5;
	v7 =	vmax.f32 v46, $0.0e+00  }
0x113: {  	v50 =	vmax.f32 v48, $0.0e+00;
	v49 =	vmul.f32 v7, v11;
	v2 =	vadd.f32 v2, v6  }
0x114: {  	v9 =	vmax.f32 v47, $0.0e+00;
	v3 =	vmax.f32 v3, $0.0e+00;
	v4 =	vadd.f32 v5, v4  }
0x115: {  	v3 =	vmul.f32 v3, v15;
	v6 =	vmul.f32 v14, v50;
	v2 =	vadd.f32 v49, v2  }
0x116: {  	v53 =	vadd.f32 v20, v54;
	v52 =	vmax.f32 v51, $0.0e+00;
	v54 =	vmul.f32 v9, v16  }
0x117: {  	v3 =	vadd.f32 v3, v4;
	v4 =	vmul.f32 v52, v15;
	v2 =	vadd.f32 v2, v6  }
0x118: {  	v55 =	vadd.f32 v28, v29;
	v5 =	vmax.f32 v53, $0.0e+00  }
0x119: {  	v5 =	vmul.f32 v16, v5;
	v3 =	vadd.f32 v3, v54;
	v2 =	vadd.f32 v4, v2  }
0x11a: {  	v56 =	vadd.f32 v55, v23  }
0x11b: {  	(xrf2) =	vadd.scan.msk.f32 $0xffff, v3;
	v2 =	vadd.f32 v2, v5  }
0x11c: {  	(xrf2) =	vadd.scan.msk.f32 $0xffff, v56  }
0x11d: {  	(xrf2) =	vadd.scan.msk.f32 $0xffff, v2;
	_ =	sdelay $0x6  }
0x11e: {  	v57 =	vmov s10;
	v2, _, _ =	vpop (xrf2)  }
0x11f: {  	vm0 =	vmmov vm0;
	s31 =	sshll.u32 s16, $0x4;
	s16 =	sadd.s32 $0x1, s16;
	v58 =	vbroadcast v30, $0xF;
	vm1 =	veq.s32 v57, v0;
	v3, _, _ =	vpop (xrf2)  }
0x120: {  	p0 =	sne.s32 s16, $0x8;
	v60 =	vmov s17;
	vm14 =	vmmov vm1;
	v2 =	vbroadcast v2, $0xF;
	v59, _, _ =	vpop (xrf2)  }
.Ltmp1:
0x121: {  	vm2 =	veq.s32 v60, v0;
	v3 =	vbroadcast v3, $0xF;
	v4 =	vbroadcast v59, $0xF;
	v61, _, _ =	vpop (xrf2);
	(pc) =	sbr.rel @p0 .LBB2_3-.Ltmp1, $4  }
0x122: {  	v63 =	vsel vm1, v58, v19;
	v2 =	vsel vm0, v2, v18;
	v62 =	vbroadcast v61, $0xF  }
0x123: {  	vm15 =	vmmov vm2;
	v3 =	vsel vm2, v3, v63;
	v2 =	vsel vm14, v4, v2  }
0x124: {  	[tilespmem:s31+$0x1D180] =	vst v3;
	v2 =	vsel vm15, v62, v2  }
0x125: {  	s20 =	sadd.s32 $0x800, s20;
	s21 =	sadd.s32 $0x800, s21;
	s22 =	sadd.s32 $0x800, s22;
	[tilespmem:s31+$0x1D100] =	vst v2  }
0x126: {  	s2 =	sadd.s32 s9, s2  }
0x127: {  	s2 =	sshrl.u32 s2, $0x3  }
0x128: {  	s10 =	sadd.s32 s6, s2  }
0x129: {  	[hbm4b:s10+s3] =	stream.linear.scatter [tilespmem:s26], [sflag:$0x3], $0x80, $0x38;
	[tilespmem:$0x1D380] =	vst v63  }
0x12a: {  	_ =	swait.ge [sflag:s28], $0x80  }
0x12b: {  	[sflag:s28] =	ssyncset.done $0x0  }
0x12c: {  	s31 =	sshll.u32 s1, $0x1;
	s2 =	sadd.s32 s7, s2;
	[sflag:s28] =	ssyncadd.s32 $0xFFFFFF80  }
0x12d: {  	[hbm4b:s2+s3] =	stream.linear.scatter [tilespmem:s29], [sflag:$0x3], $0x80, $0x38;
	[tilespmem:$0x1D380] =	vst v63  }
0x12e: {  	s2 =	sadd.s32 $0x2, s31  }
0x12f: {  	_ =	swait.ge [sflag:s28], $0x80;
	p0 =	sge.u32 s2, s8  }
0x130: {  	[sflag:s28] =	ssyncset.done $0x0;
	s2 =	sshll.u32 @!p0 s2, $0x7  }
0x131: {  	s10 =	simm.s32 @!p0 $0x80;
	s11 =	simm.s32 @!p0 $0x5100;
	[sflag:s28] =	ssyncadd.s32 $0xFFFFFF80  }
0x132: {  	[tilespmem:s11], [sflag:$0x1] =	stream.indirect.gather @!p0 [hbm4b:s4+s10], $0x80, s2, s10, $0xb8;
	[tilespmem:$0x1D380] =	vst v63  }
0x133: {  	s12 =	simm.s32 @!p0 $0xD100;
	s11 =	sadd.s32 @!p0 $0x1B00, s2  }
0x134: {  	[tilespmem:s12], [sflag:$0x1] =	stream.indirect.gather @!p0 [hbm4b:s5+s10], $0x80, s11, s10, $0xb8;
	[tilespmem:$0x1D380] =	vst v63  }
0x135: {  	s2 =	sadd.s32 @!p0 $0x3600, s2;
	s11 =	simm.s32 @!p0 $0x15100  }
0x136: {  	[tilespmem:s11], [sflag:$0x1] =	stream.indirect.gather @!p0 [hbm4b:s5+s10], $0x80, s2, s10, $0xb8;
	[tilespmem:$0x1D380] =	vst v63  }
0x137: {  	_ =	swait.ge [sflag:s30], $0x4000  }
0x138: {  	[sflag:s30] =	ssyncset.done $0x0  }
0x139: {  	[sflag:s30] =	ssyncadd.s32 $0xFFFFC000  }
0x13a: {  	_ =	swait.ge [sflag:s30], $0x4000  }
0x13b: {  	[sflag:s30] =	ssyncset.done $0x0  }
0x13c: {  	[sflag:s30] =	ssyncadd.s32 $0xFFFFC000  }
0x13d: {  	s15 =	simm.s32 $0x5100;
	_ =	swait.ge [sflag:s30], $0x4000  }
0x13e: {  	s20 =	simm.s32 $0xD100;
	s21 =	simm.s32 $0x15100;
	[sflag:s30] =	ssyncset.done $0x0  }
0x13f: {  	s22 =	simm.s32 $0x0;
	s2 =	simm.s32 $0x0;
	[sflag:s30] =	ssyncadd.s32 $0xFFFFC000  }
.LBB2_7:
0x140: {  	v5 =	vmov s15  }
0x141: {  	v4 =	vmov s21  }
0x142: {  	v3 =	vmov s20  }
0x143: {  	v21 =	vld [tilespmem:$0x1D200]  }
0x144: {  	v20 =	vld [tilespmem:$0x1D210];
	s10 =	simm.s32 $0x0  }
0x145: {  	v7 =	vld.idx.msk [tilespmem:v5+s10+$0x4000 ss:$0x1], $0xffff  }
0x146: {  	v8 =	vld.idx.msk [tilespmem:v4+s10+$0x4000 ss:$0x1], $0xffff  }
0x147: {  	v9 =	vld.idx.msk [tilespmem:v3+s10+$0x4000 ss:$0x1], $0xffff  }
0x148: {  	v16 =	vld.idx.msk [tilespmem:v3+s10+$0x4010 ss:$0x1], $0xffff  }
0x149: {  	v17 =	vld.idx.msk [tilespmem:v5+s10+$0x4010 ss:$0x1], $0xffff  }
0x14a: {  	v10 =	vld.idx.msk [tilespmem:v4+s10+$0x4010 ss:$0x1], $0xffff  }
0x14b: {  	v22 =	vld.idx.msk [tilespmem:v5+s10+$0x4020 ss:$0x1], $0xffff  }
0x14c: {  	v62 =	vmov s2;
	v14 =	vld.idx.msk [tilespmem:v4+s10+$0x4020 ss:$0x1], $0xffff  }
0x14d: {  	vm0 =	veq.s32 v62, v0;
	v25 =	vld.idx.msk [tilespmem:v4+s10+$0x4030 ss:$0x1], $0xffff;
	v11 =	vshll.u32 v7, $0x10  }
0x14e: {  	v15 =	vld [tilespmem:$0x1D220];
	v2 =	vshll.u32 v8, $0x10;
	v12 =	vshll.u32 v9, $0x10;
	v9 =	vadd.f32 v9, v7  }
0x14f: {  	v33 =	vld.idx.msk [tilespmem:v4+s10+$0x4050 ss:$0x1], $0xffff;
	v18 =	vadd.f32 v8, v7;
	v19 =	vshll.u32 v17, $0x10;
	v13 =	vadd.f32 v2, v11  }
0x150: {  	v37 =	vld.idx.msk [tilespmem:v5+s10+$0x4060 ss:$0x1], $0xffff;
	v23 =	vshll.u32 v10, $0x10;
	v26 =	vadd.f32 v10, v17;
	v27 =	vshll.u32 v22, $0x10  }
0x151: {  	v6 =	vld [tilespmem:$0x1D230];
	v28 =	vshll.u32 v14, $0x10;
	v14 =	vadd.f32 v14, v22;
	v13 =	vmax.f32 v13, $0.0e+00  }
0x152: {  	v53 =	vld.idx.msk [tilespmem:v3+s10+$0x4020 ss:$0x1], $0xffff;
	v31 =	vshll.u32 v25, $0x10;
	v36 =	vadd.f32 v16, v17;
	v13 =	vmul.f32 v13, v21  }
0x153: {  	v39 =	vld.idx.msk [tilespmem:v5+s10+$0x4070 ss:$0x1], $0xffff;
	v24 =	vmax.f32 v9, $0.0e+00;
	v9 =	vmax.f32 v18, $0.0e+00;
	v18 =	vadd.f32 v23, v19  }
0x154: {  	v8 =	vld [tilespmem:$0x1D240];
	v11 =	vadd.f32 v12, v11;
	v9 =	vmul.f32 v9, v20;
	v13 =	vadd.f32 v13, v1  }
0x155: {  	v38 =	vshll.u32 v33, $0x10;
	v55 =	vshll.u32 v37, $0x10;
	v23 =	vld.idx.msk [tilespmem:v5+s10+$0x4030 ss:$0x1], $0xffff;
	v18 =	vmax.f32 v18, $0.0e+00  }
0x156: {  	v7 =	vld [tilespmem:$0x1D250];
	v11 =	vmax.f32 v11, $0.0e+00;
	v18 =	vmul.f32 v18, v15;
	v13 =	vadd.f32 v13, v9  }
0x157: {  	v10 =	vld [tilespmem:$0x1D260];
	v29 =	vmul.f32 v11, v21;
	v11 =	vmax.f32 v26, $0.0e+00;
	v26 =	vadd.f32 v28, v27  }
0x158: {  	v41 =	vshll.u32 v53, $0x10;
	v28 =	vld.idx.msk [tilespmem:v5+s10+$0x4040 ss:$0x1], $0xffff;
	v11 =	vmul.f32 v11, v6;
	v13 =	vadd.f32 v18, v13  }
0x159: {  	v42 =	vshll.u32 v39, $0x10;
	v22 =	vadd.f32 v53, v22;
	v26 =	vmax.f32 v26, $0.0e+00;
	v18 =	vld.idx.msk [tilespmem:v4+s10+$0x4040 ss:$0x1], $0xffff  }
0x15a: {  	v43 =	vld.idx.msk [tilespmem:v3+s10+$0x4030 ss:$0x1], $0xffff;
	v30 =	vshll.u32 v23, $0x10;
	v26 =	vmul.f32 v26, v8;
	v13 =	vadd.f32 v13, v11  }
0x15b: {  	v12 =	vshll.u32 v16, $0x10;
	v14 =	vmax.f32 v14, $0.0e+00;
	v9 =	vld [tilespmem:$0x1D270];
	v31 =	vadd.f32 v31, v30  }
0x15c: {  	v32 =	vld.idx.msk [tilespmem:v5+s10+$0x4050 ss:$0x1], $0xffff;
	v19 =	vadd.f32 v12, v19;
	v13 =	vadd.f32 v26, v13;
	v26 =	vmul.f32 v14, v7  }
0x15d: {  	v12 =	vld [tilespmem:$0x1D280];
	v25 =	vadd.f32 v25, v23;
	v34 =	vshll.u32 v28, $0x10;
	v31 =	vmax.f32 v31, $0.0e+00  }
0x15e: {  	v31 =	vmul.f32 v31, v10;
	v35 =	vshll.u32 v18, $0x10;
	v26 =	vadd.f32 v13, v26  }
0x15f: {  	v60 =	vshll.u32 v43, $0x10;
	v25 =	vmax.f32 v25, $0.0e+00;
	v11 =	vld [tilespmem:$0x1D290];
	v35 =	vadd.f32 v35, v34  }
0x160: {  	v24 =	vmul.f32 v20, v24;
	v17 =	vmul.f32 v25, v9;
	v25 =	vld.idx.msk [tilespmem:v4+s10+$0x4060 ss:$0x1], $0xffff;
	v16 =	vadd.f32 v31, v26  }
0x161: {  	s17 =	simm.s32 $0x80;
	v29 =	vadd.f32 v29, v1;
	v14 =	vld [tilespmem:$0x1D2A0];
	v18 =	vadd.f32 v18, v28;
	v26 =	vmax.f32 v35, $0.0e+00  }
0x162: {  	v63 =	vld.idx.msk [tilespmem:v5+s17+$0x4010 ss:$0x1], $0xffff;
	v31 =	vshll.u32 v32, $0x10;
	v26 =	vmul.f32 v26, v12;
	v17 =	vadd.f32 v16, v17  }
0x163: {  	v24 =	vadd.f32 v29, v24;
	v13 =	vld [tilespmem:$0x1D2B0];
	v18 =	vmax.f32 v18, $0.0e+00;
	v29 =	vadd.f32 v38, v31  }
0x164: {  	v19 =	vmax.f32 v19, $0.0e+00;
	v18 =	vmul.f32 v18, v11;
	v16 =	vld [tilespmem:$0x1D2C0];
	v17 =	vadd.f32 v26, v17  }
0x165: {  	v54 =	vmul.f32 v19, v15;
	v19 =	vmax.f32 v29, $0.0e+00;
	v29 =	vadd.f32 v33, v32;
	v26 =	vld.idx.msk [tilespmem:v4+s10+$0x4070 ss:$0x1], $0xffff  }
0x166: {  	v40 =	vshll.u32 v25, $0x10;
	v19 =	vmul.f32 v19, v14;
	v18 =	vadd.f32 v17, v18  }
0x167: {  	v49 =	vshll.u32 v63, $0x10;
	v40 =	vadd.f32 v40, v55;
	v29 =	vmax.f32 v29, $0.0e+00;
	v17 =	vld [tilespmem:$0x1D2D0]  }
0x168: {  	v36 =	vmax.f32 v36, $0.0e+00;
	v29 =	vmul.f32 v29, v13;
	v19 =	vadd.f32 v19, v18  }
0x169: {  	v22 =	vmax.f32 v22, $0.0e+00;
	v25 =	vadd.f32 v25, v37;
	v40 =	vmax.f32 v40, $0.0e+00;
	v18 =	vld [tilespmem:$0x1D2E0]  }
0x16a: {  	v40 =	vmul.f32 v40, v16;
	v29 =	vadd.f32 v19, v29;
	v19 =	vshll.u32 v26, $0x10  }
0x16b: {  	v36 =	vmul.f32 v6, v36;
	v25 =	vmax.f32 v25, $0.0e+00;
	v56 =	vadd.f32 v19, v42;
	v19 =	vld [tilespmem:$0x1D2F0]  }
0x16c: {  	v48 =	vld.idx.msk [tilespmem:v4+s17+$0x4020 ss:$0x1], $0xffff;
	v27 =	vadd.f32 v41, v27;
	v25 =	vmul.f32 v25, v17;
	v29 =	vadd.f32 v40, v29  }
0x16d: {  	v24 =	vadd.f32 v54, v24;
	v26 =	vadd.f32 v26, v39;
	v57 =	vmax.f32 v56, $0.0e+00  }
0x16e: {  	v58 =	vld.idx.msk [tilespmem:v3+s10+$0x4040 ss:$0x1], $0xffff;
	v27 =	vmax.f32 v27, $0.0e+00;
	v25 =	vadd.f32 v29, v25;
	v29 =	vmul.f32 v57, v18  }
0x16f: {  	v27 =	vmul.f32 v27, v8;
	v24 =	vadd.f32 v24, v36;
	v26 =	vmax.f32 v26, $0.0e+00  }
0x170: {  	v59 =	vld.idx.msk [tilespmem:v3+s10+$0x4050 ss:$0x1], $0xffff;
	v25 =	vadd.f32 v29, v25;
	v26 =	vmul.f32 v26, v19;
	v29 =	vadd.f32 v60, v30  }
0x171: {  	v52 =	vshll.u32 v48, $0x10;
	v22 =	vmul.f32 v7, v22;
	v24 =	vadd.f32 v27, v24  }
0x172: {  	v23 =	vadd.f32 v43, v23;
	v25 =	vadd.f32 v25, v26;
	v26 =	vmax.f32 v29, $0.0e+00  }
0x173: {  	v51 =	vld.idx.msk [tilespmem:v4+s17+$0x4030 ss:$0x1], $0xffff;
	v27 =	vshll.u32 v58, $0x10;
	v22 =	vadd.f32 v24, v22;
	v24 =	vmul.f32 v26, v10  }
0x174: {  	v23 =	vmax.f32 v23, $0.0e+00;
	v28 =	vadd.f32 v58, v28;
	v29 =	vld.idx.msk [tilespmem:v3+s10+$0x4060 ss:$0x1], $0xffff;
	(xrf2) =	vadd.scan.msk.f32 $0xffff, v25;
	v25 =	vadd.f32 v27, v34  }
0x175: {  	v23 =	vmul.f32 v9, v23;
	v26 =	vshll.u32 v59, $0x10;
	v27 =	vld.idx.msk [tilespmem:v3+s10+$0x4070 ss:$0x1], $0xffff;
	v22 =	vadd.f32 v24, v22  }
0x176: {  	v24 =	vadd.f32 v26, v31;
	v26 =	vmax.f32 v28, $0.0e+00;
	v25 =	vmax.f32 v25, $0.0e+00  }
0x177: {  	v30 =	vld.idx.msk [tilespmem:v5+s17+$0x4000 ss:$0x1], $0xffff;
	v28 =	vadd.f32 v59, v32;
	v22 =	vadd.f32 v22, v23;
	v23 =	vmul.f32 v25, v12  }
0x178: {  	v53 =	vshll.u32 v51, $0x10;
	v24 =	vmax.f32 v24, $0.0e+00;
	v25 =	vmul.f32 v11, v26  }
0x179: {  	v61 =	vld.idx.msk [tilespmem:v3+s17+$0x4000 ss:$0x1], $0xffff;
	v26 =	vshll.u32 v29, $0x10;
	v28 =	vmax.f32 v28, $0.0e+00;
	v22 =	vadd.f32 v23, v22  }
0x17a: {  	v54 =	vld.idx.msk [tilespmem:v4+s17+$0x4050 ss:$0x1], $0xffff;
	v23 =	vadd.f32 v26, v55;
	v26 =	vadd.f32 v29, v37;
	v29 =	vshll.u32 v27, $0x10  }
0x17b: {  	v24 =	vmul.f32 v24, v14;
	v22 =	vadd.f32 v22, v25;
	v25 =	vadd.f32 v29, v42;
	v29 =	vld.idx.msk [tilespmem:v4+s17+$0x4000 ss:$0x1], $0xffff  }
0x17c: {  	v2 =	vimm.f32 $0.0e+00;
	v35 =	vld.idx.msk [tilespmem:v5+s17+$0x4020 ss:$0x1], $0xffff;
	v45 =	vshll.u32 v30, $0x10;
	v28 =	vmul.f32 v13, v28  }
0x17d: {  	v56 =	vld.idx.msk [tilespmem:v4+s17+$0x4060 ss:$0x1], $0xffff;
	v27 =	vadd.f32 v27, v39;
	v23 =	vmax.f32 v23, $0.0e+00;
	v24 =	vadd.f32 v24, v22  }
0x17e: {  	v32 =	vadd.f32 v61, v30;
	v59 =	vld.idx.msk [tilespmem:v5+s17+$0x4070 ss:$0x1], $0xffff;
	v31 =	vmul.f32 v23, v16;
	v23 =	vmax.f32 v26, $0.0e+00  }
0x17f: {  	v26 =	vmax.f32 v27, $0.0e+00;
	v22 =	vmax.f32 v25, $0.0e+00;
	v25, _, _ =	vpop (xrf2);
	v24 =	vadd.f32 v24, v28;
	v28 =	vld.idx.msk [tilespmem:v4+s17+$0x4010 ss:$0x1], $0xffff  }
0x180: {  	v44 =	vbroadcast v25, $0xF;
	v25 =	vmul.f32 v19, v26;
	v26 =	vshll.u32 v29, $0x10  }
0x181: {  	v41 =	vshll.u32 v35, $0x10;
	v32 =	vmax.f32 v32, $0.0e+00;
	v46 =	vadd.f32 v26, v45  }
0x182: {  	v57 =	vshll.u32 v54, $0x10;
	v60 =	vshll.u32 v56, $0x10;
	v32 =	vmul.f32 v20, v32;
	v39 =	vld.idx.msk [tilespmem:v5+s17+$0x4030 ss:$0x1], $0xffff  }
0x183: {  	v37 =	vadd.f32 v48, v35;
	v29 =	vadd.f32 v29, v30;
	v36 =	vmax.f32 v46, $0.0e+00  }
0x184: {  	v62 =	vshll.u32 v59, $0x10;
	v30 =	vmul.f32 v36, v21;
	v50 =	vshll.u32 v28, $0x10  }
0x185: {  	v37 =	vmax.f32 v37, $0.0e+00;
	v29 =	vmax.f32 v29, $0.0e+00;
	v38 =	vadd.f32 v50, v49  }
0x186: {  	v27 =	vld.idx.msk [tilespmem:v3+s17+$0x4010 ss:$0x1], $0xffff;
	v23 =	vmul.f32 v17, v23;
	v29 =	vmul.f32 v29, v20;
	v30 =	vadd.f32 v30, v1  }
0x187: {  	v40 =	vadd.f32 v51, v39;
	v28 =	vadd.f32 v28, v63;
	v38 =	vmax.f32 v38, $0.0e+00  }
0x188: {  	v34 =	vld.idx.msk [tilespmem:v5+s17+$0x4060 ss:$0x1], $0xffff;
	v42 =	vshll.u32 v39, $0x10;
	v29 =	vadd.f32 v30, v29;
	v30 =	vmul.f32 v38, v15  }
0x189: {  	v40 =	vmax.f32 v40, $0.0e+00;
	v28 =	vmax.f32 v28, $0.0e+00;
	v38 =	vadd.f32 v52, v41  }
0x18a: {  	v24 =	vadd.f32 v31, v24;
	v36 =	vld.idx.msk [tilespmem:v5+s17+$0x4040 ss:$0x1], $0xffff;
	v28 =	vmul.f32 v28, v6;
	v29 =	vadd.f32 v30, v29  }
0x18b: {  	v31 =	vshll.u32 v61, $0x10;
	v47 =	vshll.u32 v27, $0x10;
	v30 =	vld.idx.msk [tilespmem:v4+s17+$0x4040 ss:$0x1], $0xffff;
	v38 =	vmax.f32 v38, $0.0e+00  }
0x18c: {  	v43 =	vld.idx.msk [tilespmem:v5+s17+$0x4050 ss:$0x1], $0xffff;
	v27 =	vadd.f32 v27, v63;
	v28 =	vadd.f32 v29, v28;
	v29 =	vmul.f32 v38, v8  }
0x18d: {  	v61 =	vadd.f32 v56, v34;
	v26 =	vsel vm0, v44, v2;
	v38 =	vadd.f32 v53, v42  }
0x18e: {  	v31 =	vadd.f32 v31, v45;
	v28 =	vadd.f32 v29, v28;
	v29 =	vmul.f32 v37, v7  }
0x18f: {  	v33 =	vadd.f32 v47, v49;
	v44 =	vshll.u32 v36, $0x10;
	v38 =	vmax.f32 v38, $0.0e+00  }
0x190: {  	v55 =	vshll.u32 v30, $0x10;
	v28 =	vadd.f32 v28, v29;
	v29 =	vmul.f32 v38, v10  }
0x191: {  	v45 =	vshll.u32 v43, $0x10;
	v47 =	vshll.u32 v34, $0x10;
	v38 =	vadd.f32 v55, v44  }
0x192: {  	v31 =	vmax.f32 v31, $0.0e+00;
	v28 =	vadd.f32 v29, v28;
	v29 =	vmul.f32 v40, v9  }
0x193: {  	v31 =	vmul.f32 v31, v21;
	v30 =	vadd.f32 v30, v36;
	v38 =	vmax.f32 v38, $0.0e+00  }
0x194: {  	v58 =	vadd.f32 v57, v45;
	v28 =	vadd.f32 v28, v29;
	v29 =	vmul.f32 v38, v12  }
0x195: {  	v46 =	vld.idx.msk [tilespmem:v3+s17+$0x4020 ss:$0x1], $0xffff;
	v27 =	vmax.f32 v27, $0.0e+00;
	v31 =	vadd.f32 v31, v1;
	v30 =	vmax.f32 v30, $0.0e+00  }
0x196: {  	v33 =	vmax.f32 v33, $0.0e+00;
	v28 =	vadd.f32 v29, v28;
	v29 =	vmul.f32 v30, v11  }
0x197: {  	v31 =	vadd.f32 v31, v32;
	v32 =	vmax.f32 v58, $0.0e+00;
	v37 =	vadd.f32 v54, v43;
	v30 =	vld.idx.msk [tilespmem:v4+s17+$0x4070 ss:$0x1], $0xffff  }
0x198: {  	v27 =	vmul.f32 v6, v27;
	v28 =	vadd.f32 v28, v29;
	v29 =	vmul.f32 v32, v14  }
0x199: {  	v33 =	vmul.f32 v33, v15;
	v37 =	vmax.f32 v37, $0.0e+00;
	v32 =	vadd.f32 v60, v47  }
0x19a: {  	v48 =	vshll.u32 v46, $0x10;
	v28 =	vadd.f32 v29, v28;
	v29 =	vmul.f32 v37, v13  }
0x19b: {  	v49 =	vld.idx.msk [tilespmem:v3+s17+$0x4030 ss:$0x1], $0xffff;
	v35 =	vadd.f32 v46, v35;
	v41 =	vadd.f32 v48, v41;
	v32 =	vmax.f32 v32, $0.0e+00  }
0x19c: {  	v63 =	vshll.u32 v30, $0x10;
	v28 =	vadd.f32 v28, v29;
	v29 =	vmul.f32 v32, v16  }
0x19d: {  	v35 =	vmax.f32 v35, $0.0e+00;
	v37 =	vmax.f32 v61, $0.0e+00;
	v32 =	vadd.f32 v63, v62  }
0x19e: {  	v31 =	vadd.f32 v33, v31;
	v28 =	vadd.f32 v29, v28;
	v29 =	vmul.f32 v37, v17  }
0x19f: {  	v51 =	vmax.f32 v41, $0.0e+00;
	v30 =	vadd.f32 v30, v59;
	v32 =	vmax.f32 v32, $0.0e+00  }
0x1a0: {  	v52 =	vld.idx.msk [tilespmem:v3+s17+$0x4040 ss:$0x1], $0xffff;
	v53 =	vshll.u32 v49, $0x10;
	v28 =	vadd.f32 v28, v29;
	v29 =	vmul.f32 v32, v18  }
0x1a1: {  	v27 =	vadd.f32 v31, v27;
	v31 =	vmul.f32 v51, v8;
	v30 =	vmax.f32 v30, $0.0e+00  }
0x1a2: {  	s31 =	simm.s32 $0x100;
	v56 =	vld.idx.msk [tilespmem:v3+s17+$0x4070 ss:$0x1], $0xffff;
	v33 =	vadd.f32 v53, v42;
	v30 =	vmul.f32 v30, v19;
	v28 =	vadd.f32 v29, v28  }
0x1a3: {  	v23 =	vadd.f32 v24, v23;
	v46 =	vld.idx.msk [tilespmem:v4+s31+$0x4010 ss:$0x1], $0xffff;
	v24 =	vadd.f32 v31, v27;
	v27 =	vmul.f32 v7, v35  }
0x1a4: {  	v31 =	vadd.f32 v49, v39;
	v29 =	vld.idx.msk [tilespmem:v3+s17+$0x4050 ss:$0x1], $0xffff;
	v28 =	vadd.f32 v28, v30;
	v30 =	vmax.f32 v33, $0.0e+00  }
0x1a5: {  	v39 =	vld.idx.msk [tilespmem:v5+s31+$0x4030 ss:$0x1], $0xffff;
	v55 =	vshll.u32 v52, $0x10;
	v24 =	vadd.f32 v24, v27;
	v27 =	vmul.f32 v30, v10  }
0x1a6: {  	v22 =	vmul.f32 v22, v18;
	v50 =	vld.idx.msk [tilespmem:v4+s31+$0x4030 ss:$0x1], $0xffff;
	v31 =	vmax.f32 v31, $0.0e+00;
	(xrf2) =	vadd.scan.msk.f32 $0xffff, v28;
	v28 =	vadd.f32 v55, v44  }
0x1a7: {  	v58 =	vshll.u32 v56, $0x10;
	v54 =	vld.idx.msk [tilespmem:v3+s17+$0x4060 ss:$0x1], $0xffff;
	v31 =	vmul.f32 v9, v31;
	v24 =	vadd.f32 v27, v24  }
0x1a8: {  	v49 =	vshll.u32 v46, $0x10;
	v30 =	vadd.f32 v52, v36;
	v28 =	vmax.f32 v28, $0.0e+00  }
0x1a9: {  	v63 =	vld.idx.msk [tilespmem:v5+s31+$0x4010 ss:$0x1], $0xffff;
	v57 =	vshll.u32 v29, $0x10;
	v24 =	vadd.f32 v24, v31;
	v28 =	vmul.f32 v28, v12  }
0x1aa: {  	v42 =	vshll.u32 v39, $0x10;
	v27 =	vmax.f32 v30, $0.0e+00;
	v30 =	vadd.f32 v57, v45  }
0x1ab: {  	v40 =	vadd.f32 v50, v39;
	v27 =	vmul.f32 v11, v27;
	v24 =	vadd.f32 v28, v24  }
0x1ac: {  	v29 =	vadd.f32 v29, v43;
	v31 =	vshll.u32 v54, $0x10;
	v30 =	vmax.f32 v30, $0.0e+00  }
0x1ad: {  	v30 =	vmul.f32 v30, v14;
	v28 =	vadd.f32 v31, v47;
	v24 =	vadd.f32 v24, v27  }
0x1ae: {  	v32 =	vadd.f32 v56, v59;
	v59 =	vld.idx.msk [tilespmem:v4+s31+$0x4000 ss:$0x1], $0xffff;
	v38 =	vadd.f32 v46, v63;
	v29 =	vmax.f32 v29, $0.0e+00  }
0x1af: {  	s16 =	simm.s32 $0x1;
	v27 =	vmax.f32 v28, $0.0e+00;
	v28 =	vmul.f32 v13, v29;
	v29 =	vld.idx.msk [tilespmem:v5+s31+$0x4000 ss:$0x1], $0xffff;
	v24 =	vadd.f32 v30, v24  }
0x1b0: {  	v33 =	vadd.f32 v58, v62;
	v62 =	vmov s16;
	v31 =	vadd.f32 v54, v34;
	v60, _, _ =	vpop (xrf2)  }
0x1b1: {  	v27 =	vmul.f32 v27, v16;
	v30 =	vld.idx.msk [tilespmem:v3+s31+$0x4000 ss:$0x1], $0xffff;
	v35 =	vbroadcast v60, $0xF;
	v28 =	vadd.f32 v24, v28  }
0x1b2: {  	v32 =	vmax.f32 v32, $0.0e+00;
	vm1 =	veq.s32 v62, v0;
	v45 =	vadd.f32 v22, v23  }
0x1b3: {  	v31 =	vmax.f32 v31, $0.0e+00;
	v22 =	vsel vm1, v35, v26;
	v26 =	vadd.f32 v27, v28  }
0x1b4: {  	v61 =	vld.idx.msk [tilespmem:v3+s31+$0x4010 ss:$0x1], $0xffff;
	v27 =	vadd.f32 v45, v25;
	v25 =	vshll.u32 v29, $0x10;
	v28 =	vshll.u32 v59, $0x10  }
0x1b5: {  	v53 =	vld.idx.msk [tilespmem:v4+s31+$0x4040 ss:$0x1], $0xffff;
	v23 =	vmul.f32 v19, v32;
	v31 =	vmul.f32 v17, v31;
	v28 =	vadd.f32 v28, v25  }
0x1b6: {  	v35 =	vld.idx.msk [tilespmem:v5+s31+$0x4020 ss:$0x1], $0xffff;
	v47 =	vshll.u32 v30, $0x10;
	v30 =	vadd.f32 v30, v29;
	v29 =	vadd.f32 v59, v29  }
0x1b7: {  	v32 =	vadd.f32 v47, v25;
	v25 =	vadd.f32 v26, v31;
	v26 =	vld.idx.msk [tilespmem:v4+s31+$0x4020 ss:$0x1], $0xffff;
	v28 =	vmax.f32 v28, $0.0e+00  }
0x1b8: {  	v52 =	vmax.f32 v38, $0.0e+00;
	v38 =	vld.idx.msk [tilespmem:v5+s31+$0x4040 ss:$0x1], $0xffff;
	v31 =	vshll.u32 v63, $0x10;
	v28 =	vmul.f32 v28, v21  }
0x1b9: {  	v48 =	vshll.u32 v61, $0x10;
	v29 =	vmax.f32 v29, $0.0e+00;
	v34 =	vadd.f32 v49, v31  }
0x1ba: {  	v46 =	vld.idx.msk [tilespmem:v5+s31+$0x4070 ss:$0x1], $0xffff;
	v33 =	vmax.f32 v33, $0.0e+00;
	v29 =	vmul.f32 v29, v20;
	v28 =	vadd.f32 v28, v1  }
0x1bb: {  	v55 =	vshll.u32 v53, $0x10;
	v34 =	vmax.f32 v34, $0.0e+00;
	v41 =	vshll.u32 v35, $0x10  }
0x1bc: {  	v51 =	vshll.u32 v26, $0x10;
	v28 =	vadd.f32 v28, v29;
	v29 =	vmul.f32 v34, v15  }
0x1bd: {  	v43 =	vld.idx.msk [tilespmem:v5+s31+$0x4050 ss:$0x1], $0xffff;
	v57 =	vmax.f32 v40, $0.0e+00;
	v44 =	vshll.u32 v38, $0x10;
	v34 =	vadd.f32 v51, v41  }
0x1be: {  	v56 =	vld.idx.msk [tilespmem:v3+s31+$0x4020 ss:$0x1], $0xffff;
	v54 =	vshll.u32 v50, $0x10;
	v28 =	vadd.f32 v29, v28;
	v29 =	vmul.f32 v52, v6  }
0x1bf: {  	v62 =	vld.idx.msk [tilespmem:v4+s31+$0x4070 ss:$0x1], $0xffff;
	v50 =	vshll.u32 v46, $0x10;
	v26 =	vadd.f32 v26, v35;
	v34 =	vmax.f32 v34, $0.0e+00  }
0x1c0: {  	v40 =	vld.idx.msk [tilespmem:v5+s31+$0x4060 ss:$0x1], $0xffff;
	v24 =	vmul.f32 v33, v18;
	v28 =	vadd.f32 v28, v29;
	v29 =	vmul.f32 v34, v8  }
0x1c1: {  	v33 =	vadd.f32 v61, v63;
	v26 =	vmax.f32 v26, $0.0e+00;
	v34 =	vadd.f32 v54, v42  }
0x1c2: {  	v37 =	vshll.u32 v43, $0x10;
	v26 =	vmul.f32 v26, v7;
	v28 =	vadd.f32 v29, v28  }
0x1c3: {  	v61 =	vshll.u32 v56, $0x10;
	v33 =	vmax.f32 v33, $0.0e+00;
	v29 =	vld.idx.msk [tilespmem:v4+s31+$0x4050 ss:$0x1], $0xffff;
	v34 =	vmax.f32 v34, $0.0e+00  }
0x1c4: {  	v58 =	vld.idx.msk [tilespmem:v4+s31+$0x4060 ss:$0x1], $0xffff;
	v59 =	vadd.f32 v53, v38;
	v26 =	vadd.f32 v28, v26;
	v28 =	vmul.f32 v34, v10  }
0x1c5: {  	v53 =	vadd.f32 v62, v46;
	v63 =	vshll.u32 v40, $0x10;
	v34 =	vadd.f32 v55, v44  }
0x1c6: {  	v30 =	vmax.f32 v30, $0.0e+00;
	v26 =	vadd.f32 v28, v26;
	v28 =	vmul.f32 v57, v9  }
0x1c7: {  	v31 =	vadd.f32 v48, v31;
	v36 =	vmax.f32 v59, $0.0e+00;
	v34 =	vmax.f32 v34, $0.0e+00  }
0x1c8: {  	v60 =	vshll.u32 v29, $0x10;
	v26 =	vadd.f32 v26, v28;
	v28 =	vmul.f32 v34, v12  }
0x1c9: {  	v49 =	vshll.u32 v58, $0x10;
	v32 =	vmax.f32 v32, $0.0e+00;
	v34 =	vadd.f32 v60, v37  }
0x1ca: {  	v30 =	vmul.f32 v20, v30;
	v26 =	vadd.f32 v28, v26;
	v28 =	vmul.f32 v36, v11  }
0x1cb: {  	v32 =	vmul.f32 v32, v21;
	v29 =	vadd.f32 v29, v43;
	v34 =	vmax.f32 v34, $0.0e+00  }
0x1cc: {  	v31 =	vmax.f32 v31, $0.0e+00;
	v26 =	vadd.f32 v26, v28;
	v28 =	vmul.f32 v34, v14  }
0x1cd: {  	v32 =	vadd.f32 v32, v1;
	v29 =	vmax.f32 v29, $0.0e+00;
	v34 =	vadd.f32 v49, v63  }
0x1ce: {  	v31 =	vmul.f32 v31, v15;
	v26 =	vadd.f32 v28, v26;
	v28 =	vmul.f32 v29, v13  }
0x1cf: {  	v30 =	vadd.f32 v32, v30;
	v32 =	vadd.f32 v58, v40;
	v29 =	vmax.f32 v34, $0.0e+00  }
0x1d0: {  	v26 =	vadd.f32 v26, v28;
	v28 =	vmul.f32 v29, v16;
	v29 =	vshll.u32 v62, $0x10  }
0x1d1: {  	v51 =	vld.idx.msk [tilespmem:v3+s31+$0x4030 ss:$0x1], $0xffff;
	v30 =	vadd.f32 v31, v30;
	v31 =	vmax.f32 v32, $0.0e+00;
	v29 =	vadd.f32 v29, v50  }
0x1d2: {  	v41 =	vadd.f32 v61, v41;
	v26 =	vadd.f32 v28, v26;
	v28 =	vmul.f32 v31, v17  }
0x1d3: {  	v35 =	vadd.f32 v56, v35;
	v52 =	vmul.f32 v6, v33;
	v29 =	vmax.f32 v29, $0.0e+00  }
0x1d4: {  	v31 =	vmax.f32 v41, $0.0e+00;
	v26 =	vadd.f32 v26, v28;
	v28 =	vmul.f32 v29, v18  }
0x1d5: {  	v29 =	vadd.f32 v30, v52;
	v30 =	vmul.f32 v31, v8;
	v31 =	vmax.f32 v53, $0.0e+00  }
0x1d6: {  	v56 =	vshll.u32 v51, $0x10;
	v26 =	vadd.f32 v28, v26;
	v28 =	vmul.f32 v31, v19  }
0x1d7: {  	v54 =	vld.idx.msk [tilespmem:v3+s31+$0x4040 ss:$0x1], $0xffff;
	v29 =	vadd.f32 v30, v29;
	v30 =	vmax.f32 v35, $0.0e+00;
	v31 =	vadd.f32 v56, v42  }
0x1d8: {  	(xrf2) =	vadd.scan.msk.f32 $0xffff, v27;
	v27 =	vmul.f32 v7, v30  }
0x1d9: {  	v30 =	vadd.f32 v51, v39;
	v57 =	vadd.f32 v26, v28;
	v26 =	vmax.f32 v31, $0.0e+00  }
0x1da: {  	v27 =	vadd.f32 v29, v27;
	v26 =	vmul.f32 v26, v10  }
0x1db: {  	v29 =	vmax.f32 v30, $0.0e+00  }
0x1dc: {  	v28 =	vshll.u32 v54, $0x10;
	v29 =	vmul.f32 v9, v29;
	v26 =	vadd.f32 v26, v27  }
0x1dd: {  	v28 =	vadd.f32 v28, v44  }
0x1de: {  	v55 =	vld.idx.msk [tilespmem:v3+s31+$0x4050 ss:$0x1], $0xffff;
	v26 =	vadd.f32 v26, v29  }
0x1df: {  	v28 =	vmax.f32 v28, $0.0e+00  }
0x1e0: {  	v28 =	vmul.f32 v28, v12  }
0x1e1: {  	v58 =	vld.idx.msk [tilespmem:v3+s31+$0x4060 ss:$0x1], $0xffff  }
0x1e2: {  	v59 =	vld.idx.msk [tilespmem:v3+s31+$0x4070 ss:$0x1], $0xffff;
	v31 =	vadd.f32 v54, v38;
	v61 =	vadd.f32 v28, v26;
	v26, _, _ =	vpop (xrf2);
	(xrf2) =	vadd.scan.msk.f32 $0xffff, v57  }
0x1e3: {  	v30 =	vshll.u32 v55, $0x10  }
0x1e4: {  	v30 =	vadd.f32 v30, v37;
	v27 =	vmax.f32 v31, $0.0e+00;
	v31 =	vadd.f32 v55, v43  }
0x1e5: {  	vm0 =	vmmov vm0;
	v60 =	vmul.f32 v11, v27  }
0x1e6: {  	v27 =	vmax.f32 v30, $0.0e+00;
	v30 =	vshll.u32 v58, $0x10;
	v29 =	vmax.f32 v31, $0.0e+00  }
0x1e7: {  	v62 =	vadd.f32 v30, v63;
	v31 =	vadd.f32 v58, v40;
	v63 =	vshll.u32 v59, $0x10  }
0x1e8: {  	s10 =	simm.s32 $0x180;
	v27 =	vmul.f32 v27, v14;
	v30 =	vadd.f32 v59, v46;
	v32 =	vadd.f32 v63, v50  }
0x1e9: {  	s11 =	simm.s32 $0x800;
	v28 =	vmul.f32 v13, v29;
	v29 =	vld.idx.msk [tilespmem:v5+s10+$0x4000 ss:$0x1], $0xffff;
	v34 =	vmax.f32 v62, $0.0e+00;
	v33 =	vadd.f32 v61, v60  }
.LBB2_8:
0x1ea: {  	v34 =	vmul.f32 v34, v16;
	v31 =	vmax.f32 v31, $0.0e+00  }
0x1eb: {  	p0 =	sne.s32 s11, $0x1E00;
	v35 =	vld.idx.msk [tilespmem:v4+s10+$0x4000 ss:$0x1], $0xffff;
	v30 =	vmax.f32 v30, $0.0e+00;
	vm2 =	vmmov vm0;
	vm0 =	vmmov vm1  }
0x1ec: {  	s16 =	sadd.s32 $0x1, s16;
	v36 =	vld.idx.msk [tilespmem:v3+s10+$0x4000 ss:$0x1], $0xffff;
	v27 =	vadd.f32 v27, v33;
	v37 =	vmul.f32 v17, v31;
	v31 =	vmax.f32 v32, $0.0e+00;
	v32, _, _ =	vpop (xrf2)  }
0x1ed: {  	v33 =	vmov s16;
	v38 =	vld.idx.msk [tilespmem:v3+s10+$0x4010 ss:$0x1], $0xffff;
	v31 =	vmul.f32 v31, v18;
	v32 =	vbroadcast v32, $0xF  }
0x1ee: {  	v25 =	vadd.f32 v24, v25;
	vm1 =	veq.s32 v33, v0;
	v39 =	vld.idx.msk [tilespmem:v5+s10+$0x4010 ss:$0x1], $0xffff;
	v27 =	vadd.f32 v27, v28  }
0x1ef: {  	v26 =	vbroadcast v26, $0xF;
	v28 =	vmul.f32 v19, v30;
	v40 =	vld.idx.msk [tilespmem:v4+s10+$0x4010 ss:$0x1], $0xffff;
	v22 =	vsel vm1, v32, v22;
	v24 =	vmovc v31  }
0x1f0: {  	v25 =	vadd.f32 v25, v23;
	v31 =	vld.idx.msk [tilespmem:v3+s10+$0x4020 ss:$0x1], $0xffff;
	v30 =	vadd.f32 v34, v27  }
0x1f1: {  	v2 =	vsel vm2, v26, v2;
	v32 =	vshll.u32 v29, $0x10;
	v33 =	vshll.u32 v35, $0x10;
	v23 =	vmovc v28;
	v27 =	vld.idx.msk [tilespmem:v3+s10+$0x4030 ss:$0x1], $0xffff  }
0x1f2: {  	v26 =	vshll.u32 v36, $0x10;
	v28 =	vadd.f32 v36, v29;
	v34 =	vadd.f32 v33, v32;
	v33 =	vld.idx.msk [tilespmem:v5+s10+$0x4020 ss:$0x1], $0xffff;
	(xrf2) =	vadd.scan.msk.f32 $0xffff, v25  }
0x1f3: {  	v26 =	vadd.f32 v26, v32;
	v36 =	vshll.u32 v38, $0x10;
	v25 =	vadd.f32 v30, v37;
	v41 =	vld.idx.msk [tilespmem:v4+s10+$0x4020 ss:$0x1], $0xffff  }
0x1f4: {  	v29 =	vadd.f32 v35, v29;
	v37 =	vmax.f32 v28, $0.0e+00;
	v28 =	vmax.f32 v34, $0.0e+00;
	v32 =	vld.idx.msk [tilespmem:v3+s10+$0x4040 ss:$0x1], $0xffff  }
0x1f5: {  	v35 =	vshll.u32 v39, $0x10;
	v30 =	vmul.f32 v28, v21;
	v34 =	vshll.u32 v40, $0x10;
	v28 =	vld.idx.msk [tilespmem:v3+s10+$0x4050 ss:$0x1], $0xffff  }
0x1f6: {  	v29 =	vmax.f32 v29, $0.0e+00;
	v26 =	vmax.f32 v26, $0.0e+00;
	v42 =	vadd.f32 v34, v35;
	v34 =	vld.idx.msk [tilespmem:v5+s10+$0x4030 ss:$0x1], $0xffff  }
0x1f7: {  	v43 =	vmul.f32 v29, v20;
	v26 =	vmul.f32 v26, v21;
	v30 =	vadd.f32 v30, v1;
	v44 =	vld.idx.msk [tilespmem:v4+s10+$0x4030 ss:$0x1], $0xffff  }
0x1f8: {  	v40 =	vadd.f32 v40, v39;
	v42 =	vmax.f32 v42, $0.0e+00;
	v45 =	vshll.u32 v33, $0x10;
	v29 =	vld.idx.msk [tilespmem:v3+s10+$0x4060 ss:$0x1], $0xffff  }
0x1f9: {  	v43 =	vadd.f32 v30, v43;
	v42 =	vmul.f32 v42, v15;
	v46 =	vshll.u32 v41, $0x10;
	v30 =	vld.idx.msk [tilespmem:v3+s10+$0x4070 ss:$0x1], $0xffff  }
0x1fa: {  	v35 =	vadd.f32 v36, v35;
	v36 =	vmax.f32 v40, $0.0e+00;
	v40 =	vadd.f32 v46, v45;
	v46 =	vld.idx.msk [tilespmem:v5+s10+$0x4040 ss:$0x1], $0xffff  }
0x1fb: {  	v47 =	vadd.f32 v26, v1;
	v36 =	vmul.f32 v36, v6;
	v42 =	vadd.f32 v42, v43;
	v43 =	vld.idx.msk [tilespmem:v4+s10+$0x4040 ss:$0x1], $0xffff  }
0x1fc: {  	v41 =	vadd.f32 v41, v33;
	v40 =	vmax.f32 v40, $0.0e+00;
	v48 =	vshll.u32 v34, $0x10;
	v26, _, _ =	vpop (xrf2)  }
0x1fd: {  	v36 =	vadd.f32 v42, v36;
	v40 =	vmul.f32 v40, v8;
	v42 =	vshll.u32 v44, $0x10  }
0x1fe: {  	v37 =	vmul.f32 v20, v37;
	v41 =	vmax.f32 v41, $0.0e+00;
	v42 =	vadd.f32 v42, v48;
	v49 =	vld.idx.msk [tilespmem:v5+s10+$0x4050 ss:$0x1], $0xffff  }
0x1ff: {  	v35 =	vmax.f32 v35, $0.0e+00;
	v36 =	vadd.f32 v40, v36;
	v40 =	vmul.f32 v41, v7;
	v41 =	vld.idx.msk [tilespmem:v4+s10+$0x4050 ss:$0x1], $0xffff  }
0x200: {  	v44 =	vadd.f32 v44, v34;
	v42 =	vmax.f32 v42, $0.0e+00;
	v50 =	vshll.u32 v46, $0x10  }
0x201: {  	v36 =	vadd.f32 v36, v40;
	v40 =	vmul.f32 v42, v10;
	v42 =	vshll.u32 v43, $0x10  }
0x202: {  	v38 =	vadd.f32 v38, v39;
	v39 =	vmax.f32 v44, $0.0e+00;
	v42 =	vadd.f32 v42, v50;
	v44 =	vld.idx.msk [tilespmem:v5+s10+$0x4060 ss:$0x1], $0xffff  }
0x203: {  	v37 =	vadd.f32 v47, v37;
	v39 =	vmul.f32 v39, v9;
	v36 =	vadd.f32 v40, v36;
	v40 =	vld.idx.msk [tilespmem:v4+s10+$0x4060 ss:$0x1], $0xffff  }
0x204: {  	v43 =	vadd.f32 v43, v46;
	v42 =	vmax.f32 v42, $0.0e+00;
	v47 =	vshll.u32 v49, $0x10  }
0x205: {  	v36 =	vadd.f32 v36, v39;
	v39 =	vmul.f32 v42, v12;
	v42 =	vshll.u32 v41, $0x10  }
0x206: {  	v35 =	vmul.f32 v35, v15;
	v43 =	vmax.f32 v43, $0.0e+00;
	v42 =	vadd.f32 v42, v47;
	v51 =	vld.idx.msk [tilespmem:v5+s10+$0x4070 ss:$0x1], $0xffff  }
0x207: {  	v52 =	vshll.u32 v31, $0x10;
	v36 =	vadd.f32 v39, v36;
	v39 =	vmul.f32 v43, v11;
	v43 =	vld.idx.msk [tilespmem:v4+s10+$0x4070 ss:$0x1], $0xffff  }
0x208: {  	v41 =	vadd.f32 v41, v49;
	v42 =	vmax.f32 v42, $0.0e+00;
	v53 =	vshll.u32 v44, $0x10  }
0x209: {  	v36 =	vadd.f32 v36, v39;
	v39 =	vmul.f32 v42, v14;
	v42 =	vshll.u32 v40, $0x10  }
0x20a: {  	v38 =	vmax.f32 v38, $0.0e+00;
	v41 =	vmax.f32 v41, $0.0e+00;
	v42 =	vadd.f32 v42, v53  }
0x20b: {  	v45 =	vadd.f32 v52, v45;
	v36 =	vadd.f32 v39, v36;
	v39 =	vmul.f32 v41, v13  }
0x20c: {  	v40 =	vadd.f32 v40, v44;
	v41 =	vmax.f32 v42, $0.0e+00;
	v42 =	vshll.u32 v51, $0x10  }
0x20d: {  	v36 =	vadd.f32 v36, v39;
	v39 =	vmul.f32 v41, v16;
	v41 =	vshll.u32 v43, $0x10  }
0x20e: {  	v35 =	vadd.f32 v35, v37;
	v37 =	vmax.f32 v40, $0.0e+00;
	v40 =	vadd.f32 v41, v42  }
0x20f: {  	v38 =	vmul.f32 v6, v38;
	v37 =	vmul.f32 v37, v17;
	v36 =	vadd.f32 v39, v36  }
0x210: {  	v41 =	vadd.f32 v43, v51;
	v39 =	vmax.f32 v45, $0.0e+00;
	v40 =	vmax.f32 v40, $0.0e+00  }
0x211: {  	v31 =	vadd.f32 v31, v33;
	v33 =	vadd.f32 v36, v37;
	v36 =	vmul.f32 v40, v18  }
0x212: {  	v35 =	vadd.f32 v35, v38;
	v38 =	vmax.f32 v41, $0.0e+00;
	v37 =	vmul.f32 v39, v8  }
0x213: {  	v39 =	vshll.u32 v27, $0x10;
	v33 =	vadd.f32 v36, v33;
	v36 =	vmul.f32 v38, v19  }
0x214: {  	v31 =	vmax.f32 v31, $0.0e+00;
	v35 =	vadd.f32 v37, v35;
	v37 =	vadd.f32 v39, v48  }
0x215: {  	v31 =	vmul.f32 v7, v31;
	v27 =	vadd.f32 v27, v34;
	v33 =	vadd.f32 v33, v36  }
0x216: {  	v34 =	vmax.f32 v37, $0.0e+00;
	v36 =	vshll.u32 v32, $0x10;
	v32 =	vadd.f32 v32, v46  }
0x217: {  	v27 =	vmax.f32 v27, $0.0e+00;
	v31 =	vadd.f32 v35, v31;
	v34 =	vmul.f32 v34, v10;
	(xrf2) =	vadd.scan.msk.f32 $0xffff, v33  }
0x218: {  	v27 =	vmul.f32 v9, v27;
	v35 =	vshll.u32 v28, $0x10;
	v33 =	vadd.f32 v36, v50  }
0x219: {  	v32 =	vmax.f32 v32, $0.0e+00;
	v31 =	vadd.f32 v34, v31;
	v34 =	vadd.f32 v35, v47  }
0x21a: {  	v28 =	vadd.f32 v28, v49;
	v32 =	vmul.f32 v11, v32;
	v33 =	vmax.f32 v33, $0.0e+00  }
.Ltmp2:
0x21b: {  	v31 =	vadd.f32 v31, v27;
	v27 =	vmax.f32 v34, $0.0e+00;
	v33 =	vmul.f32 v33, v12;
	(pc) =	sbr.rel @p0 .LBB2_8-.Ltmp2, $4  }
0x21c: {  	v28 =	vmax.f32 v28, $0.0e+00;
	v34 =	vshll.u32 v29, $0x10;
	v27 =	vmul.f32 v27, v14  }
0x21d: {  	v28 =	vmul.f32 v13, v28;
	v34 =	vadd.f32 v34, v53;
	v33 =	vadd.f32 v33, v31  }
0x21e: {  	s10 =	sshra.s32 s11, $0x2;
	v35 =	vshll.u32 v30, $0x10;
	v30 =	vadd.f32 v30, v51;
	v31 =	vadd.f32 v29, v44  }
0x21f: {  	s11 =	sadd.s32 $0x200, s11;
	v34 =	vmax.f32 v34, $0.0e+00;
	v33 =	vadd.f32 v33, v32;
	v32 =	vadd.f32 v35, v42;
	v29 =	vld.idx.msk [tilespmem:v5+s10+$0x4000 ss:$0x1], $0xffff  }
0x220: {  	_ =	sdelay $0x3  }
0x221: {  	v35 =	vld.idx.msk [tilespmem:v4+s10+$0x4000 ss:$0x1], $0xffff  }
0x222: {  	v36 =	vld.idx.msk [tilespmem:v3+s10+$0x4000 ss:$0x1], $0xffff  }
0x223: {  	v37 =	vld.idx.msk [tilespmem:v3+s10+$0x4010 ss:$0x1], $0xffff  }
0x224: {  	v63 =	vld.idx.msk [tilespmem:v4+s10+$0x4010 ss:$0x1], $0xffff  }
0x225: {  	v39 =	vld.idx.msk [tilespmem:v5+s10+$0x4020 ss:$0x1], $0xffff  }
0x226: {  	v34 =	vmul.f32 v34, v16;
	v31 =	vmax.f32 v31, $0.0e+00;
	v40 =	vld.idx.msk [tilespmem:v4+s10+$0x4020 ss:$0x1], $0xffff;
	v33 =	vadd.f32 v27, v33  }
0x227: {  	v30 =	vmax.f32 v30, $0.0e+00;
	v25 =	vadd.f32 v24, v25;
	v41 =	vld.idx.msk [tilespmem:v5+s10+$0x4030 ss:$0x1], $0xffff;
	v31 =	vmul.f32 v17, v31  }
0x228: {  	v42 =	vld.idx.msk [tilespmem:v4+s10+$0x4030 ss:$0x1], $0xffff;
	v62 =	vmax.f32 v32, $0.0e+00;
	v24 =	vmul.f32 v19, v30;
	v28 =	vadd.f32 v33, v28  }
0x229: {  	v27 =	vmul.f32 v62, v18;
	v45 =	vshll.u32 v29, $0x10;
	v38 =	vshll.u32 v35, $0x10  }
0x22a: {  	v32 =	vld.idx.msk [tilespmem:v5+s10+$0x4010 ss:$0x1], $0xffff;
	v28 =	vadd.f32 v34, v28;
	v46 =	vshll.u32 v36, $0x10;
	v36 =	vadd.f32 v36, v29  }
0x22b: {  	v47 =	vshll.u32 v37, $0x10;
	v49 =	vadd.f32 v35, v29;
	v51 =	vshll.u32 v63, $0x10  }
0x22c: {  	v43 =	vshll.u32 v39, $0x10;
	v53 =	vshll.u32 v40, $0x10;
	v38 =	vadd.f32 v38, v45  }
0x22d: {  	v58 =	vadd.f32 v40, v39;
	v40 =	vshll.u32 v41, $0x10;
	v60 =	vshll.u32 v42, $0x10  }
0x22e: {  	v42 =	vadd.f32 v42, v41;
	v30 =	vadd.f32 v46, v45;
	v48 =	vmax.f32 v38, $0.0e+00  }
0x22f: {  	v57 =	vld.idx.msk [tilespmem:v4+s10+$0x4040 ss:$0x1], $0xffff;
	v50 =	vshll.u32 v32, $0x10;
	v28 =	vadd.f32 v28, v31;
	v31 =	vmul.f32 v48, v21  }
0x230: {  	v33 =	vadd.f32 v63, v32;
	v29 =	vmax.f32 v49, $0.0e+00;
	v38 =	vadd.f32 v51, v50  }
0x231: {  	v56 =	vadd.f32 v53, v43;
	v29 =	vmul.f32 v29, v20;
	v31 =	vadd.f32 v31, v1  }
0x232: {  	v32 =	vadd.f32 v37, v32;
	v36 =	vmax.f32 v36, $0.0e+00;
	v38 =	vmax.f32 v38, $0.0e+00  }
0x233: {  	v34 =	vadd.f32 v47, v50;
	v52 =	vmul.f32 v38, v15;
	v29 =	vadd.f32 v31, v29  }
0x234: {  	v47 =	vshll.u32 v57, $0x10;
	v30 =	vmax.f32 v30, $0.0e+00;
	v55 =	vmax.f32 v33, $0.0e+00  }
0x235: {  	v35 =	vld.idx.msk [tilespmem:v5+s10+$0x4040 ss:$0x1], $0xffff;
	v54 =	vmul.f32 v30, v21;
	v30 =	vmul.f32 v55, v6;
	v29 =	vadd.f32 v52, v29  }
0x236: {  	v63 =	vld.idx.msk [tilespmem:v4+s10+$0x4050 ss:$0x1], $0xffff;
	v42 =	vmax.f32 v42, $0.0e+00;
	v33 =	vmax.f32 v56, $0.0e+00;
	v61 =	vmul.f32 v20, v36  }
0x237: {  	v32 =	vmax.f32 v32, $0.0e+00;
	v59 =	vmul.f32 v33, v8;
	v29 =	vadd.f32 v29, v30  }
0x238: {  	v36 =	vld.idx.msk [tilespmem:v5+s10+$0x4050 ss:$0x1], $0xffff;
	v33 =	vadd.f32 v60, v40;
	v34 =	vmax.f32 v34, $0.0e+00;
	v38 =	vmax.f32 v58, $0.0e+00  }
0x239: {  	v48 =	vmul.f32 v42, v9;
	v62 =	vmul.f32 v38, v7;
	v29 =	vadd.f32 v59, v29  }
0x23a: {  	v37 =	vld.idx.msk [tilespmem:v5+s10+$0x4060 ss:$0x1], $0xffff;
	v44 =	vshll.u32 v35, $0x10;
	v21 =	vadd.f32 v54, v1;
	v33 =	vmax.f32 v33, $0.0e+00  }
0x23b: {  	v51 =	vshll.u32 v63, $0x10;
	v46 =	vmul.f32 v33, v10;
	v29 =	vadd.f32 v29, v62  }
0x23c: {  	v54 =	vmul.f32 v34, v15;
	v33 =	vadd.f32 v47, v44;
	v31 =	vadd.f32 v57, v35;
	v57 =	vld.idx.msk [tilespmem:v3+s10+$0x4030 ss:$0x1], $0xffff  }
0x23d: {  	v45 =	vshll.u32 v36, $0x10;
	v20 =	vadd.f32 v21, v61;
	v29 =	vadd.f32 v46, v29;
	v46 =	vld.idx.msk [tilespmem:v3+s10+$0x4020 ss:$0x1], $0xffff  }
0x23e: {  	v56 =	vadd.f32 v63, v36;
	v63 =	vld.idx.msk [tilespmem:v3+s10+$0x4040 ss:$0x1], $0xffff;
	v33 =	vmax.f32 v33, $0.0e+00;
	v53 =	vadd.f32 v51, v45  }
0x23f: {  	v49 =	vld.idx.msk [tilespmem:v4+s10+$0x4060 ss:$0x1], $0xffff;
	v50 =	vmul.f32 v33, v12;
	v52 =	vmax.f32 v31, $0.0e+00;
	v33 =	vshll.u32 v37, $0x10  }
0x240: {  	v31 =	vmax.f32 v56, $0.0e+00;
	v21 =	vmul.f32 v52, v11;
	v55 =	vmax.f32 v53, $0.0e+00  }
0x241: {  	v15 =	vadd.f32 v54, v20;
	v61 =	vmul.f32 v31, v13;
	v58 =	vmul.f32 v55, v14  }
0x242: {  	v47 =	vshll.u32 v57, $0x10;
	v53 =	vadd.f32 v57, v41;
	v60 =	vshll.u32 v46, $0x10  }
0x243: {  	v54 =	vshll.u32 v63, $0x10;
	v20 =	vadd.f32 v63, v35;
	v38 =	vadd.f32 v60, v43  }
0x244: {  	v52 =	vld.idx.msk [tilespmem:v3+s10+$0x4050 ss:$0x1], $0xffff;
	v59 =	vshll.u32 v49, $0x10;
	v49 =	vadd.f32 v49, v37;
	v62 =	vmul.f32 v6, v32  }
0x245: {  	v29 =	vadd.f32 v29, v48;
	v43 =	vadd.f32 v46, v39;
	v38 =	vmax.f32 v38, $0.0e+00  }
0x246: {  	v30 =	vadd.f32 v59, v33;
	v6 =	vadd.f32 v15, v62;
	v46 =	vmul.f32 v38, v8  }
0x247: {  	v15 =	vadd.f32 v47, v40;
	v29 =	vadd.f32 v50, v29;
	v32 =	vmax.f32 v43, $0.0e+00  }
0x248: {  	v57 =	vmax.f32 v53, $0.0e+00;
	v51 =	vmul.f32 v7, v32;
	v6 =	vadd.f32 v46, v6  }
0x249: {  	v63 =	vshll.u32 v52, $0x10;
	v15 =	vmax.f32 v15, $0.0e+00;
	v21 =	vadd.f32 v29, v21  }
0x24a: {  	v35 =	vadd.f32 v63, v45;
	v55 =	vmul.f32 v15, v10;
	v6 =	vadd.f32 v6, v51  }
0x24b: {  	v5 =	vld.idx.msk [tilespmem:v5+s10+$0x4070 ss:$0x1], $0xffff;
	v30 =	vmax.f32 v30, $0.0e+00;
	v21 =	vadd.f32 v58, v21;
	v58 =	vadd.f32 v54, v44  }
0x24c: {  	v56 =	vmul.f32 v30, v16;
	v48 =	vld.idx.msk [tilespmem:v4+s10+$0x4070 ss:$0x1], $0xffff;
	v60 =	vmul.f32 v9, v57;
	v6 =	vadd.f32 v55, v6  }
0x24d: {  	v62 =	vmax.f32 v49, $0.0e+00;
	v21 =	vadd.f32 v21, v61;
	v61 =	vld.idx.msk [tilespmem:v3+s10+$0x4060 ss:$0x1], $0xffff;
	v29 =	vmax.f32 v58, $0.0e+00  }
0x24e: {  	v41 =	vmax.f32 v35, $0.0e+00;
	v32 =	vmul.f32 v29, v12;
	v6 =	vadd.f32 v6, v60  }
0x24f: {  	v20 =	vmax.f32 v20, $0.0e+00;
	v40 =	vmul.f32 v62, v17;
	v42 =	vmul.f32 v41, v14  }
0x250: {  	v50 =	vshll.u32 v5, $0x10;
	v39 =	vmul.f32 v11, v20;
	v6 =	vadd.f32 v32, v6  }
0x251: {  	v59 =	vshll.u32 v48, $0x10;
	v4 =	vadd.f32 v48, v5;
	v8 =	vadd.f32 v52, v36;
	v3 =	vld.idx.msk [tilespmem:v3+s10+$0x4070 ss:$0x1], $0xffff  }
0x252: {  	v34 =	vadd.f32 v59, v50;
	v43 =	vshll.u32 v61, $0x10;
	v6 =	vadd.f32 v6, v39  }
0x253: {  	v8 =	vmax.f32 v8, $0.0e+00;
	v10 =	vadd.f32 v56, v21;
	v45 =	vadd.f32 v43, v33  }
0x254: {  	v4 =	vmax.f32 v4, $0.0e+00;
	v8 =	vmul.f32 v13, v8;
	v6 =	vadd.f32 v42, v6  }
0x255: {  	v9 =	vadd.f32 v10, v40;
	v7 =	vadd.f32 v61, v37;
	v46 =	vmax.f32 v45, $0.0e+00  }
0x256: {  	v47 =	vshll.u32 v3, $0x10;
	v10 =	vmul.f32 v46, v16;
	v6 =	vadd.f32 v6, v8  }
0x257: {  	v44 =	vmax.f32 v34, $0.0e+00;
	v49 =	vadd.f32 v47, v50;
	v7 =	vmax.f32 v7, $0.0e+00  }
0x258: {  	v48 =	vmul.f32 v44, v18;
	v7 =	vmul.f32 v17, v7;
	v6 =	vadd.f32 v10, v6  }
0x259: {  	v4 =	vmul.f32 v4, v19;
	v3 =	vadd.f32 v3, v5;
	v50 =	vmax.f32 v49, $0.0e+00  }
0x25a: {  	v5 =	vmul.f32 v50, v18;
	v8 =	vadd.f32 v48, v9;
	v6 =	vadd.f32 v6, v7  }
0x25b: {  	v52 =	vadd.f32 v27, v28;
	v51 =	vadd.f32 v25, v23;
	v3 =	vmax.f32 v3, $0.0e+00  }
0x25c: {  	v3 =	vmul.f32 v19, v3;
	v4 =	vadd.f32 v8, v4;
	v5 =	vadd.f32 v5, v6  }
0x25d: {  	v53 =	vadd.f32 v52, v24;
	(xrf2) =	vadd.scan.msk.f32 $0xffff, v51  }
0x25e: {  	(xrf2) =	vadd.scan.msk.f32 $0xffff, v4;
	v3 =	vadd.f32 v5, v3  }
0x25f: {  	(xrf2) =	vadd.scan.msk.f32 $0xffff, v53  }
0x260: {  	(xrf2) =	vadd.scan.msk.f32 $0xffff, v3;
	_ =	sdelay $0x3  }
0x261: {  	s17 =	sadd.s32 $0x1, s16  }
0x262: {  	v56 =	vmov s17  }
0x263: {  	vm1 =	vmmov vm1;
	v54 =	vbroadcast v26, $0xF;
	vm2 =	veq.s32 v56, v0;
	v3, _, _ =	vpop (xrf2)  }
0x264: {  	vm0 =	vmmov vm0;
	vm11 =	vmmov vm1;
	s10 =	sadd.s32 $0x1, s17;
	vm12 =	vmmov vm2;
	v55, _, _ =	vpop (xrf2)  }
0x265: {  	s31 =	sshll.u32 s22, $0x4;
	s22 =	sadd.s32 $0x1, s22;
	v2 =	vsel vm0, v54, v2;
	vm13 =	vmmov vm12;
	v60 =	vmov s10;
	v57, _, _ =	vpop (xrf2)  }
0x266: {  	p0 =	sne.s32 s22, $0x8;
	vm3 =	veq.s32 v60, v0;
	v3 =	vbroadcast v3, $0xF;
	v58 =	vbroadcast v55, $0xF;
	v59, _, _ =	vpop (xrf2)  }
.Ltmp3:
0x267: {  	vm14 =	vmmov vm3;
	v63 =	vbroadcast v57, $0xF;
	v61 =	vbroadcast v59, $0xF;
	v62, _, _ =	vpop (xrf2);
	(pc) =	sbr.rel @p0 .LBB2_7-.Ltmp3, $4  }
0x268: {  	v3 =	vsel vm2, v3, v22;
	v2 =	vsel vm11, v58, v2;
	v5 =	vbroadcast v62, $0xF  }
0x269: {  	vm15 =	vmmov vm14;
	v3 =	vsel vm3, v63, v3;
	v2 =	vsel vm13, v61, v2  }
0x26a: {  	[tilespmem:s31+$0x1D180] =	vst v3;
	v2 =	vsel vm15, v5, v2  }
0x26b: {  	s15 =	sadd.s32 $0x800, s15;
	s20 =	sadd.s32 $0x800, s20;
	s21 =	sadd.s32 $0x800, s21;
	[tilespmem:s31+$0x1D100] =	vst v2  }
0x26c: {  	s0 =	sadd.s32 s9, s0  }
0x26d: {  	s0 =	sshrl.u32 s0, $0x3  }
0x26e: {  	s2 =	sadd.s32 s6, s0  }
0x26f: {  	[hbm4b:s2+s3] =	stream.linear.scatter [tilespmem:s26], [sflag:$0x3], $0x80, $0x38;
	[tilespmem:$0x1D380] =	vst v63  }
0x270: {  	s1 =	sadd.s32 $0x1, s1;
	_ =	swait.ge [sflag:s28], $0x80  }
0x271: {  	p0 =	sne.s32 s1, s13;
	[sflag:s28] =	ssyncset.done $0x0  }
.Ltmp4:
0x272: {  	s0 =	sadd.s32 s7, s0;
	[sflag:s28] =	ssyncadd.s32 $0xFFFFFF80;
	(pc) =	sbr.rel @p0 .LBB2_2-.Ltmp4, $4  }
0x273: {  	[hbm4b:s0+s3] =	stream.linear.scatter [tilespmem:s29], [sflag:$0x3], $0x80, $0x38;
	[tilespmem:$0x1D380] =	vst v63  }
0x274: {  	_ =	swait.ge [sflag:s28], $0x80  }
0x275: {  	[sflag:s28] =	ssyncset.done $0x0  }
0x276: {  	[sflag:s28] =	ssyncadd.s32 $0xFFFFFF80  }
0x277: {  	s1 =	rddreg [dreg:$0x7]  }
0x278: {  	s0 =	rddreg [dreg:$0x6];
	s1 =	sadd.s32 $0x1, s1  }
0x279: {  	p0 =	sne.s32 s1, s0  }
.Ltmp5:
0x27a: {  	_ = 	snop;
	(pc) =	sbr.rel @p0 .LBB2_1-.Ltmp5, $1  }
0x27b: {  	_ =	sdelay $0x3  }
0x27c: {  	_ =	sfence.sel $0x180000  }
0x27d: {  	[bflag:$0x0] =	sbarrier.arrive $0xFFFF  }
0x27e: {  	_ =	strace $0x90000047  }
0x27f: {  	s0 =	stileid.u32;
	[bflag:$0x2] =	sbarrier.arrive $0xFFFF  }
0x280: {  	p0 =	sne.s32 s0, $0x0;
	s0 =	rddreg [dreg:$0x2]  }
0x281: {  	s0 =	sadd.s32 @!p0 $0x100000, s0  }
0x282: {  	[sflag:s0] =	ssyncadd.tile.s32 @!p0 $0x1;
	_ =	shalt  }
.Lfunc_end2:
_tile_overlayer_lowered:
.L_overlay_start_2:
0x283: {  	(tag) =	ssettag $0x2  }
0x284: {  	s0 =	rddreg [dreg:$0x0];
	s2 =	stileid.u32  }
0x285: {  	s1 =	rddreg [dreg:$0x1];
	p0 =	sne.s32 s2, $0x0  }
0x286: {  	s3 =	rddreg [dreg:$0x2];
	[bflag:$0x3] =	sbarrier.arrive $0xFFFF;
	s2 =	simm.s32 @!p0 $0x1C03  }
0x287: {  	[timem:s3], [sflag:s2] =	dma.local @!p0 [hbm:s0], s1  }
0x288: {  	s0 =	simm.s32 @!p0 $0x3  }
0x289: {  	_ =	swait.ge @!p0 [sflag:s0], s1  }
0x28a: {  	s1 =	ssub.s32 @!p0 $0x0, s1;
	[sflag:s0] =	ssyncset.done @!p0 $0x0  }
0x28b: {  	[sflag:s0] =	ssyncadd.s32 @!p0 s1  }
0x28c: {  	[bflag:$0x3] =	sbarrier.arrive $0xFFFF  }
0x28d: {  	_ =	shalt  }

</sc_bundles>
